<compile_context>
chip_gen: v7x
topology: tpu7x:2x2x1
jax: 0.10.2.dev20260603
libtpu: 0.0.44.dev20260713+nightly
codegen_flags: <defaults>
</compile_context>

<pallas_src>
import functools

import jax
import jax.numpy as jnp
from jax import lax
from jax.experimental import pallas as pl
from jax.experimental.pallas import tpu as pltpu
from jax.experimental.pallas import tpu_sc as plsc

N = 10000
D = 128
D2 = D // 2
E = 320000

NC = 2
NS = 16

CB = 128
NCH = 80
NCPS = 2 * NCH
EPAD = NS * NCPS * CB - E
NBUF = 4

NP = 10240
RT = NP // NS
DW = 16

_mesh = plsc.VectorSubcoreMesh(core_axis_name="c", subcore_axis_name="s")
_sc_params = pltpu.CompilerParams(use_tc_tiling_on_sc=False)



NSB = 4


@functools.partial(
    pl.kernel,
    mesh=_mesh,
    out_type=jax.ShapeDtypeStruct((NP, D), jnp.float32),
    compiler_params=_sc_params,
    scratch_types=[
        pltpu.VMEM((NCH, CB), jnp.int32),
        pltpu.VMEM((CB, DW), jnp.float32),
        pltpu.VMEM((CB, DW), jnp.float32),
        pltpu.VMEM_SHARED((NP, DW), jnp.float32),
        [pltpu.SemaphoreType.DMA] * NSB,
    ],
)
def _deg_kernel(dstr_hbm, ones_hbm, zeros_hbm, out_hbm,
                dst_v, ones_v, zbuf_v, acc_sh, ssems):
    cid = lax.axis_index("c")
    sid = lax.axis_index("s")
    pltpu.sync_copy(dstr_hbm.at[sid, pl.ds(cid * NCH, NCH)], dst_v)
    pltpu.sync_copy(ones_hbm, ones_v)
    pltpu.sync_copy(zeros_hbm, zbuf_v)
    for k in range(RT // CB):
        pltpu.sync_copy(zbuf_v, acc_sh.at[pl.ds(sid * RT + k * CB, CB)])
    plsc.subcore_barrier()

    def _scat(j, s):
        pltpu.async_copy(ones_v, acc_sh.at[dst_v.at[j]], ssems[s], add=True)

    def _wait(s):
        pltpu.make_async_copy(ones_v, acc_sh.at[dst_v.at[0]], ssems[s]).wait()

    for s in range(NSB):
        _scat(s, s)

    def body(g, carry):
        for s in range(NSB):
            _wait(s)
            _scat(g * NSB + s, s)
        return carry

    lax.fori_loop(1, NCH // NSB, body, 0)
    for s in range(NSB):
        _wait(s)
    plsc.subcore_barrier()
    for k in range(RT // CB):
        sl = pl.ds(sid * RT + k * CB, CB)
        pltpu.sync_copy(acc_sh.at[sl], out_hbm.at[sl, pl.ds(cid * DW, DW)])



@functools.partial(
    pl.kernel,
    mesh=_mesh,
    out_type=jax.ShapeDtypeStruct((NP, D), jnp.float32),
    compiler_params=_sc_params,
    scratch_types=[
        pltpu.VMEM((NCPS, CB), jnp.int32),
        pltpu.VMEM((NCPS, CB), jnp.int32),
        pltpu.VMEM((NBUF, CB, D2), jnp.float32),
        pltpu.VMEM((CB, D2), jnp.float32),
        pltpu.VMEM_SHARED((NP, D2), jnp.float32),
        [pltpu.SemaphoreType.DMA] * NBUF,
    ],
)
def _agg_kernel(p_hbm, srcr_hbm, dstr_hbm, zeros_hbm, out_hbm,
                src_v, dst_v, rows_v, zbuf_v, acc_sh, gsems):
    cid = lax.axis_index("c")
    sid = lax.axis_index("s")
    pltpu.sync_copy(srcr_hbm.at[cid].at[sid], src_v)
    pltpu.sync_copy(dstr_hbm.at[sid], dst_v)
    pltpu.sync_copy(zeros_hbm, zbuf_v)
    for k in range(RT // CB):
        pltpu.sync_copy(zbuf_v, acc_sh.at[pl.ds(sid * RT + k * CB, CB)])
    plsc.subcore_barrier()

    for b in range(NBUF):
        pltpu.async_copy(p_hbm.at[src_v.at[b]], rows_v.at[b], gsems[b])

    def _drain_one(j, b):
        pltpu.make_async_copy(p_hbm.at[src_v.at[j]], rows_v.at[b], gsems[b]).wait()
        pltpu.sync_copy(rows_v.at[b], acc_sh.at[dst_v.at[j]], add=True)

    def outer(g, carry):
        for b in range(NBUF):
            j = g * NBUF + b
            _drain_one(j, b)
            pltpu.async_copy(p_hbm.at[src_v.at[j + NBUF]], rows_v.at[b], gsems[b])
        return carry

    lax.fori_loop(0, NCPS // NBUF - 1, outer, 0)
    for b in range(NBUF):
        _drain_one(NCPS - NBUF + b, b)

    plsc.subcore_barrier()
    for k in range(RT // CB):
        sl = pl.ds(sid * RT + k * CB, CB)
        pltpu.sync_copy(acc_sh.at[sl], out_hbm.at[sl, pl.ds(cid * D2, D2)])



BR = 2000


def _dd_from_acc(dacc_ref):
    deg = dacc_ref[:, 0:1] + dacc_ref[:, DW:DW + 1] + 1.0
    return lax.rsqrt(deg)


def _pre_body(x_ref, w_ref, dacc_ref, o_ref):
    dd = _dd_from_acc(dacc_ref)
    h = jnp.dot(x_ref[...], w_ref[...], preferred_element_type=jnp.float32)
    o_ref[...] = h * dd


_pre = pl.pallas_call(
    _pre_body,
    grid=(N // BR,),
    in_specs=[
        pl.BlockSpec((BR, D), lambda i: (i, 0)),
        pl.BlockSpec((D, D), lambda i: (0, 0)),
        pl.BlockSpec((BR, D), lambda i: (i, 0)),
    ],
    out_specs=pl.BlockSpec((BR, D), lambda i: (i, 0)),
    out_shape=jax.ShapeDtypeStruct((N, D), jnp.float32),
)


def _mid_body(agg_ref, p_ref, dacc_ref, b_ref, w_ref, o_ref):
    dd = _dd_from_acc(dacc_ref)
    z = dd * (agg_ref[...] + p_ref[...]) + b_ref[...]
    h = jnp.maximum(z, 0.0)
    o_ref[...] = jnp.dot(h, w_ref[...], preferred_element_type=jnp.float32) * dd


_mid = pl.pallas_call(
    _mid_body,
    grid=(N // BR,),
    in_specs=[
        pl.BlockSpec((BR, D), lambda i: (i, 0)),
        pl.BlockSpec((BR, D), lambda i: (i, 0)),
        pl.BlockSpec((BR, D), lambda i: (i, 0)),
        pl.BlockSpec((1, D), lambda i: (0, 0)),
        pl.BlockSpec((D, D), lambda i: (0, 0)),
    ],
    out_specs=pl.BlockSpec((BR, D), lambda i: (i, 0)),
    out_shape=jax.ShapeDtypeStruct((N, D), jnp.float32),
)


def _post_body(agg_ref, p_ref, dacc_ref, b_ref, o_ref):
    dd = _dd_from_acc(dacc_ref)
    o_ref[...] = dd * (agg_ref[...] + p_ref[...]) + b_ref[...]


_post = pl.pallas_call(
    _post_body,
    grid=(N // BR,),
    in_specs=[
        pl.BlockSpec((BR, D), lambda i: (i, 0)),
        pl.BlockSpec((BR, D), lambda i: (i, 0)),
        pl.BlockSpec((BR, D), lambda i: (i, 0)),
        pl.BlockSpec((1, D), lambda i: (0, 0)),
    ],
    out_specs=pl.BlockSpec((BR, D), lambda i: (i, 0)),
    out_shape=jax.ShapeDtypeStruct((N, D), jnp.float32),
)



def kernel(x, edge_index, W1, b1, W2, b2):
    src = edge_index[0].astype(jnp.int32)
    dst = edge_index[1].astype(jnp.int32)
    pad_pos = jnp.arange(EPAD, dtype=jnp.int32)
    pad_src = (pad_pos * 97) % N
    pad_dst = N + pad_pos % (NP - N)
    srcp = jnp.concatenate([src, pad_src])
    src2_r = jnp.stack([2 * srcp, 2 * srcp + 1]).reshape(NC, NS, NCPS, CB)
    dst_r = jnp.concatenate([dst, pad_dst]).reshape(NS, NCPS, CB)

    ones_dw = jnp.ones((CB, DW), jnp.float32)
    zeros_dw = jnp.zeros((CB, DW), jnp.float32)
    zeros_d2 = jnp.zeros((CB, D2), jnp.float32)
    b1r = b1.reshape(1, D)
    b2r = b2.reshape(1, D)

    dacc = _deg_kernel(dst_r, ones_dw, zeros_dw)
    p1 = _pre(x, W1, dacc)
    agg1 = _agg_kernel(p1.reshape(2 * N, D2), src2_r, dst_r, zeros_d2)
    p2 = _mid(agg1, p1, dacc, b1r, W2)
    agg2 = _agg_kernel(p2.reshape(2 * N, D2), src2_r, dst_r, zeros_d2)
    return _post(agg2, p2, dacc, b2r)

# --- scband reference (transcript-rebuilt; emitter-appended) ---
"""Pipeline reference for scband-gcnencoder-20804821582421 (READ-ONLY COPY).

The authoritative reference and input builder live on the scoring server;
editing this copy changes nothing except your own understanding.
"""

import jax, jax.numpy as jnp
import numpy as np

N_NODES = 10000
D_FEAT = 128
N_EDGES = 320000


def setup_inputs(seed: int = 0) -> dict:
    key = jax.random.key(seed)
    k_x, k_ei, k_w1, k_b1, k_w2, k_b2 = jax.random.split(key, 6)
    x = jax.random.normal(k_x, (N_NODES, D_FEAT), dtype=jnp.float32)
    edge_index = jax.random.randint(k_ei, (2, N_EDGES), 0, N_NODES, dtype=jnp.int64)
    # GCNConv layer params (PyG default: glorot weight, zero bias)
    s1 = float(np.sqrt(6.0 / (D_FEAT + D_FEAT)))
    W1 = jax.random.uniform(k_w1, (D_FEAT, D_FEAT), minval=-s1, maxval=s1, dtype=jnp.float32)
    b1 = jnp.zeros((D_FEAT,), dtype=jnp.float32)
    W2 = jax.random.uniform(k_w2, (D_FEAT, D_FEAT), minval=-s1, maxval=s1, dtype=jnp.float32)
    b2 = jnp.zeros((D_FEAT,), dtype=jnp.float32)
    return {"x": x, "edge_index": edge_index, "W1": W1, "b1": b1, "W2": W2, "b2": b2}


def _gcn_conv(x, edge_index, W, b):
    # PyG GCNConv: add self-loops, symmetric normalization D^-1/2 (A+I) D^-1/2, then XW + b
    n = x.shape[0]
    self_loops = jnp.arange(n, dtype=edge_index.dtype)
    src = jnp.concatenate([edge_index[0], self_loops])
    dst = jnp.concatenate([edge_index[1], self_loops])
    h = x @ W
    ones = jnp.ones(src.shape[0], dtype=h.dtype)
    deg = jax.ops.segment_sum(ones, dst, num_segments=n)
    deg_inv_sqrt = jnp.where(deg > 0, jax.lax.rsqrt(jnp.maximum(deg, 1e-12)), 0.0)
    norm = deg_inv_sqrt[src] * deg_inv_sqrt[dst]
    msgs = h[src] * norm[:, None]
    out = jax.ops.segment_sum(msgs, dst, num_segments=n)
    return out + b


def reference(x, edge_index, W1, b1, W2, b2):
    h = jax.nn.relu(_gcn_conv(x, edge_index, W1, b1))
    out = _gcn_conv(h, edge_index, W2, b2)
    return out

if __name__ == "__main__":
    import jax
    _d = setup_inputs()
    print(jax.jit(kernel)(*tuple(_d.values())))

</pallas_src>

<mosaic_0001>
#map = affine_map<(d0, d1) -> (0, 0, 0)>
#map1 = affine_map<(d0, d1) -> (0, 0)>
module attributes {stable_mosaic.version = 14 : i64} {
  func.func @_deg_kernel(%arg0: i32, %arg1: i32, %arg2: memref<16x160x128xi32, #tpu.memory_space<hbm>>, %arg3: memref<128x16xf32, #tpu.memory_space<hbm>>, %arg4: memref<128x16xf32, #tpu.memory_space<hbm>>, %arg5: memref<10240x128xf32, #tpu.memory_space<hbm>>, %arg6: memref<80x128xi32, #tpu.memory_space<vmem>>, %arg7: memref<128x16xf32, #tpu.memory_space<vmem>>, %arg8: memref<128x16xf32, #tpu.memory_space<vmem>>, %arg9: memref<10240x16xf32, #tpu.memory_space<vmem_shared>>, %arg10: memref<!tpu.dma_semaphore, #tpu.memory_space<semaphore_mem>>, %arg11: memref<!tpu.dma_semaphore, #tpu.memory_space<semaphore_mem>>, %arg12: memref<!tpu.dma_semaphore, #tpu.memory_space<semaphore_mem>>, %arg13: memref<!tpu.dma_semaphore, #tpu.memory_space<semaphore_mem>>) attributes {dimension_semantics = [#tpu.dimension_semantics<core_parallel>, #tpu.dimension_semantics<subcore_parallel>], iteration_bounds = array<i64: 2, 16>, scalar_prefetch = 0 : i64, scratch_operands = 8 : i64, tpu.core_type = #tpu.core_type<sc_vector_subcore>, window_params = [{transform_indices = #map}, {transform_indices = #map1}, {transform_indices = #map1}, {transform_indices = #map1}]} {
    %mul3A = arith.constant 80 : i32
    %mul3A_0 = arith.muli %arg0, %mul3A : i32
    "tpu.region"() ({
      %run_scoped3A = tpu.sem_alloc : memref<!tpu.dma_semaphore, #tpu.memory_space<semaphore_mem>>
      %dma_start3A_110 = arith.constant 0 : i32
      %dma_start3A_111 = tpu.memref_slice %arg2[%arg1, %mul3A_0, %dma_start3A_110] : memref<16x160x128xi32, #tpu.memory_space<hbm>> -> memref<1x80x128xi32, #tpu.memory_space<hbm>>
      %dma_start3A_112 = tpu.memref_squeeze %dma_start3A_111 : memref<1x80x128xi32, #tpu.memory_space<hbm>> -> memref<80x128xi32, #tpu.memory_space<hbm>>
      %dma_start3A_113 = arith.constant 0 : i32
      %dma_start3A_114 = tpu.memref_slice %arg2[%arg1, %mul3A_0, %dma_start3A_113] : memref<16x160x128xi32, #tpu.memory_space<hbm>> -> memref<1x80x128xi32, #tpu.memory_space<hbm>>
      %dma_start3A_115 = tpu.memref_squeeze %dma_start3A_114 : memref<1x80x128xi32, #tpu.memory_space<hbm>> -> memref<80x128xi32, #tpu.memory_space<hbm>>
      tpu.enqueue_dma source(%dma_start3A_115 : memref<80x128xi32, #tpu.memory_space<hbm>>) target(%arg6 : memref<80x128xi32, #tpu.memory_space<vmem>>) target_semaphore(%run_scoped3A : memref<!tpu.dma_semaphore, #tpu.memory_space<semaphore_mem>>)
      %dma_wait3A_116 = arith.constant 0 : i32
      %dma_wait3A_117 = tpu.memref_slice %arg2[%arg1, %mul3A_0, %dma_wait3A_116] : memref<16x160x128xi32, #tpu.memory_space<hbm>> -> memref<1x80x128xi32, #tpu.memory_space<hbm>>
      %dma_wait3A_118 = tpu.memref_squeeze %dma_wait3A_117 : memref<1x80x128xi32, #tpu.memory_space<hbm>> -> memref<80x128xi32, #tpu.memory_space<hbm>>
      %dma_wait3A_119 = arith.constant 0 : i32
      %dma_wait3A_120 = tpu.memref_slice %arg2[%arg1, %mul3A_0, %dma_wait3A_119] : memref<16x160x128xi32, #tpu.memory_space<hbm>> -> memref<1x80x128xi32, #tpu.memory_space<hbm>>
      %dma_wait3A_121 = tpu.memref_squeeze %dma_wait3A_120 : memref<1x80x128xi32, #tpu.memory_space<hbm>> -> memref<80x128xi32, #tpu.memory_space<hbm>>
      tpu.wait_dma2 semaphore(%run_scoped3A : memref<!tpu.dma_semaphore, #tpu.memory_space<semaphore_mem>>) src(%dma_wait3A_121 : memref<80x128xi32, #tpu.memory_space<hbm>>) dst(%arg6 : memref<80x128xi32, #tpu.memory_space<vmem>>)
      tpu.yield
    }) : () -> ()
    "tpu.region"() ({
      %run_scoped3A = tpu.sem_alloc : memref<!tpu.dma_semaphore, #tpu.memory_space<semaphore_mem>>
      tpu.enqueue_dma source(%arg3 : memref<128x16xf32, #tpu.memory_space<hbm>>) target(%arg7 : memref<128x16xf32, #tpu.memory_space<vmem>>) target_semaphore(%run_scoped3A : memref<!tpu.dma_semaphore, #tpu.memory_space<semaphore_mem>>)
      tpu.wait_dma2 semaphore(%run_scoped3A : memref<!tpu.dma_semaphore, #tpu.memory_space<semaphore_mem>>) src(%arg3 : memref<128x16xf32, #tpu.memory_space<hbm>>) dst(%arg7 : memref<128x16xf32, #tpu.memory_space<vmem>>)
      tpu.yield
    }) : () -> ()
    "tpu.region"() ({
      %run_scoped3A = tpu.sem_alloc : memref<!tpu.dma_semaphore, #tpu.memory_space<semaphore_mem>>
      tpu.enqueue_dma source(%arg4 : memref<128x16xf32, #tpu.memory_space<hbm>>) target(%arg8 : memref<128x16xf32, #tpu.memory_space<vmem>>) target_semaphore(%run_scoped3A : memref<!tpu.dma_semaphore, #tpu.memory_space<semaphore_mem>>)
      tpu.wait_dma2 semaphore(%run_scoped3A : memref<!tpu.dma_semaphore, #tpu.memory_space<semaphore_mem>>) src(%arg4 : memref<128x16xf32, #tpu.memory_space<hbm>>) dst(%arg8 : memref<128x16xf32, #tpu.memory_space<vmem>>)
      tpu.yield
    }) : () -> ()
    %mul3A_1 = arith.constant 640 : i32
    %mul3A_2 = arith.muli %arg1, %mul3A_1 : i32
    %add3A = arith.constant 0 : i32
    %add3A_3 = arith.addi %mul3A_2, %add3A : i32
    "tpu.region"() ({
      %run_scoped3A = tpu.sem_alloc : memref<!tpu.dma_semaphore, #tpu.memory_space<semaphore_mem>>
      %dma_start3A_110 = arith.constant 0 : i32
      %dma_start3A_111 = tpu.memref_slice %arg9[%add3A_3, %dma_start3A_110] : memref<10240x16xf32, #tpu.memory_space<vmem_shared>> -> memref<128x16xf32, #tpu.memory_space<vmem_shared>>
      %dma_start3A_112 = arith.constant 0 : i32
      %dma_start3A_113 = tpu.memref_slice %arg9[%add3A_3, %dma_start3A_112] : memref<10240x16xf32, #tpu.memory_space<vmem_shared>> -> memref<128x16xf32, #tpu.memory_space<vmem_shared>>
      tpu.enqueue_dma source(%arg8 : memref<128x16xf32, #tpu.memory_space<vmem>>) target(%dma_start3A_113 : memref<128x16xf32, #tpu.memory_space<vmem_shared>>) target_semaphore(%run_scoped3A : memref<!tpu.dma_semaphore, #tpu.memory_space<semaphore_mem>>)
      %dma_wait3A_114 = arith.constant 0 : i32
      %dma_wait3A_115 = tpu.memref_slice %arg9[%add3A_3, %dma_wait3A_114] : memref<10240x16xf32, #tpu.memory_space<vmem_shared>> -> memref<128x16xf32, #tpu.memory_space<vmem_shared>>
      %dma_wait3A_116 = arith.constant 0 : i32
      %dma_wait3A_117 = tpu.memref_slice %arg9[%add3A_3, %dma_wait3A_116] : memref<10240x16xf32, #tpu.memory_space<vmem_shared>> -> memref<128x16xf32, #tpu.memory_space<vmem_shared>>
      tpu.wait_dma2 semaphore(%run_scoped3A : memref<!tpu.dma_semaphore, #tpu.memory_space<semaphore_mem>>) src(%arg8 : memref<128x16xf32, #tpu.memory_space<vmem>>) dst(%dma_wait3A_117 : memref<128x16xf32, #tpu.memory_space<vmem_shared>>)
      tpu.yield
    }) : () -> ()
    %mul3A_4 = arith.constant 640 : i32
    %mul3A_5 = arith.muli %arg1, %mul3A_4 : i32
    %add3A_6 = arith.constant 128 : i32
    %add3A_7 = arith.addi %mul3A_5, %add3A_6 : i32
    "tpu.region"() ({
      %run_scoped3A = tpu.sem_alloc : memref<!tpu.dma_semaphore, #tpu.memory_space<semaphore_mem>>
      %dma_start3A_110 = arith.constant 0 : i32
      %dma_start3A_111 = tpu.memref_slice %arg9[%add3A_7, %dma_start3A_110] : memref<10240x16xf32, #tpu.memory_space<vmem_shared>> -> memref<128x16xf32, #tpu.memory_space<vmem_shared>>
      %dma_start3A_112 = arith.constant 0 : i32
      %dma_start3A_113 = tpu.memref_slice %arg9[%add3A_7, %dma_start3A_112] : memref<10240x16xf32, #tpu.memory_space<vmem_shared>> -> memref<128x16xf32, #tpu.memory_space<vmem_shared>>
      tpu.enqueue_dma source(%arg8 : memref<128x16xf32, #tpu.memory_space<vmem>>) target(%dma_start3A_113 : memref<128x16xf32, #tpu.memory_space<vmem_shared>>) target_semaphore(%run_scoped3A : memref<!tpu.dma_semaphore, #tpu.memory_space<semaphore_mem>>)
      %dma_wait3A_114 = arith.constant 0 : i32
      %dma_wait3A_115 = tpu.memref_slice %arg9[%add3A_7, %dma_wait3A_114] : memref<10240x16xf32, #tpu.memory_space<vmem_shared>> -> memref<128x16xf32, #tpu.memory_space<vmem_shared>>
      %dma_wait3A_116 = arith.constant 0 : i32
      %dma_wait3A_117 = tpu.memref_slice %arg9[%add3A_7, %dma_wait3A_116] : memref<10240x16xf32, #tpu.memory_space<vmem_shared>> -> memref<128x16xf32, #tpu.memory_space<vmem_shared>>
      tpu.wait_dma2 semaphore(%run_scoped3A : memref<!tpu.dma_semaphore, #tpu.memory_space<semaphore_mem>>) src(%arg8 : memref<128x16xf32, #tpu.memory_space<vmem>>) dst(%dma_wait3A_117 : memref<128x16xf32, #tpu.memory_space<vmem_shared>>)
      tpu.yield
    }) : () -> ()
    %mul3A_8 = arith.constant 640 : i32
    %mul3A_9 = arith.muli %arg1, %mul3A_8 : i32
    %add3A_10 = arith.constant 256 : i32
    %add3A_11 = arith.addi %mul3A_9, %add3A_10 : i32
    "tpu.region"() ({
      %run_scoped3A = tpu.sem_alloc : memref<!tpu.dma_semaphore, #tpu.memory_space<semaphore_mem>>
      %dma_start3A_110 = arith.constant 0 : i32
      %dma_start3A_111 = tpu.memref_slice %arg9[%add3A_11, %dma_start3A_110] : memref<10240x16xf32, #tpu.memory_space<vmem_shared>> -> memref<128x16xf32, #tpu.memory_space<vmem_shared>>
      %dma_start3A_112 = arith.constant 0 : i32
      %dma_start3A_113 = tpu.memref_slice %arg9[%add3A_11, %dma_start3A_112] : memref<10240x16xf32, #tpu.memory_space<vmem_shared>> -> memref<128x16xf32, #tpu.memory_space<vmem_shared>>
      tpu.enqueue_dma source(%arg8 : memref<128x16xf32, #tpu.memory_space<vmem>>) target(%dma_start3A_113 : memref<128x16xf32, #tpu.memory_space<vmem_shared>>) target_semaphore(%run_scoped3A : memref<!tpu.dma_semaphore, #tpu.memory_space<semaphore_mem>>)
      %dma_wait3A_114 = arith.constant 0 : i32
      %dma_wait3A_115 = tpu.memref_slice %arg9[%add3A_11, %dma_wait3A_114] : memref<10240x16xf32, #tpu.memory_space<vmem_shared>> -> memref<128x16xf32, #tpu.memory_space<vmem_shared>>
      %dma_wait3A_116 = arith.constant 0 : i32
      %dma_wait3A_117 = tpu.memref_slice %arg9[%add3A_11, %dma_wait3A_116] : memref<10240x16xf32, #tpu.memory_space<vmem_shared>> -> memref<128x16xf32, #tpu.memory_space<vmem_shared>>
      tpu.wait_dma2 semaphore(%run_scoped3A : memref<!tpu.dma_semaphore, #tpu.memory_space<semaphore_mem>>) src(%arg8 : memref<128x16xf32, #tpu.memory_space<vmem>>) dst(%dma_wait3A_117 : memref<128x16xf32, #tpu.memory_space<vmem_shared>>)
      tpu.yield
    }) : () -> ()
    %mul3A_12 = arith.constant 640 : i32
    %mul3A_13 = arith.muli %arg1, %mul3A_12 : i32
    %add3A_14 = arith.constant 384 : i32
    %add3A_15 = arith.addi %mul3A_13, %add3A_14 : i32
    "tpu.region"() ({
      %run_scoped3A = tpu.sem_alloc : memref<!tpu.dma_semaphore, #tpu.memory_space<semaphore_mem>>
      %dma_start3A_110 = arith.constant 0 : i32
      %dma_start3A_111 = tpu.memref_slice %arg9[%add3A_15, %dma_start3A_110] : memref<10240x16xf32, #tpu.memory_space<vmem_shared>> -> memref<128x16xf32, #tpu.memory_space<vmem_shared>>
      %dma_start3A_112 = arith.constant 0 : i32
      %dma_start3A_113 = tpu.memref_slice %arg9[%add3A_15, %dma_start3A_112] : memref<10240x16xf32, #tpu.memory_space<vmem_shared>> -> memref<128x16xf32, #tpu.memory_space<vmem_shared>>
      tpu.enqueue_dma source(%arg8 : memref<128x16xf32, #tpu.memory_space<vmem>>) target(%dma_start3A_113 : memref<128x16xf32, #tpu.memory_space<vmem_shared>>) target_semaphore(%run_scoped3A : memref<!tpu.dma_semaphore, #tpu.memory_space<semaphore_mem>>)
      %dma_wait3A_114 = arith.constant 0 : i32
      %dma_wait3A_115 = tpu.memref_slice %arg9[%add3A_15, %dma_wait3A_114] : memref<10240x16xf32, #tpu.memory_space<vmem_shared>> -> memref<128x16xf32, #tpu.memory_space<vmem_shared>>
      %dma_wait3A_116 = arith.constant 0 : i32
      %dma_wait3A_117 = tpu.memref_slice %arg9[%add3A_15, %dma_wait3A_116] : memref<10240x16xf32, #tpu.memory_space<vmem_shared>> -> memref<128x16xf32, #tpu.memory_space<vmem_shared>>
      tpu.wait_dma2 semaphore(%run_scoped3A : memref<!tpu.dma_semaphore, #tpu.memory_space<semaphore_mem>>) src(%arg8 : memref<128x16xf32, #tpu.memory_space<vmem>>) dst(%dma_wait3A_117 : memref<128x16xf32, #tpu.memory_space<vmem_shared>>)
      tpu.yield
    }) : () -> ()
    %mul3A_16 = arith.constant 640 : i32
    %mul3A_17 = arith.muli %arg1, %mul3A_16 : i32
    %add3A_18 = arith.constant 512 : i32
    %add3A_19 = arith.addi %mul3A_17, %add3A_18 : i32
    "tpu.region"() ({
      %run_scoped3A = tpu.sem_alloc : memref<!tpu.dma_semaphore, #tpu.memory_space<semaphore_mem>>
      %dma_start3A_110 = arith.constant 0 : i32
      %dma_start3A_111 = tpu.memref_slice %arg9[%add3A_19, %dma_start3A_110] : memref<10240x16xf32, #tpu.memory_space<vmem_shared>> -> memref<128x16xf32, #tpu.memory_space<vmem_shared>>
      %dma_start3A_112 = arith.constant 0 : i32
      %dma_start3A_113 = tpu.memref_slice %arg9[%add3A_19, %dma_start3A_112] : memref<10240x16xf32, #tpu.memory_space<vmem_shared>> -> memref<128x16xf32, #tpu.memory_space<vmem_shared>>
      tpu.enqueue_dma source(%arg8 : memref<128x16xf32, #tpu.memory_space<vmem>>) target(%dma_start3A_113 : memref<128x16xf32, #tpu.memory_space<vmem_shared>>) target_semaphore(%run_scoped3A : memref<!tpu.dma_semaphore, #tpu.memory_space<semaphore_mem>>)
      %dma_wait3A_114 = arith.constant 0 : i32
      %dma_wait3A_115 = tpu.memref_slice %arg9[%add3A_19, %dma_wait3A_114] : memref<10240x16xf32, #tpu.memory_space<vmem_shared>> -> memref<128x16xf32, #tpu.memory_space<vmem_shared>>
      %dma_wait3A_116 = arith.constant 0 : i32
      %dma_wait3A_117 = tpu.memref_slice %arg9[%add3A_19, %dma_wait3A_116] : memref<10240x16xf32, #tpu.memory_space<vmem_shared>> -> memref<128x16xf32, #tpu.memory_space<vmem_shared>>
      tpu.wait_dma2 semaphore(%run_scoped3A : memref<!tpu.dma_semaphore, #tpu.memory_space<semaphore_mem>>) src(%arg8 : memref<128x16xf32, #tpu.memory_space<vmem>>) dst(%dma_wait3A_117 : memref<128x16xf32, #tpu.memory_space<vmem_shared>>)
      tpu.yield
    }) : () -> ()
    %barrier3A = arith.constant 0 : index
    tpu.barrier barrier_id(%barrier3A)
    %dma_start3A = arith.constant 0 : i32
    %dma_start3A_20 = arith.constant 0 : i32
    %dma_start3A_21 = tpu.memref_slice %arg6[%dma_start3A, %dma_start3A_20] : memref<80x128xi32, #tpu.memory_space<vmem>> -> memref<1x128xi32, #tpu.memory_space<vmem>>
    %dma_start3A_22 = tpu.memref_squeeze %dma_start3A_21 : memref<1x128xi32, #tpu.memory_space<vmem>> -> memref<128xi32, #tpu.memory_space<vmem>>
    %dma_start3A_23 = arith.constant 0 : i32
    %dma_start3A_24 = arith.constant 0 : i32
    %dma_start3A_25 = tpu.memref_slice %arg9[%dma_start3A_23, %dma_start3A_24] : memref<10240x16xf32, #tpu.memory_space<vmem_shared>> -> memref<10240x16xf32, #tpu.memory_space<vmem_shared>>
    tpu.enqueue_indirect_dma source(%arg7 : memref<128x16xf32, #tpu.memory_space<vmem>>) target(%dma_start3A_25 : memref<10240x16xf32, #tpu.memory_space<vmem_shared>>) offsets(%dma_start3A_22 : memref<128xi32, #tpu.memory_space<vmem>>) semaphore(%arg10 : memref<!tpu.dma_semaphore, #tpu.memory_space<semaphore_mem>>) {add = true}
    %dma_start3A_26 = arith.constant 1 : i32
    %dma_start3A_27 = arith.constant 0 : i32
    %dma_start3A_28 = tpu.memref_slice %arg6[%dma_start3A_26, %dma_start3A_27] : memref<80x128xi32, #tpu.memory_space<vmem>> -> memref<1x128xi32, #tpu.memory_space<vmem>>
    %dma_start3A_29 = tpu.memref_squeeze %dma_start3A_28 : memref<1x128xi32, #tpu.memory_space<vmem>> -> memref<128xi32, #tpu.memory_space<vmem>>
    %dma_start3A_30 = arith.constant 0 : i32
    %dma_start3A_31 = arith.constant 0 : i32
    %dma_start3A_32 = tpu.memref_slice %arg9[%dma_start3A_30, %dma_start3A_31] : memref<10240x16xf32, #tpu.memory_space<vmem_shared>> -> memref<10240x16xf32, #tpu.memory_space<vmem_shared>>
    tpu.enqueue_indirect_dma source(%arg7 : memref<128x16xf32, #tpu.memory_space<vmem>>) target(%dma_start3A_32 : memref<10240x16xf32, #tpu.memory_space<vmem_shared>>) offsets(%dma_start3A_29 : memref<128xi32, #tpu.memory_space<vmem>>) semaphore(%arg11 : memref<!tpu.dma_semaphore, #tpu.memory_space<semaphore_mem>>) {add = true}
    %dma_start3A_33 = arith.constant 2 : i32
    %dma_start3A_34 = arith.constant 0 : i32
    %dma_start3A_35 = tpu.memref_slice %arg6[%dma_start3A_33, %dma_start3A_34] : memref<80x128xi32, #tpu.memory_space<vmem>> -> memref<1x128xi32, #tpu.memory_space<vmem>>
    %dma_start3A_36 = tpu.memref_squeeze %dma_start3A_35 : memref<1x128xi32, #tpu.memory_space<vmem>> -> memref<128xi32, #tpu.memory_space<vmem>>
    %dma_start3A_37 = arith.constant 0 : i32
    %dma_start3A_38 = arith.constant 0 : i32
    %dma_start3A_39 = tpu.memref_slice %arg9[%dma_start3A_37, %dma_start3A_38] : memref<10240x16xf32, #tpu.memory_space<vmem_shared>> -> memref<10240x16xf32, #tpu.memory_space<vmem_shared>>
    tpu.enqueue_indirect_dma source(%arg7 : memref<128x16xf32, #tpu.memory_space<vmem>>) target(%dma_start3A_39 : memref<10240x16xf32, #tpu.memory_space<vmem_shared>>) offsets(%dma_start3A_36 : memref<128xi32, #tpu.memory_space<vmem>>) semaphore(%arg12 : memref<!tpu.dma_semaphore, #tpu.memory_space<semaphore_mem>>) {add = true}
    %dma_start3A_40 = arith.constant 3 : i32
    %dma_start3A_41 = arith.constant 0 : i32
    %dma_start3A_42 = tpu.memref_slice %arg6[%dma_start3A_40, %dma_start3A_41] : memref<80x128xi32, #tpu.memory_space<vmem>> -> memref<1x128xi32, #tpu.memory_space<vmem>>
    %dma_start3A_43 = tpu.memref_squeeze %dma_start3A_42 : memref<1x128xi32, #tpu.memory_space<vmem>> -> memref<128xi32, #tpu.memory_space<vmem>>
    %dma_start3A_44 = arith.constant 0 : i32
    %dma_start3A_45 = arith.constant 0 : i32
    %dma_start3A_46 = tpu.memref_slice %arg9[%dma_start3A_44, %dma_start3A_45] : memref<10240x16xf32, #tpu.memory_space<vmem_shared>> -> memref<10240x16xf32, #tpu.memory_space<vmem_shared>>
    tpu.enqueue_indirect_dma source(%arg7 : memref<128x16xf32, #tpu.memory_space<vmem>>) target(%dma_start3A_46 : memref<10240x16xf32, #tpu.memory_space<vmem_shared>>) offsets(%dma_start3A_43 : memref<128xi32, #tpu.memory_space<vmem>>) semaphore(%arg13 : memref<!tpu.dma_semaphore, #tpu.memory_space<semaphore_mem>>) {add = true}
    %scan3A = arith.constant 0 : i32
    %scan3A_47 = arith.constant 1 : i32
    %scan3A_48 = arith.constant 19 : i32
    %scan3A_49 = arith.addi %scan3A_47, %scan3A_48 : i32
    %scan3A_50 = arith.constant 1 : i32
    scf.for %scan3A_110 = %scan3A_47 to %scan3A_49 step %scan3A_50  : i32 {
      %dma_wait3A_111 = arith.constant 0 : i32
      %dma_wait3A_112 = arith.constant 0 : i32
      %dma_wait3A_113 = tpu.memref_slice %arg6[%dma_wait3A_111, %dma_wait3A_112] : memref<80x128xi32, #tpu.memory_space<vmem>> -> memref<1x128xi32, #tpu.memory_space<vmem>>
      %dma_wait3A_114 = tpu.memref_squeeze %dma_wait3A_113 : memref<1x128xi32, #tpu.memory_space<vmem>> -> memref<128xi32, #tpu.memory_space<vmem>>
      %dma_wait3A_115 = arith.constant 0 : i32
      %dma_wait3A_116 = arith.constant 0 : i32
      %dma_wait3A_117 = tpu.memref_slice %arg9[%dma_wait3A_115, %dma_wait3A_116] : memref<10240x16xf32, #tpu.memory_space<vmem_shared>> -> memref<10240x16xf32, #tpu.memory_space<vmem_shared>>
      tpu.wait_indirect_dma semaphore(%arg10 : memref<!tpu.dma_semaphore, #tpu.memory_space<semaphore_mem>>) src(%arg7 : memref<128x16xf32, #tpu.memory_space<vmem>>) dst(%dma_wait3A_117 : memref<10240x16xf32, #tpu.memory_space<vmem_shared>>)
      %mul3A_118 = arith.constant 4 : i32
      %mul3A_119 = arith.muli %scan3A_110, %mul3A_118 : i32
      %add3A_120 = arith.constant 0 : i32
      %add3A_121 = arith.addi %mul3A_119, %add3A_120 : i32
      %dma_start3A_122 = arith.constant 0 : i32
      %dma_start3A_123 = tpu.memref_slice %arg6[%add3A_121, %dma_start3A_122] : memref<80x128xi32, #tpu.memory_space<vmem>> -> memref<1x128xi32, #tpu.memory_space<vmem>>
      %dma_start3A_124 = tpu.memref_squeeze %dma_start3A_123 : memref<1x128xi32, #tpu.memory_space<vmem>> -> memref<128xi32, #tpu.memory_space<vmem>>
      %dma_start3A_125 = arith.constant 0 : i32
      %dma_start3A_126 = arith.constant 0 : i32
      %dma_start3A_127 = tpu.memref_slice %arg9[%dma_start3A_125, %dma_start3A_126] : memref<10240x16xf32, #tpu.memory_space<vmem_shared>> -> memref<10240x16xf32, #tpu.memory_space<vmem_shared>>
      tpu.enqueue_indirect_dma source(%arg7 : memref<128x16xf32, #tpu.memory_space<vmem>>) target(%dma_start3A_127 : memref<10240x16xf32, #tpu.memory_space<vmem_shared>>) offsets(%dma_start3A_124 : memref<128xi32, #tpu.memory_space<vmem>>) semaphore(%arg10 : memref<!tpu.dma_semaphore, #tpu.memory_space<semaphore_mem>>) {add = true}
      %dma_wait3A_128 = arith.constant 0 : i32
      %dma_wait3A_129 = arith.constant 0 : i32
      %dma_wait3A_130 = tpu.memref_slice %arg6[%dma_wait3A_128, %dma_wait3A_129] : memref<80x128xi32, #tpu.memory_space<vmem>> -> memref<1x128xi32, #tpu.memory_space<vmem>>
      %dma_wait3A_131 = tpu.memref_squeeze %dma_wait3A_130 : memref<1x128xi32, #tpu.memory_space<vmem>> -> memref<128xi32, #tpu.memory_space<vmem>>
      %dma_wait3A_132 = arith.constant 0 : i32
      %dma_wait3A_133 = arith.constant 0 : i32
      %dma_wait3A_134 = tpu.memref_slice %arg9[%dma_wait3A_132, %dma_wait3A_133] : memref<10240x16xf32, #tpu.memory_space<vmem_shared>> -> memref<10240x16xf32, #tpu.memory_space<vmem_shared>>
      tpu.wait_indirect_dma semaphore(%arg11 : memref<!tpu.dma_semaphore, #tpu.memory_space<semaphore_mem>>) src(%arg7 : memref<128x16xf32, #tpu.memory_space<vmem>>) dst(%dma_wait3A_134 : memref<10240x16xf32, #tpu.memory_space<vmem_shared>>)
      %mul3A_135 = arith.constant 4 : i32
      %mul3A_136 = arith.muli %scan3A_110, %mul3A_135 : i32
      %add3A_137 = arith.constant 1 : i32
      %add3A_138 = arith.addi %mul3A_136, %add3A_137 : i32
      %dma_start3A_139 = arith.constant 0 : i32
      %dma_start3A_140 = tpu.memref_slice %arg6[%add3A_138, %dma_start3A_139] : memref<80x128xi32, #tpu.memory_space<vmem>> -> memref<1x128xi32, #tpu.memory_space<vmem>>
      %dma_start3A_141 = tpu.memref_squeeze %dma_start3A_140 : memref<1x128xi32, #tpu.memory_space<vmem>> -> memref<128xi32, #tpu.memory_space<vmem>>
      %dma_start3A_142 = arith.constant 0 : i32
      %dma_start3A_143 = arith.constant 0 : i32
      %dma_start3A_144 = tpu.memref_slice %arg9[%dma_start3A_142, %dma_start3A_143] : memref<10240x16xf32, #tpu.memory_space<vmem_shared>> -> memref<10240x16xf32, #tpu.memory_space<vmem_shared>>
      tpu.enqueue_indirect_dma source(%arg7 : memref<128x16xf32, #tpu.memory_space<vmem>>) target(%dma_start3A_144 : memref<10240x16xf32, #tpu.memory_space<vmem_shared>>) offsets(%dma_start3A_141 : memref<128xi32, #tpu.memory_space<vmem>>) semaphore(%arg11 : memref<!tpu.dma_semaphore, #tpu.memory_space<semaphore_mem>>) {add = true}
      %dma_wait3A_145 = arith.constant 0 : i32
      %dma_wait3A_146 = arith.constant 0 : i32
      %dma_wait3A_147 = tpu.memref_slice %arg6[%dma_wait3A_145, %dma_wait3A_146] : memref<80x128xi32, #tpu.memory_space<vmem>> -> memref<1x128xi32, #tpu.memory_space<vmem>>
      %dma_wait3A_148 = tpu.memref_squeeze %dma_wait3A_147 : memref<1x128xi32, #tpu.memory_space<vmem>> -> memref<128xi32, #tpu.memory_space<vmem>>
      %dma_wait3A_149 = arith.constant 0 : i32
      %dma_wait3A_150 = arith.constant 0 : i32
      %dma_wait3A_151 = tpu.memref_slice %arg9[%dma_wait3A_149, %dma_wait3A_150] : memref<10240x16xf32, #tpu.memory_space<vmem_shared>> -> memref<10240x16xf32, #tpu.memory_space<vmem_shared>>
      tpu.wait_indirect_dma semaphore(%arg12 : memref<!tpu.dma_semaphore, #tpu.memory_space<semaphore_mem>>) src(%arg7 : memref<128x16xf32, #tpu.memory_space<vmem>>) dst(%dma_wait3A_151 : memref<10240x16xf32, #tpu.memory_space<vmem_shared>>)
      %mul3A_152 = arith.constant 4 : i32
      %mul3A_153 = arith.muli %scan3A_110, %mul3A_152 : i32
      %add3A_154 = arith.constant 2 : i32
      %add3A_155 = arith.addi %mul3A_153, %add3A_154 : i32
      %dma_start3A_156 = arith.constant 0 : i32
      %dma_start3A_157 = tpu.memref_slice %arg6[%add3A_155, %dma_start3A_156] : memref<80x128xi32, #tpu.memory_space<vmem>> -> memref<1x128xi32, #tpu.memory_space<vmem>>
      %dma_start3A_158 = tpu.memref_squeeze %dma_start3A_157 : memref<1x128xi32, #tpu.memory_space<vmem>> -> memref<128xi32, #tpu.memory_space<vmem>>
      %dma_start3A_159 = arith.constant 0 : i32
      %dma_start3A_160 = arith.constant 0 : i32
      %dma_start3A_161 = tpu.memref_slice %arg9[%dma_start3A_159, %dma_start3A_160] : memref<10240x16xf32, #tpu.memory_space<vmem_shared>> -> memref<10240x16xf32, #tpu.memory_space<vmem_shared>>
      tpu.enqueue_indirect_dma source(%arg7 : memref<128x16xf32, #tpu.memory_space<vmem>>) target(%dma_start3A_161 : memref<10240x16xf32, #tpu.memory_space<vmem_shared>>) offsets(%dma_start3A_158 : memref<128xi32, #tpu.memory_space<vmem>>) semaphore(%arg12 : memref<!tpu.dma_semaphore, #tpu.memory_space<semaphore_mem>>) {add = true}
      %dma_wait3A_162 = arith.constant 0 : i32
      %dma_wait3A_163 = arith.constant 0 : i32
      %dma_wait3A_164 = tpu.memref_slice %arg6[%dma_wait3A_162, %dma_wait3A_163] : memref<80x128xi32, #tpu.memory_space<vmem>> -> memref<1x128xi32, #tpu.memory_space<vmem>>
      %dma_wait3A_165 = tpu.memref_squeeze %dma_wait3A_164 : memref<1x128xi32, #tpu.memory_space<vmem>> -> memref<128xi32, #tpu.memory_space<vmem>>
      %dma_wait3A_166 = arith.constant 0 : i32
      %dma_wait3A_167 = arith.constant 0 : i32
      %dma_wait3A_168 = tpu.memref_slice %arg9[%dma_wait3A_166, %dma_wait3A_167] : memref<10240x16xf32, #tpu.memory_space<vmem_shared>> -> memref<10240x16xf32, #tpu.memory_space<vmem_shared>>
      tpu.wait_indirect_dma semaphore(%arg13 : memref<!tpu.dma_semaphore, #tpu.memory_space<semaphore_mem>>) src(%arg7 : memref<128x16xf32, #tpu.memory_space<vmem>>) dst(%dma_wait3A_168 : memref<10240x16xf32, #tpu.memory_space<vmem_shared>>)
      %mul3A_169 = arith.constant 4 : i32
      %mul3A_170 = arith.muli %scan3A_110, %mul3A_169 : i32
      %add3A_171 = arith.constant 3 : i32
      %add3A_172 = arith.addi %mul3A_170, %add3A_171 : i32
      %dma_start3A_173 = arith.constant 0 : i32
      %dma_start3A_174 = tpu.memref_slice %arg6[%add3A_172, %dma_start3A_173] : memref<80x128xi32, #tpu.memory_space<vmem>> -> memref<1x128xi32, #tpu.memory_space<vmem>>
      %dma_start3A_175 = tpu.memref_squeeze %dma_start3A_174 : memref<1x128xi32, #tpu.memory_space<vmem>> -> memref<128xi32, #tpu.memory_space<vmem>>
      %dma_start3A_176 = arith.constant 0 : i32
      %dma_start3A_177 = arith.constant 0 : i32
      %dma_start3A_178 = tpu.memref_slice %arg9[%dma_start3A_176, %dma_start3A_177] : memref<10240x16xf32, #tpu.memory_space<vmem_shared>> -> memref<10240x16xf32, #tpu.memory_space<vmem_shared>>
      tpu.enqueue_indirect_dma source(%arg7 : memref<128x16xf32, #tpu.memory_space<vmem>>) target(%dma_start3A_178 : memref<10240x16xf32, #tpu.memory_space<vmem_shared>>) offsets(%dma_start3A_175 : memref<128xi32, #tpu.memory_space<vmem>>) semaphore(%arg13 : memref<!tpu.dma_semaphore, #tpu.memory_space<semaphore_mem>>) {add = true}
    }
    %scan3A_51 = arith.constant 19 : i32
    %dma_wait3A = arith.constant 0 : i32
    %dma_wait3A_52 = arith.constant 0 : i32
    %dma_wait3A_53 = tpu.memref_slice %arg6[%dma_wait3A, %dma_wait3A_52] : memref<80x128xi32, #tpu.memory_space<vmem>> -> memref<1x128xi32, #tpu.memory_space<vmem>>
    %dma_wait3A_54 = tpu.memref_squeeze %dma_wait3A_53 : memref<1x128xi32, #tpu.memory_space<vmem>> -> memref<128xi32, #tpu.memory_space<vmem>>
    %dma_wait3A_55 = arith.constant 0 : i32
    %dma_wait3A_56 = arith.constant 0 : i32
    %dma_wait3A_57 = tpu.memref_slice %arg9[%dma_wait3A_55, %dma_wait3A_56] : memref<10240x16xf32, #tpu.memory_space<vmem_shared>> -> memref<10240x16xf32, #tpu.memory_space<vmem_shared>>
    tpu.wait_indirect_dma semaphore(%arg10 : memref<!tpu.dma_semaphore, #tpu.memory_space<semaphore_mem>>) src(%arg7 : memref<128x16xf32, #tpu.memory_space<vmem>>) dst(%dma_wait3A_57 : memref<10240x16xf32, #tpu.memory_space<vmem_shared>>)
    %dma_wait3A_58 = arith.constant 0 : i32
    %dma_wait3A_59 = arith.constant 0 : i32
    %dma_wait3A_60 = tpu.memref_slice %arg6[%dma_wait3A_58, %dma_wait3A_59] : memref<80x128xi32, #tpu.memory_space<vmem>> -> memref<1x128xi32, #tpu.memory_space<vmem>>
    %dma_wait3A_61 = tpu.memref_squeeze %dma_wait3A_60 : memref<1x128xi32, #tpu.memory_space<vmem>> -> memref<128xi32, #tpu.memory_space<vmem>>
    %dma_wait3A_62 = arith.constant 0 : i32
    %dma_wait3A_63 = arith.constant 0 : i32
    %dma_wait3A_64 = tpu.memref_slice %arg9[%dma_wait3A_62, %dma_wait3A_63] : memref<10240x16xf32, #tpu.memory_space<vmem_shared>> -> memref<10240x16xf32, #tpu.memory_space<vmem_shared>>
    tpu.wait_indirect_dma semaphore(%arg11 : memref<!tpu.dma_semaphore, #tpu.memory_space<semaphore_mem>>) src(%arg7 : memref<128x16xf32, #tpu.memory_space<vmem>>) dst(%dma_wait3A_64 : memref<10240x16xf32, #tpu.memory_space<vmem_shared>>)
    %dma_wait3A_65 = arith.constant 0 : i32
    %dma_wait3A_66 = arith.constant 0 : i32
    %dma_wait3A_67 = tpu.memref_slice %arg6[%dma_wait3A_65, %dma_wait3A_66] : memref<80x128xi32, #tpu.memory_space<vmem>> -> memref<1x128xi32, #tpu.memory_space<vmem>>
    %dma_wait3A_68 = tpu.memref_squeeze %dma_wait3A_67 : memref<1x128xi32, #tpu.memory_space<vmem>> -> memref<128xi32, #tpu.memory_space<vmem>>
    %dma_wait3A_69 = arith.constant 0 : i32
    %dma_wait3A_70 = arith.constant 0 : i32
    %dma_wait3A_71 = tpu.memref_slice %arg9[%dma_wait3A_69, %dma_wait3A_70] : memref<10240x16xf32, #tpu.memory_space<vmem_shared>> -> memref<10240x16xf32, #tpu.memory_space<vmem_shared>>
    tpu.wait_indirect_dma semaphore(%arg12 : memref<!tpu.dma_semaphore, #tpu.memory_space<semaphore_mem>>) src(%arg7 : memref<128x16xf32, #tpu.memory_space<vmem>>) dst(%dma_wait3A_71 : memref<10240x16xf32, #tpu.memory_space<vmem_shared>>)
    %dma_wait3A_72 = arith.constant 0 : i32
    %dma_wait3A_73 = arith.constant 0 : i32
    %dma_wait3A_74 = tpu.memref_slice %arg6[%dma_wait3A_72, %dma_wait3A_73] : memref<80x128xi32, #tpu.memory_space<vmem>> -> memref<1x128xi32, #tpu.memory_space<vmem>>
    %dma_wait3A_75 = tpu.memref_squeeze %dma_wait3A_74 : memref<1x128xi32, #tpu.memory_space<vmem>> -> memref<128xi32, #tpu.memory_space<vmem>>
    %dma_wait3A_76 = arith.constant 0 : i32
    %dma_wait3A_77 = arith.constant 0 : i32
    %dma_wait3A_78 = tpu.memref_slice %arg9[%dma_wait3A_76, %dma_wait3A_77] : memref<10240x16xf32, #tpu.memory_space<vmem_shared>> -> memref<10240x16xf32, #tpu.memory_space<vmem_shared>>
    tpu.wait_indirect_dma semaphore(%arg13 : memref<!tpu.dma_semaphore, #tpu.memory_space<semaphore_mem>>) src(%arg7 : memref<128x16xf32, #tpu.memory_space<vmem>>) dst(%dma_wait3A_78 : memref<10240x16xf32, #tpu.memory_space<vmem_shared>>)
    %barrier3A_79 = arith.constant 0 : index
    tpu.barrier barrier_id(%barrier3A_79)
    %mul3A_80 = arith.constant 640 : i32
    %mul3A_81 = arith.muli %arg1, %mul3A_80 : i32
    %add3A_82 = arith.constant 0 : i32
    %add3A_83 = arith.addi %mul3A_81, %add3A_82 : i32
    %mul3A_84 = arith.constant 16 : i32
    %mul3A_85 = arith.muli %arg0, %mul3A_84 : i32
    "tpu.region"() ({
      %run_scoped3A = tpu.sem_alloc : memref<!tpu.dma_semaphore, #tpu.memory_space<semaphore_mem>>
      %dma_start3A_110 = tpu.memref_slice %arg5[%add3A_83, %mul3A_85] : memref<10240x128xf32, #tpu.memory_space<hbm>> -> memref<128x16xf32, #tpu.memory_space<hbm>>
      %dma_start3A_111 = arith.constant 0 : i32
      %dma_start3A_112 = tpu.memref_slice %arg9[%add3A_83, %dma_start3A_111] : memref<10240x16xf32, #tpu.memory_space<vmem_shared>> -> memref<128x16xf32, #tpu.memory_space<vmem_shared>>
      tpu.enqueue_dma source(%dma_start3A_112 : memref<128x16xf32, #tpu.memory_space<vmem_shared>>) target(%dma_start3A_110 : memref<128x16xf32, #tpu.memory_space<hbm>>) target_semaphore(%run_scoped3A : memref<!tpu.dma_semaphore, #tpu.memory_space<semaphore_mem>>)
      %dma_wait3A_113 = tpu.memref_slice %arg5[%add3A_83, %mul3A_85] : memref<10240x128xf32, #tpu.memory_space<hbm>> -> memref<128x16xf32, #tpu.memory_space<hbm>>
      %dma_wait3A_114 = arith.constant 0 : i32
      %dma_wait3A_115 = tpu.memref_slice %arg9[%add3A_83, %dma_wait3A_114] : memref<10240x16xf32, #tpu.memory_space<vmem_shared>> -> memref<128x16xf32, #tpu.memory_space<vmem_shared>>
      tpu.wait_dma2 semaphore(%run_scoped3A : memref<!tpu.dma_semaphore, #tpu.memory_space<semaphore_mem>>) src(%dma_wait3A_115 : memref<128x16xf32, #tpu.memory_space<vmem_shared>>) dst(%dma_wait3A_113 : memref<128x16xf32, #tpu.memory_space<hbm>>)
      tpu.yield
    }) : () -> ()
    %mul3A_86 = arith.constant 640 : i32
    %mul3A_87 = arith.muli %arg1, %mul3A_86 : i32
    %add3A_88 = arith.constant 128 : i32
    %add3A_89 = arith.addi %mul3A_87, %add3A_88 : i32
    %mul3A_90 = arith.constant 16 : i32
    %mul3A_91 = arith.muli %arg0, %mul3A_90 : i32
    "tpu.region"() ({
      %run_scoped3A = tpu.sem_alloc : memref<!tpu.dma_semaphore, #tpu.memory_space<semaphore_mem>>
      %dma_start3A_110 = tpu.memref_slice %arg5[%add3A_89, %mul3A_91] : memref<10240x128xf32, #tpu.memory_space<hbm>> -> memref<128x16xf32, #tpu.memory_space<hbm>>
      %dma_start3A_111 = arith.constant 0 : i32
      %dma_start3A_112 = tpu.memref_slice %arg9[%add3A_89, %dma_start3A_111] : memref<10240x16xf32, #tpu.memory_space<vmem_shared>> -> memref<128x16xf32, #tpu.memory_space<vmem_shared>>
      tpu.enqueue_dma source(%dma_start3A_112 : memref<128x16xf32, #tpu.memory_space<vmem_shared>>) target(%dma_start3A_110 : memref<128x16xf32, #tpu.memory_space<hbm>>) target_semaphore(%run_scoped3A : memref<!tpu.dma_semaphore, #tpu.memory_space<semaphore_mem>>)
      %dma_wait3A_113 = tpu.memref_slice %arg5[%add3A_89, %mul3A_91] : memref<10240x128xf32, #tpu.memory_space<hbm>> -> memref<128x16xf32, #tpu.memory_space<hbm>>
      %dma_wait3A_114 = arith.constant 0 : i32
      %dma_wait3A_115 = tpu.memref_slice %arg9[%add3A_89, %dma_wait3A_114] : memref<10240x16xf32, #tpu.memory_space<vmem_shared>> -> memref<128x16xf32, #tpu.memory_space<vmem_shared>>
      tpu.wait_dma2 semaphore(%run_scoped3A : memref<!tpu.dma_semaphore, #tpu.memory_space<semaphore_mem>>) src(%dma_wait3A_115 : memref<128x16xf32, #tpu.memory_space<vmem_shared>>) dst(%dma_wait3A_113 : memref<128x16xf32, #tpu.memory_space<hbm>>)
      tpu.yield
    }) : () -> ()
    %mul3A_92 = arith.constant 640 : i32
    %mul3A_93 = arith.muli %arg1, %mul3A_92 : i32
    %add3A_94 = arith.constant 256 : i32
    %add3A_95 = arith.addi %mul3A_93, %add3A_94 : i32
    %mul3A_96 = arith.constant 16 : i32
    %mul3A_97 = arith.muli %arg0, %mul3A_96 : i32
    "tpu.region"() ({
      %run_scoped3A = tpu.sem_alloc : memref<!tpu.dma_semaphore, #tpu.memory_space<semaphore_mem>>
      %dma_start3A_110 = tpu.memref_slice %arg5[%add3A_95, %mul3A_97] : memref<10240x128xf32, #tpu.memory_space<hbm>> -> memref<128x16xf32, #tpu.memory_space<hbm>>
      %dma_start3A_111 = arith.constant 0 : i32
      %dma_start3A_112 = tpu.memref_slice %arg9[%add3A_95, %dma_start3A_111] : memref<10240x16xf32, #tpu.memory_space<vmem_shared>> -> memref<128x16xf32, #tpu.memory_space<vmem_shared>>
      tpu.enqueue_dma source(%dma_start3A_112 : memref<128x16xf32, #tpu.memory_space<vmem_shared>>) target(%dma_start3A_110 : memref<128x16xf32, #tpu.memory_space<hbm>>) target_semaphore(%run_scoped3A : memref<!tpu.dma_semaphore, #tpu.memory_space<semaphore_mem>>)
      %dma_wait3A_113 = tpu.memref_slice %arg5[%add3A_95, %mul3A_97] : memref<10240x128xf32, #tpu.memory_space<hbm>> -> memref<128x16xf32, #tpu.memory_space<hbm>>
      %dma_wait3A_114 = arith.constant 0 : i32
      %dma_wait3A_115 = tpu.memref_slice %arg9[%add3A_95, %dma_wait3A_114] : memref<10240x16xf32, #tpu.memory_space<vmem_shared>> -> memref<128x16xf32, #tpu.memory_space<vmem_shared>>
      tpu.wait_dma2 semaphore(%run_scoped3A : memref<!tpu.dma_semaphore, #tpu.memory_space<semaphore_mem>>) src(%dma_wait3A_115 : memref<128x16xf32, #tpu.memory_space<vmem_shared>>) dst(%dma_wait3A_113 : memref<128x16xf32, #tpu.memory_space<hbm>>)
      tpu.yield
    }) : () -> ()
    %mul3A_98 = arith.constant 640 : i32
    %mul3A_99 = arith.muli %arg1, %mul3A_98 : i32
    %add3A_100 = arith.constant 384 : i32
    %add3A_101 = arith.addi %mul3A_99, %add3A_100 : i32
    %mul3A_102 = arith.constant 16 : i32
    %mul3A_103 = arith.muli %arg0, %mul3A_102 : i32
    "tpu.region"() ({
      %run_scoped3A = tpu.sem_alloc : memref<!tpu.dma_semaphore, #tpu.memory_space<semaphore_mem>>
      %dma_start3A_110 = tpu.memref_slice %arg5[%add3A_101, %mul3A_103] : memref<10240x128xf32, #tpu.memory_space<hbm>> -> memref<128x16xf32, #tpu.memory_space<hbm>>
      %dma_start3A_111 = arith.constant 0 : i32
      %dma_start3A_112 = tpu.memref_slice %arg9[%add3A_101, %dma_start3A_111] : memref<10240x16xf32, #tpu.memory_space<vmem_shared>> -> memref<128x16xf32, #tpu.memory_space<vmem_shared>>
      tpu.enqueue_dma source(%dma_start3A_112 : memref<128x16xf32, #tpu.memory_space<vmem_shared>>) target(%dma_start3A_110 : memref<128x16xf32, #tpu.memory_space<hbm>>) target_semaphore(%run_scoped3A : memref<!tpu.dma_semaphore, #tpu.memory_space<semaphore_mem>>)
      %dma_wait3A_113 = tpu.memref_slice %arg5[%add3A_101, %mul3A_103] : memref<10240x128xf32, #tpu.memory_space<hbm>> -> memref<128x16xf32, #tpu.memory_space<hbm>>
      %dma_wait3A_114 = arith.constant 0 : i32
      %dma_wait3A_115 = tpu.memref_slice %arg9[%add3A_101, %dma_wait3A_114] : memref<10240x16xf32, #tpu.memory_space<vmem_shared>> -> memref<128x16xf32, #tpu.memory_space<vmem_shared>>
      tpu.wait_dma2 semaphore(%run_scoped3A : memref<!tpu.dma_semaphore, #tpu.memory_space<semaphore_mem>>) src(%dma_wait3A_115 : memref<128x16xf32, #tpu.memory_space<vmem_shared>>) dst(%dma_wait3A_113 : memref<128x16xf32, #tpu.memory_space<hbm>>)
      tpu.yield
    }) : () -> ()
    %mul3A_104 = arith.constant 640 : i32
    %mul3A_105 = arith.muli %arg1, %mul3A_104 : i32
    %add3A_106 = arith.constant 512 : i32
    %add3A_107 = arith.addi %mul3A_105, %add3A_106 : i32
    %mul3A_108 = arith.constant 16 : i32
    %mul3A_109 = arith.muli %arg0, %mul3A_108 : i32
    "tpu.region"() ({
      %run_scoped3A = tpu.sem_alloc : memref<!tpu.dma_semaphore, #tpu.memory_space<semaphore_mem>>
      %dma_start3A_110 = tpu.memref_slice %arg5[%add3A_107, %mul3A_109] : memref<10240x128xf32, #tpu.memory_space<hbm>> -> memref<128x16xf32, #tpu.memory_space<hbm>>
      %dma_start3A_111 = arith.constant 0 : i32
      %dma_start3A_112 = tpu.memref_slice %arg9[%add3A_107, %dma_start3A_111] : memref<10240x16xf32, #tpu.memory_space<vmem_shared>> -> memref<128x16xf32, #tpu.memory_space<vmem_shared>>
      tpu.enqueue_dma source(%dma_start3A_112 : memref<128x16xf32, #tpu.memory_space<vmem_shared>>) target(%dma_start3A_110 : memref<128x16xf32, #tpu.memory_space<hbm>>) target_semaphore(%run_scoped3A : memref<!tpu.dma_semaphore, #tpu.memory_space<semaphore_mem>>)
      %dma_wait3A_113 = tpu.memref_slice %arg5[%add3A_107, %mul3A_109] : memref<10240x128xf32, #tpu.memory_space<hbm>> -> memref<128x16xf32, #tpu.memory_space<hbm>>
      %dma_wait3A_114 = arith.constant 0 : i32
      %dma_wait3A_115 = tpu.memref_slice %arg9[%add3A_107, %dma_wait3A_114] : memref<10240x16xf32, #tpu.memory_space<vmem_shared>> -> memref<128x16xf32, #tpu.memory_space<vmem_shared>>
      tpu.wait_dma2 semaphore(%run_scoped3A : memref<!tpu.dma_semaphore, #tpu.memory_space<semaphore_mem>>) src(%dma_wait3A_115 : memref<128x16xf32, #tpu.memory_space<vmem_shared>>) dst(%dma_wait3A_113 : memref<128x16xf32, #tpu.memory_space<hbm>>)
      tpu.yield
    }) : () -> ()
    return
  }
}

#map = affine_map<(d0, d1) -> (0, 0)>
#map1 = affine_map<(d0, d1) -> (0, 0, 0, 0)>
#map2 = affine_map<(d0, d1) -> (0, 0, 0)>
module attributes {stable_mosaic.version = 14 : i64} {
  func.func @_agg_kernel(%arg0: i32, %arg1: i32, %arg2: memref<20000x64xf32, #tpu.memory_space<hbm>>, %arg3: memref<2x16x160x128xi32, #tpu.memory_space<hbm>>, %arg4: memref<16x160x128xi32, #tpu.memory_space<hbm>>, %arg5: memref<128x64xf32, #tpu.memory_space<hbm>>, %arg6: memref<10240x128xf32, #tpu.memory_space<hbm>>, %arg7: memref<160x128xi32, #tpu.memory_space<vmem>>, %arg8: memref<160x128xi32, #tpu.memory_space<vmem>>, %arg9: memref<4x128x64xf32, #tpu.memory_space<vmem>>, %arg10: memref<128x64xf32, #tpu.memory_space<vmem>>, %arg11: memref<10240x64xf32, #tpu.memory_space<vmem_shared>>, %arg12: memref<!tpu.dma_semaphore, #tpu.memory_space<semaphore_mem>>, %arg13: memref<!tpu.dma_semaphore, #tpu.memory_space<semaphore_mem>>, %arg14: memref<!tpu.dma_semaphore, #tpu.memory_space<semaphore_mem>>, %arg15: memref<!tpu.dma_semaphore, #tpu.memory_space<semaphore_mem>>) attributes {dimension_semantics = [#tpu.dimension_semantics<core_parallel>, #tpu.dimension_semantics<subcore_parallel>], iteration_bounds = array<i64: 2, 16>, scalar_prefetch = 0 : i64, scratch_operands = 9 : i64, tpu.core_type = #tpu.core_type<sc_vector_subcore>, window_params = [{transform_indices = #map}, {transform_indices = #map1}, {transform_indices = #map2}, {transform_indices = #map}, {transform_indices = #map}]} {
    "tpu.region"() ({
      %run_scoped3A_155 = tpu.sem_alloc : memref<!tpu.dma_semaphore, #tpu.memory_space<semaphore_mem>>
      %dma_start3A_156 = arith.constant 0 : i32
      %dma_start3A_157 = arith.constant 0 : i32
      %dma_start3A_158 = arith.constant 0 : i32
      %dma_start3A_159 = tpu.memref_slice %arg3[%arg0, %dma_start3A_156, %dma_start3A_157, %dma_start3A_158] : memref<2x16x160x128xi32, #tpu.memory_space<hbm>> -> memref<1x16x160x128xi32, #tpu.memory_space<hbm>>
      %dma_start3A_160 = tpu.memref_squeeze %dma_start3A_159 : memref<1x16x160x128xi32, #tpu.memory_space<hbm>> -> memref<16x160x128xi32, #tpu.memory_space<hbm>>
      %dma_start3A_161 = arith.constant 0 : i32
      %dma_start3A_162 = arith.constant 0 : i32
      %dma_start3A_163 = tpu.memref_slice %dma_start3A_160[%arg1, %dma_start3A_161, %dma_start3A_162] : memref<16x160x128xi32, #tpu.memory_space<hbm>> -> memref<1x160x128xi32, #tpu.memory_space<hbm>>
      %dma_start3A_164 = tpu.memref_squeeze %dma_start3A_163 : memref<1x160x128xi32, #tpu.memory_space<hbm>> -> memref<160x128xi32, #tpu.memory_space<hbm>>
      %dma_start3A_165 = arith.constant 0 : i32
      %dma_start3A_166 = arith.constant 0 : i32
      %dma_start3A_167 = arith.constant 0 : i32
      %dma_start3A_168 = tpu.memref_slice %arg3[%arg0, %dma_start3A_165, %dma_start3A_166, %dma_start3A_167] : memref<2x16x160x128xi32, #tpu.memory_space<hbm>> -> memref<1x16x160x128xi32, #tpu.memory_space<hbm>>
      %dma_start3A_169 = tpu.memref_squeeze %dma_start3A_168 : memref<1x16x160x128xi32, #tpu.memory_space<hbm>> -> memref<16x160x128xi32, #tpu.memory_space<hbm>>
      %dma_start3A_170 = arith.constant 0 : i32
      %dma_start3A_171 = arith.constant 0 : i32
      %dma_start3A_172 = tpu.memref_slice %dma_start3A_169[%arg1, %dma_start3A_170, %dma_start3A_171] : memref<16x160x128xi32, #tpu.memory_space<hbm>> -> memref<1x160x128xi32, #tpu.memory_space<hbm>>
      %dma_start3A_173 = tpu.memref_squeeze %dma_start3A_172 : memref<1x160x128xi32, #tpu.memory_space<hbm>> -> memref<160x128xi32, #tpu.memory_space<hbm>>
      tpu.enqueue_dma source(%dma_start3A_173 : memref<160x128xi32, #tpu.memory_space<hbm>>) target(%arg7 : memref<160x128xi32, #tpu.memory_space<vmem>>) target_semaphore(%run_scoped3A_155 : memref<!tpu.dma_semaphore, #tpu.memory_space<semaphore_mem>>)
      %dma_wait3A_174 = arith.constant 0 : i32
      %dma_wait3A_175 = arith.constant 0 : i32
      %dma_wait3A_176 = arith.constant 0 : i32
      %dma_wait3A_177 = tpu.memref_slice %arg3[%arg0, %dma_wait3A_174, %dma_wait3A_175, %dma_wait3A_176] : memref<2x16x160x128xi32, #tpu.memory_space<hbm>> -> memref<1x16x160x128xi32, #tpu.memory_space<hbm>>
      %dma_wait3A_178 = tpu.memref_squeeze %dma_wait3A_177 : memref<1x16x160x128xi32, #tpu.memory_space<hbm>> -> memref<16x160x128xi32, #tpu.memory_space<hbm>>
      %dma_wait3A_179 = arith.constant 0 : i32
      %dma_wait3A_180 = arith.constant 0 : i32
      %dma_wait3A_181 = tpu.memref_slice %dma_wait3A_178[%arg1, %dma_wait3A_179, %dma_wait3A_180] : memref<16x160x128xi32, #tpu.memory_space<hbm>> -> memref<1x160x128xi32, #tpu.memory_space<hbm>>
      %dma_wait3A_182 = tpu.memref_squeeze %dma_wait3A_181 : memref<1x160x128xi32, #tpu.memory_space<hbm>> -> memref<160x128xi32, #tpu.memory_space<hbm>>
      %dma_wait3A_183 = arith.constant 0 : i32
      %dma_wait3A_184 = arith.constant 0 : i32
      %dma_wait3A_185 = arith.constant 0 : i32
      %dma_wait3A_186 = tpu.memref_slice %arg3[%arg0, %dma_wait3A_183, %dma_wait3A_184, %dma_wait3A_185] : memref<2x16x160x128xi32, #tpu.memory_space<hbm>> -> memref<1x16x160x128xi32, #tpu.memory_space<hbm>>
      %dma_wait3A_187 = tpu.memref_squeeze %dma_wait3A_186 : memref<1x16x160x128xi32, #tpu.memory_space<hbm>> -> memref<16x160x128xi32, #tpu.memory_space<hbm>>
      %dma_wait3A_188 = arith.constant 0 : i32
      %dma_wait3A_189 = arith.constant 0 : i32
      %dma_wait3A_190 = tpu.memref_slice %dma_wait3A_187[%arg1, %dma_wait3A_188, %dma_wait3A_189] : memref<16x160x128xi32, #tpu.memory_space<hbm>> -> memref<1x160x128xi32, #tpu.memory_space<hbm>>
      %dma_wait3A_191 = tpu.memref_squeeze %dma_wait3A_190 : memref<1x160x128xi32, #tpu.memory_space<hbm>> -> memref<160x128xi32, #tpu.memory_space<hbm>>
      tpu.wait_dma2 semaphore(%run_scoped3A_155 : memref<!tpu.dma_semaphore, #tpu.memory_space<semaphore_mem>>) src(%dma_wait3A_191 : memref<160x128xi32, #tpu.memory_space<hbm>>) dst(%arg7 : memref<160x128xi32, #tpu.memory_space<vmem>>)
      tpu.yield
    }) : () -> ()
    "tpu.region"() ({
      %run_scoped3A_155 = tpu.sem_alloc : memref<!tpu.dma_semaphore, #tpu.memory_space<semaphore_mem>>
      %dma_start3A_156 = arith.constant 0 : i32
      %dma_start3A_157 = arith.constant 0 : i32
      %dma_start3A_158 = tpu.memref_slice %arg4[%arg1, %dma_start3A_156, %dma_start3A_157] : memref<16x160x128xi32, #tpu.memory_space<hbm>> -> memref<1x160x128xi32, #tpu.memory_space<hbm>>
      %dma_start3A_159 = tpu.memref_squeeze %dma_start3A_158 : memref<1x160x128xi32, #tpu.memory_space<hbm>> -> memref<160x128xi32, #tpu.memory_space<hbm>>
      %dma_start3A_160 = arith.constant 0 : i32
      %dma_start3A_161 = arith.constant 0 : i32
      %dma_start3A_162 = tpu.memref_slice %arg4[%arg1, %dma_start3A_160, %dma_start3A_161] : memref<16x160x128xi32, #tpu.memory_space<hbm>> -> memref<1x160x128xi32, #tpu.memory_space<hbm>>
      %dma_start3A_163 = tpu.memref_squeeze %dma_start3A_162 : memref<1x160x128xi32, #tpu.memory_space<hbm>> -> memref<160x128xi32, #tpu.memory_space<hbm>>
      tpu.enqueue_dma source(%dma_start3A_163 : memref<160x128xi32, #tpu.memory_space<hbm>>) target(%arg8 : memref<160x128xi32, #tpu.memory_space<vmem>>) target_semaphore(%run_scoped3A_155 : memref<!tpu.dma_semaphore, #tpu.memory_space<semaphore_mem>>)
      %dma_wait3A_164 = arith.constant 0 : i32
      %dma_wait3A_165 = arith.constant 0 : i32
      %dma_wait3A_166 = tpu.memref_slice %arg4[%arg1, %dma_wait3A_164, %dma_wait3A_165] : memref<16x160x128xi32, #tpu.memory_space<hbm>> -> memref<1x160x128xi32, #tpu.memory_space<hbm>>
      %dma_wait3A_167 = tpu.memref_squeeze %dma_wait3A_166 : memref<1x160x128xi32, #tpu.memory_space<hbm>> -> memref<160x128xi32, #tpu.memory_space<hbm>>
      %dma_wait3A_168 = arith.constant 0 : i32
      %dma_wait3A_169 = arith.constant 0 : i32
      %dma_wait3A_170 = tpu.memref_slice %arg4[%arg1, %dma_wait3A_168, %dma_wait3A_169] : memref<16x160x128xi32, #tpu.memory_space<hbm>> -> memref<1x160x128xi32, #tpu.memory_space<hbm>>
      %dma_wait3A_171 = tpu.memref_squeeze %dma_wait3A_170 : memref<1x160x128xi32, #tpu.memory_space<hbm>> -> memref<160x128xi32, #tpu.memory_space<hbm>>
      tpu.wait_dma2 semaphore(%run_scoped3A_155 : memref<!tpu.dma_semaphore, #tpu.memory_space<semaphore_mem>>) src(%dma_wait3A_171 : memref<160x128xi32, #tpu.memory_space<hbm>>) dst(%arg8 : memref<160x128xi32, #tpu.memory_space<vmem>>)
      tpu.yield
    }) : () -> ()
    "tpu.region"() ({
      %run_scoped3A_155 = tpu.sem_alloc : memref<!tpu.dma_semaphore, #tpu.memory_space<semaphore_mem>>
      tpu.enqueue_dma source(%arg5 : memref<128x64xf32, #tpu.memory_space<hbm>>) target(%arg10 : memref<128x64xf32, #tpu.memory_space<vmem>>) target_semaphore(%run_scoped3A_155 : memref<!tpu.dma_semaphore, #tpu.memory_space<semaphore_mem>>)
      tpu.wait_dma2 semaphore(%run_scoped3A_155 : memref<!tpu.dma_semaphore, #tpu.memory_space<semaphore_mem>>) src(%arg5 : memref<128x64xf32, #tpu.memory_space<hbm>>) dst(%arg10 : memref<128x64xf32, #tpu.memory_space<vmem>>)
      tpu.yield
    }) : () -> ()
    %mul3A = arith.constant 640 : i32
    %mul3A_0 = arith.muli %arg1, %mul3A : i32
    %add3A = arith.constant 0 : i32
    %add3A_1 = arith.addi %mul3A_0, %add3A : i32
    "tpu.region"() ({
      %run_scoped3A_155 = tpu.sem_alloc : memref<!tpu.dma_semaphore, #tpu.memory_space<semaphore_mem>>
      %dma_start3A_156 = arith.constant 0 : i32
      %dma_start3A_157 = tpu.memref_slice %arg11[%add3A_1, %dma_start3A_156] : memref<10240x64xf32, #tpu.memory_space<vmem_shared>> -> memref<128x64xf32, #tpu.memory_space<vmem_shared>>
      %dma_start3A_158 = arith.constant 0 : i32
      %dma_start3A_159 = tpu.memref_slice %arg11[%add3A_1, %dma_start3A_158] : memref<10240x64xf32, #tpu.memory_space<vmem_shared>> -> memref<128x64xf32, #tpu.memory_space<vmem_shared>>
      tpu.enqueue_dma source(%arg10 : memref<128x64xf32, #tpu.memory_space<vmem>>) target(%dma_start3A_159 : memref<128x64xf32, #tpu.memory_space<vmem_shared>>) target_semaphore(%run_scoped3A_155 : memref<!tpu.dma_semaphore, #tpu.memory_space<semaphore_mem>>)
      %dma_wait3A_160 = arith.constant 0 : i32
      %dma_wait3A_161 = tpu.memref_slice %arg11[%add3A_1, %dma_wait3A_160] : memref<10240x64xf32, #tpu.memory_space<vmem_shared>> -> memref<128x64xf32, #tpu.memory_space<vmem_shared>>
      %dma_wait3A_162 = arith.constant 0 : i32
      %dma_wait3A_163 = tpu.memref_slice %arg11[%add3A_1, %dma_wait3A_162] : memref<10240x64xf32, #tpu.memory_space<vmem_shared>> -> memref<128x64xf32, #tpu.memory_space<vmem_shared>>
      tpu.wait_dma2 semaphore(%run_scoped3A_155 : memref<!tpu.dma_semaphore, #tpu.memory_space<semaphore_mem>>) src(%arg10 : memref<128x64xf32, #tpu.memory_space<vmem>>) dst(%dma_wait3A_163 : memref<128x64xf32, #tpu.memory_space<vmem_shared>>)
      tpu.yield
    }) : () -> ()
    %mul3A_2 = arith.constant 640 : i32
    %mul3A_3 = arith.muli %arg1, %mul3A_2 : i32
    %add3A_4 = arith.constant 128 : i32
    %add3A_5 = arith.addi %mul3A_3, %add3A_4 : i32
    "tpu.region"() ({
      %run_scoped3A_155 = tpu.sem_alloc : memref<!tpu.dma_semaphore, #tpu.memory_space<semaphore_mem>>
      %dma_start3A_156 = arith.constant 0 : i32
      %dma_start3A_157 = tpu.memref_slice %arg11[%add3A_5, %dma_start3A_156] : memref<10240x64xf32, #tpu.memory_space<vmem_shared>> -> memref<128x64xf32, #tpu.memory_space<vmem_shared>>
      %dma_start3A_158 = arith.constant 0 : i32
      %dma_start3A_159 = tpu.memref_slice %arg11[%add3A_5, %dma_start3A_158] : memref<10240x64xf32, #tpu.memory_space<vmem_shared>> -> memref<128x64xf32, #tpu.memory_space<vmem_shared>>
      tpu.enqueue_dma source(%arg10 : memref<128x64xf32, #tpu.memory_space<vmem>>) target(%dma_start3A_159 : memref<128x64xf32, #tpu.memory_space<vmem_shared>>) target_semaphore(%run_scoped3A_155 : memref<!tpu.dma_semaphore, #tpu.memory_space<semaphore_mem>>)
      %dma_wait3A_160 = arith.constant 0 : i32
      %dma_wait3A_161 = tpu.memref_slice %arg11[%add3A_5, %dma_wait3A_160] : memref<10240x64xf32, #tpu.memory_space<vmem_shared>> -> memref<128x64xf32, #tpu.memory_space<vmem_shared>>
      %dma_wait3A_162 = arith.constant 0 : i32
      %dma_wait3A_163 = tpu.memref_slice %arg11[%add3A_5, %dma_wait3A_162] : memref<10240x64xf32, #tpu.memory_space<vmem_shared>> -> memref<128x64xf32, #tpu.memory_space<vmem_shared>>
      tpu.wait_dma2 semaphore(%run_scoped3A_155 : memref<!tpu.dma_semaphore, #tpu.memory_space<semaphore_mem>>) src(%arg10 : memref<128x64xf32, #tpu.memory_space<vmem>>) dst(%dma_wait3A_163 : memref<128x64xf32, #tpu.memory_space<vmem_shared>>)
      tpu.yield
    }) : () -> ()
    %mul3A_6 = arith.constant 640 : i32
    %mul3A_7 = arith.muli %arg1, %mul3A_6 : i32
    %add3A_8 = arith.constant 256 : i32
    %add3A_9 = arith.addi %mul3A_7, %add3A_8 : i32
    "tpu.region"() ({
      %run_scoped3A_155 = tpu.sem_alloc : memref<!tpu.dma_semaphore, #tpu.memory_space<semaphore_mem>>
      %dma_start3A_156 = arith.constant 0 : i32
      %dma_start3A_157 = tpu.memref_slice %arg11[%add3A_9, %dma_start3A_156] : memref<10240x64xf32, #tpu.memory_space<vmem_shared>> -> memref<128x64xf32, #tpu.memory_space<vmem_shared>>
      %dma_start3A_158 = arith.constant 0 : i32
      %dma_start3A_159 = tpu.memref_slice %arg11[%add3A_9, %dma_start3A_158] : memref<10240x64xf32, #tpu.memory_space<vmem_shared>> -> memref<128x64xf32, #tpu.memory_space<vmem_shared>>
      tpu.enqueue_dma source(%arg10 : memref<128x64xf32, #tpu.memory_space<vmem>>) target(%dma_start3A_159 : memref<128x64xf32, #tpu.memory_space<vmem_shared>>) target_semaphore(%run_scoped3A_155 : memref<!tpu.dma_semaphore, #tpu.memory_space<semaphore_mem>>)
      %dma_wait3A_160 = arith.constant 0 : i32
      %dma_wait3A_161 = tpu.memref_slice %arg11[%add3A_9, %dma_wait3A_160] : memref<10240x64xf32, #tpu.memory_space<vmem_shared>> -> memref<128x64xf32, #tpu.memory_space<vmem_shared>>
      %dma_wait3A_162 = arith.constant 0 : i32
      %dma_wait3A_163 = tpu.memref_slice %arg11[%add3A_9, %dma_wait3A_162] : memref<10240x64xf32, #tpu.memory_space<vmem_shared>> -> memref<128x64xf32, #tpu.memory_space<vmem_shared>>
      tpu.wait_dma2 semaphore(%run_scoped3A_155 : memref<!tpu.dma_semaphore, #tpu.memory_space<semaphore_mem>>) src(%arg10 : memref<128x64xf32, #tpu.memory_space<vmem>>) dst(%dma_wait3A_163 : memref<128x64xf32, #tpu.memory_space<vmem_shared>>)
      tpu.yield
    }) : () -> ()
    %mul3A_10 = arith.constant 640 : i32
    %mul3A_11 = arith.muli %arg1, %mul3A_10 : i32
    %add3A_12 = arith.constant 384 : i32
    %add3A_13 = arith.addi %mul3A_11, %add3A_12 : i32
    "tpu.region"() ({
      %run_scoped3A_155 = tpu.sem_alloc : memref<!tpu.dma_semaphore, #tpu.memory_space<semaphore_mem>>
      %dma_start3A_156 = arith.constant 0 : i32
      %dma_start3A_157 = tpu.memref_slice %arg11[%add3A_13, %dma_start3A_156] : memref<10240x64xf32, #tpu.memory_space<vmem_shared>> -> memref<128x64xf32, #tpu.memory_space<vmem_shared>>
      %dma_start3A_158 = arith.constant 0 : i32
      %dma_start3A_159 = tpu.memref_slice %arg11[%add3A_13, %dma_start3A_158] : memref<10240x64xf32, #tpu.memory_space<vmem_shared>> -> memref<128x64xf32, #tpu.memory_space<vmem_shared>>
      tpu.enqueue_dma source(%arg10 : memref<128x64xf32, #tpu.memory_space<vmem>>) target(%dma_start3A_159 : memref<128x64xf32, #tpu.memory_space<vmem_shared>>) target_semaphore(%run_scoped3A_155 : memref<!tpu.dma_semaphore, #tpu.memory_space<semaphore_mem>>)
      %dma_wait3A_160 = arith.constant 0 : i32
      %dma_wait3A_161 = tpu.memref_slice %arg11[%add3A_13, %dma_wait3A_160] : memref<10240x64xf32, #tpu.memory_space<vmem_shared>> -> memref<128x64xf32, #tpu.memory_space<vmem_shared>>
      %dma_wait3A_162 = arith.constant 0 : i32
      %dma_wait3A_163 = tpu.memref_slice %arg11[%add3A_13, %dma_wait3A_162] : memref<10240x64xf32, #tpu.memory_space<vmem_shared>> -> memref<128x64xf32, #tpu.memory_space<vmem_shared>>
      tpu.wait_dma2 semaphore(%run_scoped3A_155 : memref<!tpu.dma_semaphore, #tpu.memory_space<semaphore_mem>>) src(%arg10 : memref<128x64xf32, #tpu.memory_space<vmem>>) dst(%dma_wait3A_163 : memref<128x64xf32, #tpu.memory_space<vmem_shared>>)
      tpu.yield
    }) : () -> ()
    %mul3A_14 = arith.constant 640 : i32
    %mul3A_15 = arith.muli %arg1, %mul3A_14 : i32
    %add3A_16 = arith.constant 512 : i32
    %add3A_17 = arith.addi %mul3A_15, %add3A_16 : i32
    "tpu.region"() ({
      %run_scoped3A_155 = tpu.sem_alloc : memref<!tpu.dma_semaphore, #tpu.memory_space<semaphore_mem>>
      %dma_start3A_156 = arith.constant 0 : i32
      %dma_start3A_157 = tpu.memref_slice %arg11[%add3A_17, %dma_start3A_156] : memref<10240x64xf32, #tpu.memory_space<vmem_shared>> -> memref<128x64xf32, #tpu.memory_space<vmem_shared>>
      %dma_start3A_158 = arith.constant 0 : i32
      %dma_start3A_159 = tpu.memref_slice %arg11[%add3A_17, %dma_start3A_158] : memref<10240x64xf32, #tpu.memory_space<vmem_shared>> -> memref<128x64xf32, #tpu.memory_space<vmem_shared>>
      tpu.enqueue_dma source(%arg10 : memref<128x64xf32, #tpu.memory_space<vmem>>) target(%dma_start3A_159 : memref<128x64xf32, #tpu.memory_space<vmem_shared>>) target_semaphore(%run_scoped3A_155 : memref<!tpu.dma_semaphore, #tpu.memory_space<semaphore_mem>>)
      %dma_wait3A_160 = arith.constant 0 : i32
      %dma_wait3A_161 = tpu.memref_slice %arg11[%add3A_17, %dma_wait3A_160] : memref<10240x64xf32, #tpu.memory_space<vmem_shared>> -> memref<128x64xf32, #tpu.memory_space<vmem_shared>>
      %dma_wait3A_162 = arith.constant 0 : i32
      %dma_wait3A_163 = tpu.memref_slice %arg11[%add3A_17, %dma_wait3A_162] : memref<10240x64xf32, #tpu.memory_space<vmem_shared>> -> memref<128x64xf32, #tpu.memory_space<vmem_shared>>
      tpu.wait_dma2 semaphore(%run_scoped3A_155 : memref<!tpu.dma_semaphore, #tpu.memory_space<semaphore_mem>>) src(%arg10 : memref<128x64xf32, #tpu.memory_space<vmem>>) dst(%dma_wait3A_163 : memref<128x64xf32, #tpu.memory_space<vmem_shared>>)
      tpu.yield
    }) : () -> ()
    %barrier3A = arith.constant 0 : index
    tpu.barrier barrier_id(%barrier3A)
    %dma_start3A = arith.constant 0 : i32
    %dma_start3A_18 = arith.constant 0 : i32
    %dma_start3A_19 = arith.constant 0 : i32
    %dma_start3A_20 = arith.constant 0 : i32
    %dma_start3A_21 = tpu.memref_slice %arg9[%dma_start3A_18, %dma_start3A_19, %dma_start3A_20] : memref<4x128x64xf32, #tpu.memory_space<vmem>> -> memref<1x128x64xf32, #tpu.memory_space<vmem>>
    %dma_start3A_22 = tpu.memref_squeeze %dma_start3A_21 : memref<1x128x64xf32, #tpu.memory_space<vmem>> -> memref<128x64xf32, #tpu.memory_space<vmem>>
    %dma_start3A_23 = arith.constant 0 : i32
    %dma_start3A_24 = tpu.memref_slice %arg7[%dma_start3A, %dma_start3A_23] : memref<160x128xi32, #tpu.memory_space<vmem>> -> memref<1x128xi32, #tpu.memory_space<vmem>>
    %dma_start3A_25 = tpu.memref_squeeze %dma_start3A_24 : memref<1x128xi32, #tpu.memory_space<vmem>> -> memref<128xi32, #tpu.memory_space<vmem>>
    %dma_start3A_26 = arith.constant 0 : i32
    %dma_start3A_27 = arith.constant 0 : i32
    %dma_start3A_28 = tpu.memref_slice %arg2[%dma_start3A_26, %dma_start3A_27] : memref<20000x64xf32, #tpu.memory_space<hbm>> -> memref<20000x64xf32, #tpu.memory_space<hbm>>
    tpu.enqueue_indirect_dma source(%dma_start3A_28 : memref<20000x64xf32, #tpu.memory_space<hbm>>) target(%dma_start3A_22 : memref<128x64xf32, #tpu.memory_space<vmem>>) offsets(%dma_start3A_25 : memref<128xi32, #tpu.memory_space<vmem>>) semaphore(%arg12 : memref<!tpu.dma_semaphore, #tpu.memory_space<semaphore_mem>>)
    %dma_start3A_29 = arith.constant 1 : i32
    %dma_start3A_30 = arith.constant 1 : i32
    %dma_start3A_31 = arith.constant 0 : i32
    %dma_start3A_32 = arith.constant 0 : i32
    %dma_start3A_33 = tpu.memref_slice %arg9[%dma_start3A_30, %dma_start3A_31, %dma_start3A_32] : memref<4x128x64xf32, #tpu.memory_space<vmem>> -> memref<1x128x64xf32, #tpu.memory_space<vmem>>
    %dma_start3A_34 = tpu.memref_squeeze %dma_start3A_33 : memref<1x128x64xf32, #tpu.memory_space<vmem>> -> memref<128x64xf32, #tpu.memory_space<vmem>>
    %dma_start3A_35 = arith.constant 0 : i32
    %dma_start3A_36 = tpu.memref_slice %arg7[%dma_start3A_29, %dma_start3A_35] : memref<160x128xi32, #tpu.memory_space<vmem>> -> memref<1x128xi32, #tpu.memory_space<vmem>>
    %dma_start3A_37 = tpu.memref_squeeze %dma_start3A_36 : memref<1x128xi32, #tpu.memory_space<vmem>> -> memref<128xi32, #tpu.memory_space<vmem>>
    %dma_start3A_38 = arith.constant 0 : i32
    %dma_start3A_39 = arith.constant 0 : i32
    %dma_start3A_40 = tpu.memref_slice %arg2[%dma_start3A_38, %dma_start3A_39] : memref<20000x64xf32, #tpu.memory_space<hbm>> -> memref<20000x64xf32, #tpu.memory_space<hbm>>
    tpu.enqueue_indirect_dma source(%dma_start3A_40 : memref<20000x64xf32, #tpu.memory_space<hbm>>) target(%dma_start3A_34 : memref<128x64xf32, #tpu.memory_space<vmem>>) offsets(%dma_start3A_37 : memref<128xi32, #tpu.memory_space<vmem>>) semaphore(%arg13 : memref<!tpu.dma_semaphore, #tpu.memory_space<semaphore_mem>>)
    %dma_start3A_41 = arith.constant 2 : i32
    %dma_start3A_42 = arith.constant 2 : i32
    %dma_start3A_43 = arith.constant 0 : i32
    %dma_start3A_44 = arith.constant 0 : i32
    %dma_start3A_45 = tpu.memref_slice %arg9[%dma_start3A_42, %dma_start3A_43, %dma_start3A_44] : memref<4x128x64xf32, #tpu.memory_space<vmem>> -> memref<1x128x64xf32, #tpu.memory_space<vmem>>
    %dma_start3A_46 = tpu.memref_squeeze %dma_start3A_45 : memref<1x128x64xf32, #tpu.memory_space<vmem>> -> memref<128x64xf32, #tpu.memory_space<vmem>>
    %dma_start3A_47 = arith.constant 0 : i32
    %dma_start3A_48 = tpu.memref_slice %arg7[%dma_start3A_41, %dma_start3A_47] : memref<160x128xi32, #tpu.memory_space<vmem>> -> memref<1x128xi32, #tpu.memory_space<vmem>>
    %dma_start3A_49 = tpu.memref_squeeze %dma_start3A_48 : memref<1x128xi32, #tpu.memory_space<vmem>> -> memref<128xi32, #tpu.memory_space<vmem>>
    %dma_start3A_50 = arith.constant 0 : i32
    %dma_start3A_51 = arith.constant 0 : i32
    %dma_start3A_52 = tpu.memref_slice %arg2[%dma_start3A_50, %dma_start3A_51] : memref<20000x64xf32, #tpu.memory_space<hbm>> -> memref<20000x64xf32, #tpu.memory_space<hbm>>
    tpu.enqueue_indirect_dma source(%dma_start3A_52 : memref<20000x64xf32, #tpu.memory_space<hbm>>) target(%dma_start3A_46 : memref<128x64xf32, #tpu.memory_space<vmem>>) offsets(%dma_start3A_49 : memref<128xi32, #tpu.memory_space<vmem>>) semaphore(%arg14 : memref<!tpu.dma_semaphore, #tpu.memory_space<semaphore_mem>>)
    %dma_start3A_53 = arith.constant 3 : i32
    %dma_start3A_54 = arith.constant 3 : i32
    %dma_start3A_55 = arith.constant 0 : i32
    %dma_start3A_56 = arith.constant 0 : i32
    %dma_start3A_57 = tpu.memref_slice %arg9[%dma_start3A_54, %dma_start3A_55, %dma_start3A_56] : memref<4x128x64xf32, #tpu.memory_space<vmem>> -> memref<1x128x64xf32, #tpu.memory_space<vmem>>
    %dma_start3A_58 = tpu.memref_squeeze %dma_start3A_57 : memref<1x128x64xf32, #tpu.memory_space<vmem>> -> memref<128x64xf32, #tpu.memory_space<vmem>>
    %dma_start3A_59 = arith.constant 0 : i32
    %dma_start3A_60 = tpu.memref_slice %arg7[%dma_start3A_53, %dma_start3A_59] : memref<160x128xi32, #tpu.memory_space<vmem>> -> memref<1x128xi32, #tpu.memory_space<vmem>>
    %dma_start3A_61 = tpu.memref_squeeze %dma_start3A_60 : memref<1x128xi32, #tpu.memory_space<vmem>> -> memref<128xi32, #tpu.memory_space<vmem>>
    %dma_start3A_62 = arith.constant 0 : i32
    %dma_start3A_63 = arith.constant 0 : i32
    %dma_start3A_64 = tpu.memref_slice %arg2[%dma_start3A_62, %dma_start3A_63] : memref<20000x64xf32, #tpu.memory_space<hbm>> -> memref<20000x64xf32, #tpu.memory_space<hbm>>
    tpu.enqueue_indirect_dma source(%dma_start3A_64 : memref<20000x64xf32, #tpu.memory_space<hbm>>) target(%dma_start3A_58 : memref<128x64xf32, #tpu.memory_space<vmem>>) offsets(%dma_start3A_61 : memref<128xi32, #tpu.memory_space<vmem>>) semaphore(%arg15 : memref<!tpu.dma_semaphore, #tpu.memory_space<semaphore_mem>>)
    %scan3A = arith.constant 0 : i32
    %scan3A_65 = arith.constant 0 : i32
    %scan3A_66 = arith.constant 39 : i32
    %scan3A_67 = arith.addi %scan3A_65, %scan3A_66 : i32
    %scan3A_68 = arith.constant 1 : i32
    scf.for %scan3A_155 = %scan3A_65 to %scan3A_67 step %scan3A_68  : i32 {
      %mul3A_156 = arith.constant 4 : i32
      %mul3A_157 = arith.muli %scan3A_155, %mul3A_156 : i32
      %add3A_158 = arith.constant 0 : i32
      %add3A_159 = arith.addi %mul3A_157, %add3A_158 : i32
      %dma_wait3A_160 = arith.constant 0 : i32
      %dma_wait3A_161 = arith.constant 0 : i32
      %dma_wait3A_162 = arith.constant 0 : i32
      %dma_wait3A_163 = tpu.memref_slice %arg9[%dma_wait3A_160, %dma_wait3A_161, %dma_wait3A_162] : memref<4x128x64xf32, #tpu.memory_space<vmem>> -> memref<1x128x64xf32, #tpu.memory_space<vmem>>
      %dma_wait3A_164 = tpu.memref_squeeze %dma_wait3A_163 : memref<1x128x64xf32, #tpu.memory_space<vmem>> -> memref<128x64xf32, #tpu.memory_space<vmem>>
      %dma_wait3A_165 = arith.constant 0 : i32
      %dma_wait3A_166 = tpu.memref_slice %arg7[%add3A_159, %dma_wait3A_165] : memref<160x128xi32, #tpu.memory_space<vmem>> -> memref<1x128xi32, #tpu.memory_space<vmem>>
      %dma_wait3A_167 = tpu.memref_squeeze %dma_wait3A_166 : memref<1x128xi32, #tpu.memory_space<vmem>> -> memref<128xi32, #tpu.memory_space<vmem>>
      %dma_wait3A_168 = arith.constant 0 : i32
      %dma_wait3A_169 = arith.constant 0 : i32
      %dma_wait3A_170 = tpu.memref_slice %arg2[%dma_wait3A_168, %dma_wait3A_169] : memref<20000x64xf32, #tpu.memory_space<hbm>> -> memref<20000x64xf32, #tpu.memory_space<hbm>>
      tpu.wait_indirect_dma semaphore(%arg12 : memref<!tpu.dma_semaphore, #tpu.memory_space<semaphore_mem>>) src(%dma_wait3A_170 : memref<20000x64xf32, #tpu.memory_space<hbm>>) dst(%dma_wait3A_164 : memref<128x64xf32, #tpu.memory_space<vmem>>)
      %run_scoped3A_171 = arith.constant 0 : i32
      "tpu.region"() ({
        %run_scoped3A_272 = tpu.sem_alloc : memref<!tpu.dma_semaphore, #tpu.memory_space<semaphore_mem>>
        %dma_start3A_273 = arith.constant 0 : i32
        %dma_start3A_274 = arith.constant 0 : i32
        %dma_start3A_275 = tpu.memref_slice %arg9[%run_scoped3A_171, %dma_start3A_273, %dma_start3A_274] : memref<4x128x64xf32, #tpu.memory_space<vmem>> -> memref<1x128x64xf32, #tpu.memory_space<vmem>>
        %dma_start3A_276 = tpu.memref_squeeze %dma_start3A_275 : memref<1x128x64xf32, #tpu.memory_space<vmem>> -> memref<128x64xf32, #tpu.memory_space<vmem>>
        %dma_start3A_277 = arith.constant 0 : i32
        %dma_start3A_278 = tpu.memref_slice %arg8[%add3A_159, %dma_start3A_277] : memref<160x128xi32, #tpu.memory_space<vmem>> -> memref<1x128xi32, #tpu.memory_space<vmem>>
        %dma_start3A_279 = tpu.memref_squeeze %dma_start3A_278 : memref<1x128xi32, #tpu.memory_space<vmem>> -> memref<128xi32, #tpu.memory_space<vmem>>
        %dma_start3A_280 = arith.constant 0 : i32
        %dma_start3A_281 = arith.constant 0 : i32
        %dma_start3A_282 = tpu.memref_slice %arg11[%dma_start3A_280, %dma_start3A_281] : memref<10240x64xf32, #tpu.memory_space<vmem_shared>> -> memref<10240x64xf32, #tpu.memory_space<vmem_shared>>
        tpu.enqueue_indirect_dma source(%dma_start3A_276 : memref<128x64xf32, #tpu.memory_space<vmem>>) target(%dma_start3A_282 : memref<10240x64xf32, #tpu.memory_space<vmem_shared>>) offsets(%dma_start3A_279 : memref<128xi32, #tpu.memory_space<vmem>>) semaphore(%run_scoped3A_272 : memref<!tpu.dma_semaphore, #tpu.memory_space<semaphore_mem>>) {add = true}
        %dma_wait3A_283 = arith.constant 0 : i32
        %dma_wait3A_284 = arith.constant 0 : i32
        %dma_wait3A_285 = tpu.memref_slice %arg9[%run_scoped3A_171, %dma_wait3A_283, %dma_wait3A_284] : memref<4x128x64xf32, #tpu.memory_space<vmem>> -> memref<1x128x64xf32, #tpu.memory_space<vmem>>
        %dma_wait3A_286 = tpu.memref_squeeze %dma_wait3A_285 : memref<1x128x64xf32, #tpu.memory_space<vmem>> -> memref<128x64xf32, #tpu.memory_space<vmem>>
        %dma_wait3A_287 = arith.constant 0 : i32
        %dma_wait3A_288 = tpu.memref_slice %arg8[%add3A_159, %dma_wait3A_287] : memref<160x128xi32, #tpu.memory_space<vmem>> -> memref<1x128xi32, #tpu.memory_space<vmem>>
        %dma_wait3A_289 = tpu.memref_squeeze %dma_wait3A_288 : memref<1x128xi32, #tpu.memory_space<vmem>> -> memref<128xi32, #tpu.memory_space<vmem>>
        %dma_wait3A_290 = arith.constant 0 : i32
        %dma_wait3A_291 = arith.constant 0 : i32
        %dma_wait3A_292 = tpu.memref_slice %arg11[%dma_wait3A_290, %dma_wait3A_291] : memref<10240x64xf32, #tpu.memory_space<vmem_shared>> -> memref<10240x64xf32, #tpu.memory_space<vmem_shared>>
        tpu.wait_indirect_dma semaphore(%run_scoped3A_272 : memref<!tpu.dma_semaphore, #tpu.memory_space<semaphore_mem>>) src(%dma_wait3A_286 : memref<128x64xf32, #tpu.memory_space<vmem>>) dst(%dma_wait3A_292 : memref<10240x64xf32, #tpu.memory_space<vmem_shared>>)
        tpu.yield
      }) : () -> ()
      %add3A_172 = arith.constant 4 : i32
      %add3A_173 = arith.addi %add3A_159, %add3A_172 : i32
      %dma_start3A_174 = arith.constant 0 : i32
      %dma_start3A_175 = arith.constant 0 : i32
      %dma_start3A_176 = arith.constant 0 : i32
      %dma_start3A_177 = tpu.memref_slice %arg9[%dma_start3A_174, %dma_start3A_175, %dma_start3A_176] : memref<4x128x64xf32, #tpu.memory_space<vmem>> -> memref<1x128x64xf32, #tpu.memory_space<vmem>>
      %dma_start3A_178 = tpu.memref_squeeze %dma_start3A_177 : memref<1x128x64xf32, #tpu.memory_space<vmem>> -> memref<128x64xf32, #tpu.memory_space<vmem>>
      %dma_start3A_179 = arith.constant 0 : i32
      %dma_start3A_180 = tpu.memref_slice %arg7[%add3A_173, %dma_start3A_179] : memref<160x128xi32, #tpu.memory_space<vmem>> -> memref<1x128xi32, #tpu.memory_space<vmem>>
      %dma_start3A_181 = tpu.memref_squeeze %dma_start3A_180 : memref<1x128xi32, #tpu.memory_space<vmem>> -> memref<128xi32, #tpu.memory_space<vmem>>
      %dma_start3A_182 = arith.constant 0 : i32
      %dma_start3A_183 = arith.constant 0 : i32
      %dma_start3A_184 = tpu.memref_slice %arg2[%dma_start3A_182, %dma_start3A_183] : memref<20000x64xf32, #tpu.memory_space<hbm>> -> memref<20000x64xf32, #tpu.memory_space<hbm>>
      tpu.enqueue_indirect_dma source(%dma_start3A_184 : memref<20000x64xf32, #tpu.memory_space<hbm>>) target(%dma_start3A_178 : memref<128x64xf32, #tpu.memory_space<vmem>>) offsets(%dma_start3A_181 : memref<128xi32, #tpu.memory_space<vmem>>) semaphore(%arg12 : memref<!tpu.dma_semaphore, #tpu.memory_space<semaphore_mem>>)
      %mul3A_185 = arith.constant 4 : i32
      %mul3A_186 = arith.muli %scan3A_155, %mul3A_185 : i32
      %add3A_187 = arith.constant 1 : i32
      %add3A_188 = arith.addi %mul3A_186, %add3A_187 : i32
      %dma_wait3A_189 = arith.constant 1 : i32
      %dma_wait3A_190 = arith.constant 0 : i32
      %dma_wait3A_191 = arith.constant 0 : i32
      %dma_wait3A_192 = tpu.memref_slice %arg9[%dma_wait3A_189, %dma_wait3A_190, %dma_wait3A_191] : memref<4x128x64xf32, #tpu.memory_space<vmem>> -> memref<1x128x64xf32, #tpu.memory_space<vmem>>
      %dma_wait3A_193 = tpu.memref_squeeze %dma_wait3A_192 : memref<1x128x64xf32, #tpu.memory_space<vmem>> -> memref<128x64xf32, #tpu.memory_space<vmem>>
      %dma_wait3A_194 = arith.constant 0 : i32
      %dma_wait3A_195 = tpu.memref_slice %arg7[%add3A_188, %dma_wait3A_194] : memref<160x128xi32, #tpu.memory_space<vmem>> -> memref<1x128xi32, #tpu.memory_space<vmem>>
      %dma_wait3A_196 = tpu.memref_squeeze %dma_wait3A_195 : memref<1x128xi32, #tpu.memory_space<vmem>> -> memref<128xi32, #tpu.memory_space<vmem>>
      %dma_wait3A_197 = arith.constant 0 : i32
      %dma_wait3A_198 = arith.constant 0 : i32
      %dma_wait3A_199 = tpu.memref_slice %arg2[%dma_wait3A_197, %dma_wait3A_198] : memref<20000x64xf32, #tpu.memory_space<hbm>> -> memref<20000x64xf32, #tpu.memory_space<hbm>>
      tpu.wait_indirect_dma semaphore(%arg13 : memref<!tpu.dma_semaphore, #tpu.memory_space<semaphore_mem>>) src(%dma_wait3A_199 : memref<20000x64xf32, #tpu.memory_space<hbm>>) dst(%dma_wait3A_193 : memref<128x64xf32, #tpu.memory_space<vmem>>)
      %run_scoped3A_200 = arith.constant 1 : i32
      "tpu.region"() ({
        %run_scoped3A_272 = tpu.sem_alloc : memref<!tpu.dma_semaphore, #tpu.memory_space<semaphore_mem>>
        %dma_start3A_273 = arith.constant 0 : i32
        %dma_start3A_274 = arith.constant 0 : i32
        %dma_start3A_275 = tpu.memref_slice %arg9[%run_scoped3A_200, %dma_start3A_273, %dma_start3A_274] : memref<4x128x64xf32, #tpu.memory_space<vmem>> -> memref<1x128x64xf32, #tpu.memory_space<vmem>>
        %dma_start3A_276 = tpu.memref_squeeze %dma_start3A_275 : memref<1x128x64xf32, #tpu.memory_space<vmem>> -> memref<128x64xf32, #tpu.memory_space<vmem>>
        %dma_start3A_277 = arith.constant 0 : i32
        %dma_start3A_278 = tpu.memref_slice %arg8[%add3A_188, %dma_start3A_277] : memref<160x128xi32, #tpu.memory_space<vmem>> -> memref<1x128xi32, #tpu.memory_space<vmem>>
        %dma_start3A_279 = tpu.memref_squeeze %dma_start3A_278 : memref<1x128xi32, #tpu.memory_space<vmem>> -> memref<128xi32, #tpu.memory_space<vmem>>
        %dma_start3A_280 = arith.constant 0 : i32
        %dma_start3A_281 = arith.constant 0 : i32
        %dma_start3A_282 = tpu.memref_slice %arg11[%dma_start3A_280, %dma_start3A_281] : memref<10240x64xf32, #tpu.memory_space<vmem_shared>> -> memref<10240x64xf32, #tpu.memory_space<vmem_shared>>
        tpu.enqueue_indirect_dma source(%dma_start3A_276 : memref<128x64xf32, #tpu.memory_space<vmem>>) target(%dma_start3A_282 : memref<10240x64xf32, #tpu.memory_space<vmem_shared>>) offsets(%dma_start3A_279 : memref<128xi32, #tpu.memory_space<vmem>>) semaphore(%run_scoped3A_272 : memref<!tpu.dma_semaphore, #tpu.memory_space<semaphore_mem>>) {add = true}
        %dma_wait3A_283 = arith.constant 0 : i32
        %dma_wait3A_284 = arith.constant 0 : i32
        %dma_wait3A_285 = tpu.memref_slice %arg9[%run_scoped3A_200, %dma_wait3A_283, %dma_wait3A_284] : memref<4x128x64xf32, #tpu.memory_space<vmem>> -> memref<1x128x64xf32, #tpu.memory_space<vmem>>
        %dma_wait3A_286 = tpu.memref_squeeze %dma_wait3A_285 : memref<1x128x64xf32, #tpu.memory_space<vmem>> -> memref<128x64xf32, #tpu.memory_space<vmem>>
        %dma_wait3A_287 = arith.constant 0 : i32
        %dma_wait3A_288 = tpu.memref_slice %arg8[%add3A_188, %dma_wait3A_287] : memref<160x128xi32, #tpu.memory_space<vmem>> -> memref<1x128xi32, #tpu.memory_space<vmem>>
        %dma_wait3A_289 = tpu.memref_squeeze %dma_wait3A_288 : memref<1x128xi32, #tpu.memory_space<vmem>> -> memref<128xi32, #tpu.memory_space<vmem>>
        %dma_wait3A_290 = arith.constant 0 : i32
        %dma_wait3A_291 = arith.constant 0 : i32
        %dma_wait3A_292 = tpu.memref_slice %arg11[%dma_wait3A_290, %dma_wait3A_291] : memref<10240x64xf32, #tpu.memory_space<vmem_shared>> -> memref<10240x64xf32, #tpu.memory_space<vmem_shared>>
        tpu.wait_indirect_dma semaphore(%run_scoped3A_272 : memref<!tpu.dma_semaphore, #tpu.memory_space<semaphore_mem>>) src(%dma_wait3A_286 : memref<128x64xf32, #tpu.memory_space<vmem>>) dst(%dma_wait3A_292 : memref<10240x64xf32, #tpu.memory_space<vmem_shared>>)
        tpu.yield
      }) : () -> ()
      %add3A_201 = arith.constant 4 : i32
      %add3A_202 = arith.addi %add3A_188, %add3A_201 : i32
      %dma_start3A_203 = arith.constant 1 : i32
      %dma_start3A_204 = arith.constant 0 : i32
      %dma_start3A_205 = arith.constant 0 : i32
      %dma_start3A_206 = tpu.memref_slice %arg9[%dma_start3A_203, %dma_start3A_204, %dma_start3A_205] : memref<4x128x64xf32, #tpu.memory_space<vmem>> -> memref<1x128x64xf32, #tpu.memory_space<vmem>>
      %dma_start3A_207 = tpu.memref_squeeze %dma_start3A_206 : memref<1x128x64xf32, #tpu.memory_space<vmem>> -> memref<128x64xf32, #tpu.memory_space<vmem>>
      %dma_start3A_208 = arith.constant 0 : i32
      %dma_start3A_209 = tpu.memref_slice %arg7[%add3A_202, %dma_start3A_208] : memref<160x128xi32, #tpu.memory_space<vmem>> -> memref<1x128xi32, #tpu.memory_space<vmem>>
      %dma_start3A_210 = tpu.memref_squeeze %dma_start3A_209 : memref<1x128xi32, #tpu.memory_space<vmem>> -> memref<128xi32, #tpu.memory_space<vmem>>
      %dma_start3A_211 = arith.constant 0 : i32
      %dma_start3A_212 = arith.constant 0 : i32
      %dma_start3A_213 = tpu.memref_slice %arg2[%dma_start3A_211, %dma_start3A_212] : memref<20000x64xf32, #tpu.memory_space<hbm>> -> memref<20000x64xf32, #tpu.memory_space<hbm>>
      tpu.enqueue_indirect_dma source(%dma_start3A_213 : memref<20000x64xf32, #tpu.memory_space<hbm>>) target(%dma_start3A_207 : memref<128x64xf32, #tpu.memory_space<vmem>>) offsets(%dma_start3A_210 : memref<128xi32, #tpu.memory_space<vmem>>) semaphore(%arg13 : memref<!tpu.dma_semaphore, #tpu.memory_space<semaphore_mem>>)
      %mul3A_214 = arith.constant 4 : i32
      %mul3A_215 = arith.muli %scan3A_155, %mul3A_214 : i32
      %add3A_216 = arith.constant 2 : i32
      %add3A_217 = arith.addi %mul3A_215, %add3A_216 : i32
      %dma_wait3A_218 = arith.constant 2 : i32
      %dma_wait3A_219 = arith.constant 0 : i32
      %dma_wait3A_220 = arith.constant 0 : i32
      %dma_wait3A_221 = tpu.memref_slice %arg9[%dma_wait3A_218, %dma_wait3A_219, %dma_wait3A_220] : memref<4x128x64xf32, #tpu.memory_space<vmem>> -> memref<1x128x64xf32, #tpu.memory_space<vmem>>
      %dma_wait3A_222 = tpu.memref_squeeze %dma_wait3A_221 : memref<1x128x64xf32, #tpu.memory_space<vmem>> -> memref<128x64xf32, #tpu.memory_space<vmem>>
      %dma_wait3A_223 = arith.constant 0 : i32
      %dma_wait3A_224 = tpu.memref_slice %arg7[%add3A_217, %dma_wait3A_223] : memref<160x128xi32, #tpu.memory_space<vmem>> -> memref<1x128xi32, #tpu.memory_space<vmem>>
      %dma_wait3A_225 = tpu.memref_squeeze %dma_wait3A_224 : memref<1x128xi32, #tpu.memory_space<vmem>> -> memref<128xi32, #tpu.memory_space<vmem>>
      %dma_wait3A_226 = arith.constant 0 : i32
      %dma_wait3A_227 = arith.constant 0 : i32
      %dma_wait3A_228 = tpu.memref_slice %arg2[%dma_wait3A_226, %dma_wait3A_227] : memref<20000x64xf32, #tpu.memory_space<hbm>> -> memref<20000x64xf32, #tpu.memory_space<hbm>>
      tpu.wait_indirect_dma semaphore(%arg14 : memref<!tpu.dma_semaphore, #tpu.memory_space<semaphore_mem>>) src(%dma_wait3A_228 : memref<20000x64xf32, #tpu.memory_space<hbm>>) dst(%dma_wait3A_222 : memref<128x64xf32, #tpu.memory_space<vmem>>)
      %run_scoped3A_229 = arith.constant 2 : i32
      "tpu.region"() ({
        %run_scoped3A_272 = tpu.sem_alloc : memref<!tpu.dma_semaphore, #tpu.memory_space<semaphore_mem>>
        %dma_start3A_273 = arith.constant 0 : i32
        %dma_start3A_274 = arith.constant 0 : i32
        %dma_start3A_275 = tpu.memref_slice %arg9[%run_scoped3A_229, %dma_start3A_273, %dma_start3A_274] : memref<4x128x64xf32, #tpu.memory_space<vmem>> -> memref<1x128x64xf32, #tpu.memory_space<vmem>>
        %dma_start3A_276 = tpu.memref_squeeze %dma_start3A_275 : memref<1x128x64xf32, #tpu.memory_space<vmem>> -> memref<128x64xf32, #tpu.memory_space<vmem>>
        %dma_start3A_277 = arith.constant 0 : i32
        %dma_start3A_278 = tpu.memref_slice %arg8[%add3A_217, %dma_start3A_277] : memref<160x128xi32, #tpu.memory_space<vmem>> -> memref<1x128xi32, #tpu.memory_space<vmem>>
        %dma_start3A_279 = tpu.memref_squeeze %dma_start3A_278 : memref<1x128xi32, #tpu.memory_space<vmem>> -> memref<128xi32, #tpu.memory_space<vmem>>
        %dma_start3A_280 = arith.constant 0 : i32
        %dma_start3A_281 = arith.constant 0 : i32
        %dma_start3A_282 = tpu.memref_slice %arg11[%dma_start3A_280, %dma_start3A_281] : memref<10240x64xf32, #tpu.memory_space<vmem_shared>> -> memref<10240x64xf32, #tpu.memory_space<vmem_shared>>
        tpu.enqueue_indirect_dma source(%dma_start3A_276 : memref<128x64xf32, #tpu.memory_space<vmem>>) target(%dma_start3A_282 : memref<10240x64xf32, #tpu.memory_space<vmem_shared>>) offsets(%dma_start3A_279 : memref<128xi32, #tpu.memory_space<vmem>>) semaphore(%run_scoped3A_272 : memref<!tpu.dma_semaphore, #tpu.memory_space<semaphore_mem>>) {add = true}
        %dma_wait3A_283 = arith.constant 0 : i32
        %dma_wait3A_284 = arith.constant 0 : i32
        %dma_wait3A_285 = tpu.memref_slice %arg9[%run_scoped3A_229, %dma_wait3A_283, %dma_wait3A_284] : memref<4x128x64xf32, #tpu.memory_space<vmem>> -> memref<1x128x64xf32, #tpu.memory_space<vmem>>
        %dma_wait3A_286 = tpu.memref_squeeze %dma_wait3A_285 : memref<1x128x64xf32, #tpu.memory_space<vmem>> -> memref<128x64xf32, #tpu.memory_space<vmem>>
        %dma_wait3A_287 = arith.constant 0 : i32
        %dma_wait3A_288 = tpu.memref_slice %arg8[%add3A_217, %dma_wait3A_287] : memref<160x128xi32, #tpu.memory_space<vmem>> -> memref<1x128xi32, #tpu.memory_space<vmem>>
        %dma_wait3A_289 = tpu.memref_squeeze %dma_wait3A_288 : memref<1x128xi32, #tpu.memory_space<vmem>> -> memref<128xi32, #tpu.memory_space<vmem>>
        %dma_wait3A_290 = arith.constant 0 : i32
        %dma_wait3A_291 = arith.constant 0 : i32
        %dma_wait3A_292 = tpu.memref_slice %arg11[%dma_wait3A_290, %dma_wait3A_291] : memref<10240x64xf32, #tpu.memory_space<vmem_shared>> -> memref<10240x64xf32, #tpu.memory_space<vmem_shared>>
        tpu.wait_indirect_dma semaphore(%run_scoped3A_272 : memref<!tpu.dma_semaphore, #tpu.memory_space<semaphore_mem>>) src(%dma_wait3A_286 : memref<128x64xf32, #tpu.memory_space<vmem>>) dst(%dma_wait3A_292 : memref<10240x64xf32, #tpu.memory_space<vmem_shared>>)
        tpu.yield
      }) : () -> ()
      %add3A_230 = arith.constant 4 : i32
      %add3A_231 = arith.addi %add3A_217, %add3A_230 : i32
      %dma_start3A_232 = arith.constant 2 : i32
      %dma_start3A_233 = arith.constant 0 : i32
      %dma_start3A_234 = arith.constant 0 : i32
      %dma_start3A_235 = tpu.memref_slice %arg9[%dma_start3A_232, %dma_start3A_233, %dma_start3A_234] : memref<4x128x64xf32, #tpu.memory_space<vmem>> -> memref<1x128x64xf32, #tpu.memory_space<vmem>>
      %dma_start3A_236 = tpu.memref_squeeze %dma_start3A_235 : memref<1x128x64xf32, #tpu.memory_space<vmem>> -> memref<128x64xf32, #tpu.memory_space<vmem>>
      %dma_start3A_237 = arith.constant 0 : i32
      %dma_start3A_238 = tpu.memref_slice %arg7[%add3A_231, %dma_start3A_237] : memref<160x128xi32, #tpu.memory_space<vmem>> -> memref<1x128xi32, #tpu.memory_space<vmem>>
      %dma_start3A_239 = tpu.memref_squeeze %dma_start3A_238 : memref<1x128xi32, #tpu.memory_space<vmem>> -> memref<128xi32, #tpu.memory_space<vmem>>
      %dma_start3A_240 = arith.constant 0 : i32
      %dma_start3A_241 = arith.constant 0 : i32
      %dma_start3A_242 = tpu.memref_slice %arg2[%dma_start3A_240, %dma_start3A_241] : memref<20000x64xf32, #tpu.memory_space<hbm>> -> memref<20000x64xf32, #tpu.memory_space<hbm>>
      tpu.enqueue_indirect_dma source(%dma_start3A_242 : memref<20000x64xf32, #tpu.memory_space<hbm>>) target(%dma_start3A_236 : memref<128x64xf32, #tpu.memory_space<vmem>>) offsets(%dma_start3A_239 : memref<128xi32, #tpu.memory_space<vmem>>) semaphore(%arg14 : memref<!tpu.dma_semaphore, #tpu.memory_space<semaphore_mem>>)
      %mul3A_243 = arith.constant 4 : i32
      %mul3A_244 = arith.muli %scan3A_155, %mul3A_243 : i32
      %add3A_245 = arith.constant 3 : i32
      %add3A_246 = arith.addi %mul3A_244, %add3A_245 : i32
      %dma_wait3A_247 = arith.constant 3 : i32
      %dma_wait3A_248 = arith.constant 0 : i32
      %dma_wait3A_249 = arith.constant 0 : i32
      %dma_wait3A_250 = tpu.memref_slice %arg9[%dma_wait3A_247, %dma_wait3A_248, %dma_wait3A_249] : memref<4x128x64xf32, #tpu.memory_space<vmem>> -> memref<1x128x64xf32, #tpu.memory_space<vmem>>
      %dma_wait3A_251 = tpu.memref_squeeze %dma_wait3A_250 : memref<1x128x64xf32, #tpu.memory_space<vmem>> -> memref<128x64xf32, #tpu.memory_space<vmem>>
      %dma_wait3A_252 = arith.constant 0 : i32
      %dma_wait3A_253 = tpu.memref_slice %arg7[%add3A_246, %dma_wait3A_252] : memref<160x128xi32, #tpu.memory_space<vmem>> -> memref<1x128xi32, #tpu.memory_space<vmem>>
      %dma_wait3A_254 = tpu.memref_squeeze %dma_wait3A_253 : memref<1x128xi32, #tpu.memory_space<vmem>> -> memref<128xi32, #tpu.memory_space<vmem>>
      %dma_wait3A_255 = arith.constant 0 : i32
      %dma_wait3A_256 = arith.constant 0 : i32
      %dma_wait3A_257 = tpu.memref_slice %arg2[%dma_wait3A_255, %dma_wait3A_256] : memref<20000x64xf32, #tpu.memory_space<hbm>> -> memref<20000x64xf32, #tpu.memory_space<hbm>>
      tpu.wait_indirect_dma semaphore(%arg15 : memref<!tpu.dma_semaphore, #tpu.memory_space<semaphore_mem>>) src(%dma_wait3A_257 : memref<20000x64xf32, #tpu.memory_space<hbm>>) dst(%dma_wait3A_251 : memref<128x64xf32, #tpu.memory_space<vmem>>)
      %run_scoped3A_258 = arith.constant 3 : i32
      "tpu.region"() ({
        %run_scoped3A_272 = tpu.sem_alloc : memref<!tpu.dma_semaphore, #tpu.memory_space<semaphore_mem>>
        %dma_start3A_273 = arith.constant 0 : i32
        %dma_start3A_274 = arith.constant 0 : i32
        %dma_start3A_275 = tpu.memref_slice %arg9[%run_scoped3A_258, %dma_start3A_273, %dma_start3A_274] : memref<4x128x64xf32, #tpu.memory_space<vmem>> -> memref<1x128x64xf32, #tpu.memory_space<vmem>>
        %dma_start3A_276 = tpu.memref_squeeze %dma_start3A_275 : memref<1x128x64xf32, #tpu.memory_space<vmem>> -> memref<128x64xf32, #tpu.memory_space<vmem>>
        %dma_start3A_277 = arith.constant 0 : i32
        %dma_start3A_278 = tpu.memref_slice %arg8[%add3A_246, %dma_start3A_277] : memref<160x128xi32, #tpu.memory_space<vmem>> -> memref<1x128xi32, #tpu.memory_space<vmem>>
        %dma_start3A_279 = tpu.memref_squeeze %dma_start3A_278 : memref<1x128xi32, #tpu.memory_space<vmem>> -> memref<128xi32, #tpu.memory_space<vmem>>
        %dma_start3A_280 = arith.constant 0 : i32
        %dma_start3A_281 = arith.constant 0 : i32
        %dma_start3A_282 = tpu.memref_slice %arg11[%dma_start3A_280, %dma_start3A_281] : memref<10240x64xf32, #tpu.memory_space<vmem_shared>> -> memref<10240x64xf32, #tpu.memory_space<vmem_shared>>
        tpu.enqueue_indirect_dma source(%dma_start3A_276 : memref<128x64xf32, #tpu.memory_space<vmem>>) target(%dma_start3A_282 : memref<10240x64xf32, #tpu.memory_space<vmem_shared>>) offsets(%dma_start3A_279 : memref<128xi32, #tpu.memory_space<vmem>>) semaphore(%run_scoped3A_272 : memref<!tpu.dma_semaphore, #tpu.memory_space<semaphore_mem>>) {add = true}
        %dma_wait3A_283 = arith.constant 0 : i32
        %dma_wait3A_284 = arith.constant 0 : i32
        %dma_wait3A_285 = tpu.memref_slice %arg9[%run_scoped3A_258, %dma_wait3A_283, %dma_wait3A_284] : memref<4x128x64xf32, #tpu.memory_space<vmem>> -> memref<1x128x64xf32, #tpu.memory_space<vmem>>
        %dma_wait3A_286 = tpu.memref_squeeze %dma_wait3A_285 : memref<1x128x64xf32, #tpu.memory_space<vmem>> -> memref<128x64xf32, #tpu.memory_space<vmem>>
        %dma_wait3A_287 = arith.constant 0 : i32
        %dma_wait3A_288 = tpu.memref_slice %arg8[%add3A_246, %dma_wait3A_287] : memref<160x128xi32, #tpu.memory_space<vmem>> -> memref<1x128xi32, #tpu.memory_space<vmem>>
        %dma_wait3A_289 = tpu.memref_squeeze %dma_wait3A_288 : memref<1x128xi32, #tpu.memory_space<vmem>> -> memref<128xi32, #tpu.memory_space<vmem>>
        %dma_wait3A_290 = arith.constant 0 : i32
        %dma_wait3A_291 = arith.constant 0 : i32
        %dma_wait3A_292 = tpu.memref_slice %arg11[%dma_wait3A_290, %dma_wait3A_291] : memref<10240x64xf32, #tpu.memory_space<vmem_shared>> -> memref<10240x64xf32, #tpu.memory_space<vmem_shared>>
        tpu.wait_indirect_dma semaphore(%run_scoped3A_272 : memref<!tpu.dma_semaphore, #tpu.memory_space<semaphore_mem>>) src(%dma_wait3A_286 : memref<128x64xf32, #tpu.memory_space<vmem>>) dst(%dma_wait3A_292 : memref<10240x64xf32, #tpu.memory_space<vmem_shared>>)
        tpu.yield
      }) : () -> ()
      %add3A_259 = arith.constant 4 : i32
      %add3A_260 = arith.addi %add3A_246, %add3A_259 : i32
      %dma_start3A_261 = arith.constant 3 : i32
      %dma_start3A_262 = arith.constant 0 : i32
      %dma_start3A_263 = arith.constant 0 : i32
      %dma_start3A_264 = tpu.memref_slice %arg9[%dma_start3A_261, %dma_start3A_262, %dma_start3A_263] : memref<4x128x64xf32, #tpu.memory_space<vmem>> -> memref<1x128x64xf32, #tpu.memory_space<vmem>>
      %dma_start3A_265 = tpu.memref_squeeze %dma_start3A_264 : memref<1x128x64xf32, #tpu.memory_space<vmem>> -> memref<128x64xf32, #tpu.memory_space<vmem>>
      %dma_start3A_266 = arith.constant 0 : i32
      %dma_start3A_267 = tpu.memref_slice %arg7[%add3A_260, %dma_start3A_266] : memref<160x128xi32, #tpu.memory_space<vmem>> -> memref<1x128xi32, #tpu.memory_space<vmem>>
      %dma_start3A_268 = tpu.memref_squeeze %dma_start3A_267 : memref<1x128xi32, #tpu.memory_space<vmem>> -> memref<128xi32, #tpu.memory_space<vmem>>
      %dma_start3A_269 = arith.constant 0 : i32
      %dma_start3A_270 = arith.constant 0 : i32
      %dma_start3A_271 = tpu.memref_slice %arg2[%dma_start3A_269, %dma_start3A_270] : memref<20000x64xf32, #tpu.memory_space<hbm>> -> memref<20000x64xf32, #tpu.memory_space<hbm>>
      tpu.enqueue_indirect_dma source(%dma_start3A_271 : memref<20000x64xf32, #tpu.memory_space<hbm>>) target(%dma_start3A_265 : memref<128x64xf32, #tpu.memory_space<vmem>>) offsets(%dma_start3A_268 : memref<128xi32, #tpu.memory_space<vmem>>) semaphore(%arg15 : memref<!tpu.dma_semaphore, #tpu.memory_space<semaphore_mem>>)
    }
    %scan3A_69 = arith.constant 39 : i32
    %dma_wait3A = arith.constant 156 : i32
    %dma_wait3A_70 = arith.constant 0 : i32
    %dma_wait3A_71 = arith.constant 0 : i32
    %dma_wait3A_72 = arith.constant 0 : i32
    %dma_wait3A_73 = tpu.memref_slice %arg9[%dma_wait3A_70, %dma_wait3A_71, %dma_wait3A_72] : memref<4x128x64xf32, #tpu.memory_space<vmem>> -> memref<1x128x64xf32, #tpu.memory_space<vmem>>
    %dma_wait3A_74 = tpu.memref_squeeze %dma_wait3A_73 : memref<1x128x64xf32, #tpu.memory_space<vmem>> -> memref<128x64xf32, #tpu.memory_space<vmem>>
    %dma_wait3A_75 = arith.constant 0 : i32
    %dma_wait3A_76 = tpu.memref_slice %arg7[%dma_wait3A, %dma_wait3A_75] : memref<160x128xi32, #tpu.memory_space<vmem>> -> memref<1x128xi32, #tpu.memory_space<vmem>>
    %dma_wait3A_77 = tpu.memref_squeeze %dma_wait3A_76 : memref<1x128xi32, #tpu.memory_space<vmem>> -> memref<128xi32, #tpu.memory_space<vmem>>
    %dma_wait3A_78 = arith.constant 0 : i32
    %dma_wait3A_79 = arith.constant 0 : i32
    %dma_wait3A_80 = tpu.memref_slice %arg2[%dma_wait3A_78, %dma_wait3A_79] : memref<20000x64xf32, #tpu.memory_space<hbm>> -> memref<20000x64xf32, #tpu.memory_space<hbm>>
    tpu.wait_indirect_dma semaphore(%arg12 : memref<!tpu.dma_semaphore, #tpu.memory_space<semaphore_mem>>) src(%dma_wait3A_80 : memref<20000x64xf32, #tpu.memory_space<hbm>>) dst(%dma_wait3A_74 : memref<128x64xf32, #tpu.memory_space<vmem>>)
    %run_scoped3A = arith.constant 0 : i32
    %run_scoped3A_81 = arith.constant 156 : i32
    "tpu.region"() ({
      %run_scoped3A_155 = tpu.sem_alloc : memref<!tpu.dma_semaphore, #tpu.memory_space<semaphore_mem>>
      %dma_start3A_156 = arith.constant 0 : i32
      %dma_start3A_157 = arith.constant 0 : i32
      %dma_start3A_158 = tpu.memref_slice %arg9[%run_scoped3A, %dma_start3A_156, %dma_start3A_157] : memref<4x128x64xf32, #tpu.memory_space<vmem>> -> memref<1x128x64xf32, #tpu.memory_space<vmem>>
      %dma_start3A_159 = tpu.memref_squeeze %dma_start3A_158 : memref<1x128x64xf32, #tpu.memory_space<vmem>> -> memref<128x64xf32, #tpu.memory_space<vmem>>
      %dma_start3A_160 = arith.constant 0 : i32
      %dma_start3A_161 = tpu.memref_slice %arg8[%run_scoped3A_81, %dma_start3A_160] : memref<160x128xi32, #tpu.memory_space<vmem>> -> memref<1x128xi32, #tpu.memory_space<vmem>>
      %dma_start3A_162 = tpu.memref_squeeze %dma_start3A_161 : memref<1x128xi32, #tpu.memory_space<vmem>> -> memref<128xi32, #tpu.memory_space<vmem>>
      %dma_start3A_163 = arith.constant 0 : i32
      %dma_start3A_164 = arith.constant 0 : i32
      %dma_start3A_165 = tpu.memref_slice %arg11[%dma_start3A_163, %dma_start3A_164] : memref<10240x64xf32, #tpu.memory_space<vmem_shared>> -> memref<10240x64xf32, #tpu.memory_space<vmem_shared>>
      tpu.enqueue_indirect_dma source(%dma_start3A_159 : memref<128x64xf32, #tpu.memory_space<vmem>>) target(%dma_start3A_165 : memref<10240x64xf32, #tpu.memory_space<vmem_shared>>) offsets(%dma_start3A_162 : memref<128xi32, #tpu.memory_space<vmem>>) semaphore(%run_scoped3A_155 : memref<!tpu.dma_semaphore, #tpu.memory_space<semaphore_mem>>) {add = true}
      %dma_wait3A_166 = arith.constant 0 : i32
      %dma_wait3A_167 = arith.constant 0 : i32
      %dma_wait3A_168 = tpu.memref_slice %arg9[%run_scoped3A, %dma_wait3A_166, %dma_wait3A_167] : memref<4x128x64xf32, #tpu.memory_space<vmem>> -> memref<1x128x64xf32, #tpu.memory_space<vmem>>
      %dma_wait3A_169 = tpu.memref_squeeze %dma_wait3A_168 : memref<1x128x64xf32, #tpu.memory_space<vmem>> -> memref<128x64xf32, #tpu.memory_space<vmem>>
      %dma_wait3A_170 = arith.constant 0 : i32
      %dma_wait3A_171 = tpu.memref_slice %arg8[%run_scoped3A_81, %dma_wait3A_170] : memref<160x128xi32, #tpu.memory_space<vmem>> -> memref<1x128xi32, #tpu.memory_space<vmem>>
      %dma_wait3A_172 = tpu.memref_squeeze %dma_wait3A_171 : memref<1x128xi32, #tpu.memory_space<vmem>> -> memref<128xi32, #tpu.memory_space<vmem>>
      %dma_wait3A_173 = arith.constant 0 : i32
      %dma_wait3A_174 = arith.constant 0 : i32
      %dma_wait3A_175 = tpu.memref_slice %arg11[%dma_wait3A_173, %dma_wait3A_174] : memref<10240x64xf32, #tpu.memory_space<vmem_shared>> -> memref<10240x64xf32, #tpu.memory_space<vmem_shared>>
      tpu.wait_indirect_dma semaphore(%run_scoped3A_155 : memref<!tpu.dma_semaphore, #tpu.memory_space<semaphore_mem>>) src(%dma_wait3A_169 : memref<128x64xf32, #tpu.memory_space<vmem>>) dst(%dma_wait3A_175 : memref<10240x64xf32, #tpu.memory_space<vmem_shared>>)
      tpu.yield
    }) : () -> ()
    %dma_wait3A_82 = arith.constant 157 : i32
    %dma_wait3A_83 = arith.constant 1 : i32
    %dma_wait3A_84 = arith.constant 0 : i32
    %dma_wait3A_85 = arith.constant 0 : i32
    %dma_wait3A_86 = tpu.memref_slice %arg9[%dma_wait3A_83, %dma_wait3A_84, %dma_wait3A_85] : memref<4x128x64xf32, #tpu.memory_space<vmem>> -> memref<1x128x64xf32, #tpu.memory_space<vmem>>
    %dma_wait3A_87 = tpu.memref_squeeze %dma_wait3A_86 : memref<1x128x64xf32, #tpu.memory_space<vmem>> -> memref<128x64xf32, #tpu.memory_space<vmem>>
    %dma_wait3A_88 = arith.constant 0 : i32
    %dma_wait3A_89 = tpu.memref_slice %arg7[%dma_wait3A_82, %dma_wait3A_88] : memref<160x128xi32, #tpu.memory_space<vmem>> -> memref<1x128xi32, #tpu.memory_space<vmem>>
    %dma_wait3A_90 = tpu.memref_squeeze %dma_wait3A_89 : memref<1x128xi32, #tpu.memory_space<vmem>> -> memref<128xi32, #tpu.memory_space<vmem>>
    %dma_wait3A_91 = arith.constant 0 : i32
    %dma_wait3A_92 = arith.constant 0 : i32
    %dma_wait3A_93 = tpu.memref_slice %arg2[%dma_wait3A_91, %dma_wait3A_92] : memref<20000x64xf32, #tpu.memory_space<hbm>> -> memref<20000x64xf32, #tpu.memory_space<hbm>>
    tpu.wait_indirect_dma semaphore(%arg13 : memref<!tpu.dma_semaphore, #tpu.memory_space<semaphore_mem>>) src(%dma_wait3A_93 : memref<20000x64xf32, #tpu.memory_space<hbm>>) dst(%dma_wait3A_87 : memref<128x64xf32, #tpu.memory_space<vmem>>)
    %run_scoped3A_94 = arith.constant 1 : i32
    %run_scoped3A_95 = arith.constant 157 : i32
    "tpu.region"() ({
      %run_scoped3A_155 = tpu.sem_alloc : memref<!tpu.dma_semaphore, #tpu.memory_space<semaphore_mem>>
      %dma_start3A_156 = arith.constant 0 : i32
      %dma_start3A_157 = arith.constant 0 : i32
      %dma_start3A_158 = tpu.memref_slice %arg9[%run_scoped3A_94, %dma_start3A_156, %dma_start3A_157] : memref<4x128x64xf32, #tpu.memory_space<vmem>> -> memref<1x128x64xf32, #tpu.memory_space<vmem>>
      %dma_start3A_159 = tpu.memref_squeeze %dma_start3A_158 : memref<1x128x64xf32, #tpu.memory_space<vmem>> -> memref<128x64xf32, #tpu.memory_space<vmem>>
      %dma_start3A_160 = arith.constant 0 : i32
      %dma_start3A_161 = tpu.memref_slice %arg8[%run_scoped3A_95, %dma_start3A_160] : memref<160x128xi32, #tpu.memory_space<vmem>> -> memref<1x128xi32, #tpu.memory_space<vmem>>
      %dma_start3A_162 = tpu.memref_squeeze %dma_start3A_161 : memref<1x128xi32, #tpu.memory_space<vmem>> -> memref<128xi32, #tpu.memory_space<vmem>>
      %dma_start3A_163 = arith.constant 0 : i32
      %dma_start3A_164 = arith.constant 0 : i32
      %dma_start3A_165 = tpu.memref_slice %arg11[%dma_start3A_163, %dma_start3A_164] : memref<10240x64xf32, #tpu.memory_space<vmem_shared>> -> memref<10240x64xf32, #tpu.memory_space<vmem_shared>>
      tpu.enqueue_indirect_dma source(%dma_start3A_159 : memref<128x64xf32, #tpu.memory_space<vmem>>) target(%dma_start3A_165 : memref<10240x64xf32, #tpu.memory_space<vmem_shared>>) offsets(%dma_start3A_162 : memref<128xi32, #tpu.memory_space<vmem>>) semaphore(%run_scoped3A_155 : memref<!tpu.dma_semaphore, #tpu.memory_space<semaphore_mem>>) {add = true}
      %dma_wait3A_166 = arith.constant 0 : i32
      %dma_wait3A_167 = arith.constant 0 : i32
      %dma_wait3A_168 = tpu.memref_slice %arg9[%run_scoped3A_94, %dma_wait3A_166, %dma_wait3A_167] : memref<4x128x64xf32, #tpu.memory_space<vmem>> -> memref<1x128x64xf32, #tpu.memory_space<vmem>>
      %dma_wait3A_169 = tpu.memref_squeeze %dma_wait3A_168 : memref<1x128x64xf32, #tpu.memory_space<vmem>> -> memref<128x64xf32, #tpu.memory_space<vmem>>
      %dma_wait3A_170 = arith.constant 0 : i32
      %dma_wait3A_171 = tpu.memref_slice %arg8[%run_scoped3A_95, %dma_wait3A_170] : memref<160x128xi32, #tpu.memory_space<vmem>> -> memref<1x128xi32, #tpu.memory_space<vmem>>
      %dma_wait3A_172 = tpu.memref_squeeze %dma_wait3A_171 : memref<1x128xi32, #tpu.memory_space<vmem>> -> memref<128xi32, #tpu.memory_space<vmem>>
      %dma_wait3A_173 = arith.constant 0 : i32
      %dma_wait3A_174 = arith.constant 0 : i32
      %dma_wait3A_175 = tpu.memref_slice %arg11[%dma_wait3A_173, %dma_wait3A_174] : memref<10240x64xf32, #tpu.memory_space<vmem_shared>> -> memref<10240x64xf32, #tpu.memory_space<vmem_shared>>
      tpu.wait_indirect_dma semaphore(%run_scoped3A_155 : memref<!tpu.dma_semaphore, #tpu.memory_space<semaphore_mem>>) src(%dma_wait3A_169 : memref<128x64xf32, #tpu.memory_space<vmem>>) dst(%dma_wait3A_175 : memref<10240x64xf32, #tpu.memory_space<vmem_shared>>)
      tpu.yield
    }) : () -> ()
    %dma_wait3A_96 = arith.constant 158 : i32
    %dma_wait3A_97 = arith.constant 2 : i32
    %dma_wait3A_98 = arith.constant 0 : i32
    %dma_wait3A_99 = arith.constant 0 : i32
    %dma_wait3A_100 = tpu.memref_slice %arg9[%dma_wait3A_97, %dma_wait3A_98, %dma_wait3A_99] : memref<4x128x64xf32, #tpu.memory_space<vmem>> -> memref<1x128x64xf32, #tpu.memory_space<vmem>>
    %dma_wait3A_101 = tpu.memref_squeeze %dma_wait3A_100 : memref<1x128x64xf32, #tpu.memory_space<vmem>> -> memref<128x64xf32, #tpu.memory_space<vmem>>
    %dma_wait3A_102 = arith.constant 0 : i32
    %dma_wait3A_103 = tpu.memref_slice %arg7[%dma_wait3A_96, %dma_wait3A_102] : memref<160x128xi32, #tpu.memory_space<vmem>> -> memref<1x128xi32, #tpu.memory_space<vmem>>
    %dma_wait3A_104 = tpu.memref_squeeze %dma_wait3A_103 : memref<1x128xi32, #tpu.memory_space<vmem>> -> memref<128xi32, #tpu.memory_space<vmem>>
    %dma_wait3A_105 = arith.constant 0 : i32
    %dma_wait3A_106 = arith.constant 0 : i32
    %dma_wait3A_107 = tpu.memref_slice %arg2[%dma_wait3A_105, %dma_wait3A_106] : memref<20000x64xf32, #tpu.memory_space<hbm>> -> memref<20000x64xf32, #tpu.memory_space<hbm>>
    tpu.wait_indirect_dma semaphore(%arg14 : memref<!tpu.dma_semaphore, #tpu.memory_space<semaphore_mem>>) src(%dma_wait3A_107 : memref<20000x64xf32, #tpu.memory_space<hbm>>) dst(%dma_wait3A_101 : memref<128x64xf32, #tpu.memory_space<vmem>>)
    %run_scoped3A_108 = arith.constant 2 : i32
    %run_scoped3A_109 = arith.constant 158 : i32
    "tpu.region"() ({
      %run_scoped3A_155 = tpu.sem_alloc : memref<!tpu.dma_semaphore, #tpu.memory_space<semaphore_mem>>
      %dma_start3A_156 = arith.constant 0 : i32
      %dma_start3A_157 = arith.constant 0 : i32
      %dma_start3A_158 = tpu.memref_slice %arg9[%run_scoped3A_108, %dma_start3A_156, %dma_start3A_157] : memref<4x128x64xf32, #tpu.memory_space<vmem>> -> memref<1x128x64xf32, #tpu.memory_space<vmem>>
      %dma_start3A_159 = tpu.memref_squeeze %dma_start3A_158 : memref<1x128x64xf32, #tpu.memory_space<vmem>> -> memref<128x64xf32, #tpu.memory_space<vmem>>
      %dma_start3A_160 = arith.constant 0 : i32
      %dma_start3A_161 = tpu.memref_slice %arg8[%run_scoped3A_109, %dma_start3A_160] : memref<160x128xi32, #tpu.memory_space<vmem>> -> memref<1x128xi32, #tpu.memory_space<vmem>>
      %dma_start3A_162 = tpu.memref_squeeze %dma_start3A_161 : memref<1x128xi32, #tpu.memory_space<vmem>> -> memref<128xi32, #tpu.memory_space<vmem>>
      %dma_start3A_163 = arith.constant 0 : i32
      %dma_start3A_164 = arith.constant 0 : i32
      %dma_start3A_165 = tpu.memref_slice %arg11[%dma_start3A_163, %dma_start3A_164] : memref<10240x64xf32, #tpu.memory_space<vmem_shared>> -> memref<10240x64xf32, #tpu.memory_space<vmem_shared>>
      tpu.enqueue_indirect_dma source(%dma_start3A_159 : memref<128x64xf32, #tpu.memory_space<vmem>>) target(%dma_start3A_165 : memref<10240x64xf32, #tpu.memory_space<vmem_shared>>) offsets(%dma_start3A_162 : memref<128xi32, #tpu.memory_space<vmem>>) semaphore(%run_scoped3A_155 : memref<!tpu.dma_semaphore, #tpu.memory_space<semaphore_mem>>) {add = true}
      %dma_wait3A_166 = arith.constant 0 : i32
      %dma_wait3A_167 = arith.constant 0 : i32
      %dma_wait3A_168 = tpu.memref_slice %arg9[%run_scoped3A_108, %dma_wait3A_166, %dma_wait3A_167] : memref<4x128x64xf32, #tpu.memory_space<vmem>> -> memref<1x128x64xf32, #tpu.memory_space<vmem>>
      %dma_wait3A_169 = tpu.memref_squeeze %dma_wait3A_168 : memref<1x128x64xf32, #tpu.memory_space<vmem>> -> memref<128x64xf32, #tpu.memory_space<vmem>>
      %dma_wait3A_170 = arith.constant 0 : i32
      %dma_wait3A_171 = tpu.memref_slice %arg8[%run_scoped3A_109, %dma_wait3A_170] : memref<160x128xi32, #tpu.memory_space<vmem>> -> memref<1x128xi32, #tpu.memory_space<vmem>>
      %dma_wait3A_172 = tpu.memref_squeeze %dma_wait3A_171 : memref<1x128xi32, #tpu.memory_space<vmem>> -> memref<128xi32, #tpu.memory_space<vmem>>
      %dma_wait3A_173 = arith.constant 0 : i32
      %dma_wait3A_174 = arith.constant 0 : i32
      %dma_wait3A_175 = tpu.memref_slice %arg11[%dma_wait3A_173, %dma_wait3A_174] : memref<10240x64xf32, #tpu.memory_space<vmem_shared>> -> memref<10240x64xf32, #tpu.memory_space<vmem_shared>>
      tpu.wait_indirect_dma semaphore(%run_scoped3A_155 : memref<!tpu.dma_semaphore, #tpu.memory_space<semaphore_mem>>) src(%dma_wait3A_169 : memref<128x64xf32, #tpu.memory_space<vmem>>) dst(%dma_wait3A_175 : memref<10240x64xf32, #tpu.memory_space<vmem_shared>>)
      tpu.yield
    }) : () -> ()
    %dma_wait3A_110 = arith.constant 159 : i32
    %dma_wait3A_111 = arith.constant 3 : i32
    %dma_wait3A_112 = arith.constant 0 : i32
    %dma_wait3A_113 = arith.constant 0 : i32
    %dma_wait3A_114 = tpu.memref_slice %arg9[%dma_wait3A_111, %dma_wait3A_112, %dma_wait3A_113] : memref<4x128x64xf32, #tpu.memory_space<vmem>> -> memref<1x128x64xf32, #tpu.memory_space<vmem>>
    %dma_wait3A_115 = tpu.memref_squeeze %dma_wait3A_114 : memref<1x128x64xf32, #tpu.memory_space<vmem>> -> memref<128x64xf32, #tpu.memory_space<vmem>>
    %dma_wait3A_116 = arith.constant 0 : i32
    %dma_wait3A_117 = tpu.memref_slice %arg7[%dma_wait3A_110, %dma_wait3A_116] : memref<160x128xi32, #tpu.memory_space<vmem>> -> memref<1x128xi32, #tpu.memory_space<vmem>>
    %dma_wait3A_118 = tpu.memref_squeeze %dma_wait3A_117 : memref<1x128xi32, #tpu.memory_space<vmem>> -> memref<128xi32, #tpu.memory_space<vmem>>
    %dma_wait3A_119 = arith.constant 0 : i32
    %dma_wait3A_120 = arith.constant 0 : i32
    %dma_wait3A_121 = tpu.memref_slice %arg2[%dma_wait3A_119, %dma_wait3A_120] : memref<20000x64xf32, #tpu.memory_space<hbm>> -> memref<20000x64xf32, #tpu.memory_space<hbm>>
    tpu.wait_indirect_dma semaphore(%arg15 : memref<!tpu.dma_semaphore, #tpu.memory_space<semaphore_mem>>) src(%dma_wait3A_121 : memref<20000x64xf32, #tpu.memory_space<hbm>>) dst(%dma_wait3A_115 : memref<128x64xf32, #tpu.memory_space<vmem>>)
    %run_scoped3A_122 = arith.constant 3 : i32
    %run_scoped3A_123 = arith.constant 159 : i32
    "tpu.region"() ({
      %run_scoped3A_155 = tpu.sem_alloc : memref<!tpu.dma_semaphore, #tpu.memory_space<semaphore_mem>>
      %dma_start3A_156 = arith.constant 0 : i32
      %dma_start3A_157 = arith.constant 0 : i32
      %dma_start3A_158 = tpu.memref_slice %arg9[%run_scoped3A_122, %dma_start3A_156, %dma_start3A_157] : memref<4x128x64xf32, #tpu.memory_space<vmem>> -> memref<1x128x64xf32, #tpu.memory_space<vmem>>
      %dma_start3A_159 = tpu.memref_squeeze %dma_start3A_158 : memref<1x128x64xf32, #tpu.memory_space<vmem>> -> memref<128x64xf32, #tpu.memory_space<vmem>>
      %dma_start3A_160 = arith.constant 0 : i32
      %dma_start3A_161 = tpu.memref_slice %arg8[%run_scoped3A_123, %dma_start3A_160] : memref<160x128xi32, #tpu.memory_space<vmem>> -> memref<1x128xi32, #tpu.memory_space<vmem>>
      %dma_start3A_162 = tpu.memref_squeeze %dma_start3A_161 : memref<1x128xi32, #tpu.memory_space<vmem>> -> memref<128xi32, #tpu.memory_space<vmem>>
      %dma_start3A_163 = arith.constant 0 : i32
      %dma_start3A_164 = arith.constant 0 : i32
      %dma_start3A_165 = tpu.memref_slice %arg11[%dma_start3A_163, %dma_start3A_164] : memref<10240x64xf32, #tpu.memory_space<vmem_shared>> -> memref<10240x64xf32, #tpu.memory_space<vmem_shared>>
      tpu.enqueue_indirect_dma source(%dma_start3A_159 : memref<128x64xf32, #tpu.memory_space<vmem>>) target(%dma_start3A_165 : memref<10240x64xf32, #tpu.memory_space<vmem_shared>>) offsets(%dma_start3A_162 : memref<128xi32, #tpu.memory_space<vmem>>) semaphore(%run_scoped3A_155 : memref<!tpu.dma_semaphore, #tpu.memory_space<semaphore_mem>>) {add = true}
      %dma_wait3A_166 = arith.constant 0 : i32
      %dma_wait3A_167 = arith.constant 0 : i32
      %dma_wait3A_168 = tpu.memref_slice %arg9[%run_scoped3A_122, %dma_wait3A_166, %dma_wait3A_167] : memref<4x128x64xf32, #tpu.memory_space<vmem>> -> memref<1x128x64xf32, #tpu.memory_space<vmem>>
      %dma_wait3A_169 = tpu.memref_squeeze %dma_wait3A_168 : memref<1x128x64xf32, #tpu.memory_space<vmem>> -> memref<128x64xf32, #tpu.memory_space<vmem>>
      %dma_wait3A_170 = arith.constant 0 : i32
      %dma_wait3A_171 = tpu.memref_slice %arg8[%run_scoped3A_123, %dma_wait3A_170] : memref<160x128xi32, #tpu.memory_space<vmem>> -> memref<1x128xi32, #tpu.memory_space<vmem>>
      %dma_wait3A_172 = tpu.memref_squeeze %dma_wait3A_171 : memref<1x128xi32, #tpu.memory_space<vmem>> -> memref<128xi32, #tpu.memory_space<vmem>>
      %dma_wait3A_173 = arith.constant 0 : i32
      %dma_wait3A_174 = arith.constant 0 : i32
      %dma_wait3A_175 = tpu.memref_slice %arg11[%dma_wait3A_173, %dma_wait3A_174] : memref<10240x64xf32, #tpu.memory_space<vmem_shared>> -> memref<10240x64xf32, #tpu.memory_space<vmem_shared>>
      tpu.wait_indirect_dma semaphore(%run_scoped3A_155 : memref<!tpu.dma_semaphore, #tpu.memory_space<semaphore_mem>>) src(%dma_wait3A_169 : memref<128x64xf32, #tpu.memory_space<vmem>>) dst(%dma_wait3A_175 : memref<10240x64xf32, #tpu.memory_space<vmem_shared>>)
      tpu.yield
    }) : () -> ()
    %barrier3A_124 = arith.constant 0 : index
    tpu.barrier barrier_id(%barrier3A_124)
    %mul3A_125 = arith.constant 640 : i32
    %mul3A_126 = arith.muli %arg1, %mul3A_125 : i32
    %add3A_127 = arith.constant 0 : i32
    %add3A_128 = arith.addi %mul3A_126, %add3A_127 : i32
    %mul3A_129 = arith.constant 64 : i32
    %mul3A_130 = arith.muli %arg0, %mul3A_129 : i32
    "tpu.region"() ({
      %run_scoped3A_155 = tpu.sem_alloc : memref<!tpu.dma_semaphore, #tpu.memory_space<semaphore_mem>>
      %dma_start3A_156 = tpu.memref_slice %arg6[%add3A_128, %mul3A_130] : memref<10240x128xf32, #tpu.memory_space<hbm>> -> memref<128x64xf32, #tpu.memory_space<hbm>>
      %dma_start3A_157 = arith.constant 0 : i32
      %dma_start3A_158 = tpu.memref_slice %arg11[%add3A_128, %dma_start3A_157] : memref<10240x64xf32, #tpu.memory_space<vmem_shared>> -> memref<128x64xf32, #tpu.memory_space<vmem_shared>>
      tpu.enqueue_dma source(%dma_start3A_158 : memref<128x64xf32, #tpu.memory_space<vmem_shared>>) target(%dma_start3A_156 : memref<128x64xf32, #tpu.memory_space<hbm>>) target_semaphore(%run_scoped3A_155 : memref<!tpu.dma_semaphore, #tpu.memory_space<semaphore_mem>>)
      %dma_wait3A_159 = tpu.memref_slice %arg6[%add3A_128, %mul3A_130] : memref<10240x128xf32, #tpu.memory_space<hbm>> -> memref<128x64xf32, #tpu.memory_space<hbm>>
      %dma_wait3A_160 = arith.constant 0 : i32
      %dma_wait3A_161 = tpu.memref_slice %arg11[%add3A_128, %dma_wait3A_160] : memref<10240x64xf32, #tpu.memory_space<vmem_shared>> -> memref<128x64xf32, #tpu.memory_space<vmem_shared>>
      tpu.wait_dma2 semaphore(%run_scoped3A_155 : memref<!tpu.dma_semaphore, #tpu.memory_space<semaphore_mem>>) src(%dma_wait3A_161 : memref<128x64xf32, #tpu.memory_space<vmem_shared>>) dst(%dma_wait3A_159 : memref<128x64xf32, #tpu.memory_space<hbm>>)
      tpu.yield
    }) : () -> ()
    %mul3A_131 = arith.constant 640 : i32
    %mul3A_132 = arith.muli %arg1, %mul3A_131 : i32
    %add3A_133 = arith.constant 128 : i32
    %add3A_134 = arith.addi %mul3A_132, %add3A_133 : i32
    %mul3A_135 = arith.constant 64 : i32
    %mul3A_136 = arith.muli %arg0, %mul3A_135 : i32
    "tpu.region"() ({
      %run_scoped3A_155 = tpu.sem_alloc : memref<!tpu.dma_semaphore, #tpu.memory_space<semaphore_mem>>
      %dma_start3A_156 = tpu.memref_slice %arg6[%add3A_134, %mul3A_136] : memref<10240x128xf32, #tpu.memory_space<hbm>> -> memref<128x64xf32, #tpu.memory_space<hbm>>
      %dma_start3A_157 = arith.constant 0 : i32
      %dma_start3A_158 = tpu.memref_slice %arg11[%add3A_134, %dma_start3A_157] : memref<10240x64xf32, #tpu.memory_space<vmem_shared>> -> memref<128x64xf32, #tpu.memory_space<vmem_shared>>
      tpu.enqueue_dma source(%dma_start3A_158 : memref<128x64xf32, #tpu.memory_space<vmem_shared>>) target(%dma_start3A_156 : memref<128x64xf32, #tpu.memory_space<hbm>>) target_semaphore(%run_scoped3A_155 : memref<!tpu.dma_semaphore, #tpu.memory_space<semaphore_mem>>)
      %dma_wait3A_159 = tpu.memref_slice %arg6[%add3A_134, %mul3A_136] : memref<10240x128xf32, #tpu.memory_space<hbm>> -> memref<128x64xf32, #tpu.memory_space<hbm>>
      %dma_wait3A_160 = arith.constant 0 : i32
      %dma_wait3A_161 = tpu.memref_slice %arg11[%add3A_134, %dma_wait3A_160] : memref<10240x64xf32, #tpu.memory_space<vmem_shared>> -> memref<128x64xf32, #tpu.memory_space<vmem_shared>>
      tpu.wait_dma2 semaphore(%run_scoped3A_155 : memref<!tpu.dma_semaphore, #tpu.memory_space<semaphore_mem>>) src(%dma_wait3A_161 : memref<128x64xf32, #tpu.memory_space<vmem_shared>>) dst(%dma_wait3A_159 : memref<128x64xf32, #tpu.memory_space<hbm>>)
      tpu.yield
    }) : () -> ()
    %mul3A_137 = arith.constant 640 : i32
    %mul3A_138 = arith.muli %arg1, %mul3A_137 : i32
    %add3A_139 = arith.constant 256 : i32
    %add3A_140 = arith.addi %mul3A_138, %add3A_139 : i32
    %mul3A_141 = arith.constant 64 : i32
    %mul3A_142 = arith.muli %arg0, %mul3A_141 : i32
    "tpu.region"() ({
      %run_scoped3A_155 = tpu.sem_alloc : memref<!tpu.dma_semaphore, #tpu.memory_space<semaphore_mem>>
      %dma_start3A_156 = tpu.memref_slice %arg6[%add3A_140, %mul3A_142] : memref<10240x128xf32, #tpu.memory_space<hbm>> -> memref<128x64xf32, #tpu.memory_space<hbm>>
      %dma_start3A_157 = arith.constant 0 : i32
      %dma_start3A_158 = tpu.memref_slice %arg11[%add3A_140, %dma_start3A_157] : memref<10240x64xf32, #tpu.memory_space<vmem_shared>> -> memref<128x64xf32, #tpu.memory_space<vmem_shared>>
      tpu.enqueue_dma source(%dma_start3A_158 : memref<128x64xf32, #tpu.memory_space<vmem_shared>>) target(%dma_start3A_156 : memref<128x64xf32, #tpu.memory_space<hbm>>) target_semaphore(%run_scoped3A_155 : memref<!tpu.dma_semaphore, #tpu.memory_space<semaphore_mem>>)
      %dma_wait3A_159 = tpu.memref_slice %arg6[%add3A_140, %mul3A_142] : memref<10240x128xf32, #tpu.memory_space<hbm>> -> memref<128x64xf32, #tpu.memory_space<hbm>>
      %dma_wait3A_160 = arith.constant 0 : i32
      %dma_wait3A_161 = tpu.memref_slice %arg11[%add3A_140, %dma_wait3A_160] : memref<10240x64xf32, #tpu.memory_space<vmem_shared>> -> memref<128x64xf32, #tpu.memory_space<vmem_shared>>
      tpu.wait_dma2 semaphore(%run_scoped3A_155 : memref<!tpu.dma_semaphore, #tpu.memory_space<semaphore_mem>>) src(%dma_wait3A_161 : memref<128x64xf32, #tpu.memory_space<vmem_shared>>) dst(%dma_wait3A_159 : memref<128x64xf32, #tpu.memory_space<hbm>>)
      tpu.yield
    }) : () -> ()
    %mul3A_143 = arith.constant 640 : i32
    %mul3A_144 = arith.muli %arg1, %mul3A_143 : i32
    %add3A_145 = arith.constant 384 : i32
    %add3A_146 = arith.addi %mul3A_144, %add3A_145 : i32
    %mul3A_147 = arith.constant 64 : i32
    %mul3A_148 = arith.muli %arg0, %mul3A_147 : i32
    "tpu.region"() ({
      %run_scoped3A_155 = tpu.sem_alloc : memref<!tpu.dma_semaphore, #tpu.memory_space<semaphore_mem>>
      %dma_start3A_156 = tpu.memref_slice %arg6[%add3A_146, %mul3A_148] : memref<10240x128xf32, #tpu.memory_space<hbm>> -> memref<128x64xf32, #tpu.memory_space<hbm>>
      %dma_start3A_157 = arith.constant 0 : i32
      %dma_start3A_158 = tpu.memref_slice %arg11[%add3A_146, %dma_start3A_157] : memref<10240x64xf32, #tpu.memory_space<vmem_shared>> -> memref<128x64xf32, #tpu.memory_space<vmem_shared>>
      tpu.enqueue_dma source(%dma_start3A_158 : memref<128x64xf32, #tpu.memory_space<vmem_shared>>) target(%dma_start3A_156 : memref<128x64xf32, #tpu.memory_space<hbm>>) target_semaphore(%run_scoped3A_155 : memref<!tpu.dma_semaphore, #tpu.memory_space<semaphore_mem>>)
      %dma_wait3A_159 = tpu.memref_slice %arg6[%add3A_146, %mul3A_148] : memref<10240x128xf32, #tpu.memory_space<hbm>> -> memref<128x64xf32, #tpu.memory_space<hbm>>
      %dma_wait3A_160 = arith.constant 0 : i32
      %dma_wait3A_161 = tpu.memref_slice %arg11[%add3A_146, %dma_wait3A_160] : memref<10240x64xf32, #tpu.memory_space<vmem_shared>> -> memref<128x64xf32, #tpu.memory_space<vmem_shared>>
      tpu.wait_dma2 semaphore(%run_scoped3A_155 : memref<!tpu.dma_semaphore, #tpu.memory_space<semaphore_mem>>) src(%dma_wait3A_161 : memref<128x64xf32, #tpu.memory_space<vmem_shared>>) dst(%dma_wait3A_159 : memref<128x64xf32, #tpu.memory_space<hbm>>)
      tpu.yield
    }) : () -> ()
    %mul3A_149 = arith.constant 640 : i32
    %mul3A_150 = arith.muli %arg1, %mul3A_149 : i32
    %add3A_151 = arith.constant 512 : i32
    %add3A_152 = arith.addi %mul3A_150, %add3A_151 : i32
    %mul3A_153 = arith.constant 64 : i32
    %mul3A_154 = arith.muli %arg0, %mul3A_153 : i32
    "tpu.region"() ({
      %run_scoped3A_155 = tpu.sem_alloc : memref<!tpu.dma_semaphore, #tpu.memory_space<semaphore_mem>>
      %dma_start3A_156 = tpu.memref_slice %arg6[%add3A_152, %mul3A_154] : memref<10240x128xf32, #tpu.memory_space<hbm>> -> memref<128x64xf32, #tpu.memory_space<hbm>>
      %dma_start3A_157 = arith.constant 0 : i32
      %dma_start3A_158 = tpu.memref_slice %arg11[%add3A_152, %dma_start3A_157] : memref<10240x64xf32, #tpu.memory_space<vmem_shared>> -> memref<128x64xf32, #tpu.memory_space<vmem_shared>>
      tpu.enqueue_dma source(%dma_start3A_158 : memref<128x64xf32, #tpu.memory_space<vmem_shared>>) target(%dma_start3A_156 : memref<128x64xf32, #tpu.memory_space<hbm>>) target_semaphore(%run_scoped3A_155 : memref<!tpu.dma_semaphore, #tpu.memory_space<semaphore_mem>>)
      %dma_wait3A_159 = tpu.memref_slice %arg6[%add3A_152, %mul3A_154] : memref<10240x128xf32, #tpu.memory_space<hbm>> -> memref<128x64xf32, #tpu.memory_space<hbm>>
      %dma_wait3A_160 = arith.constant 0 : i32
      %dma_wait3A_161 = tpu.memref_slice %arg11[%add3A_152, %dma_wait3A_160] : memref<10240x64xf32, #tpu.memory_space<vmem_shared>> -> memref<128x64xf32, #tpu.memory_space<vmem_shared>>
      tpu.wait_dma2 semaphore(%run_scoped3A_155 : memref<!tpu.dma_semaphore, #tpu.memory_space<semaphore_mem>>) src(%dma_wait3A_161 : memref<128x64xf32, #tpu.memory_space<vmem_shared>>) dst(%dma_wait3A_159 : memref<128x64xf32, #tpu.memory_space<hbm>>)
      tpu.yield
    }) : () -> ()
    return
  }
}

#map = affine_map<(d0, d1) -> (0, 0)>
#map1 = affine_map<(d0, d1) -> (0, 0, 0, 0)>
#map2 = affine_map<(d0, d1) -> (0, 0, 0)>
module attributes {stable_mosaic.version = 14 : i64} {
  func.func @_agg_kernel(%arg0: i32, %arg1: i32, %arg2: memref<20000x64xf32, #tpu.memory_space<hbm>>, %arg3: memref<2x16x160x128xi32, #tpu.memory_space<hbm>>, %arg4: memref<16x160x128xi32, #tpu.memory_space<hbm>>, %arg5: memref<128x64xf32, #tpu.memory_space<hbm>>, %arg6: memref<10240x128xf32, #tpu.memory_space<hbm>>, %arg7: memref<160x128xi32, #tpu.memory_space<vmem>>, %arg8: memref<160x128xi32, #tpu.memory_space<vmem>>, %arg9: memref<4x128x64xf32, #tpu.memory_space<vmem>>, %arg10: memref<128x64xf32, #tpu.memory_space<vmem>>, %arg11: memref<10240x64xf32, #tpu.memory_space<vmem_shared>>, %arg12: memref<!tpu.dma_semaphore, #tpu.memory_space<semaphore_mem>>, %arg13: memref<!tpu.dma_semaphore, #tpu.memory_space<semaphore_mem>>, %arg14: memref<!tpu.dma_semaphore, #tpu.memory_space<semaphore_mem>>, %arg15: memref<!tpu.dma_semaphore, #tpu.memory_space<semaphore_mem>>) attributes {dimension_semantics = [#tpu.dimension_semantics<core_parallel>, #tpu.dimension_semantics<subcore_parallel>], iteration_bounds = array<i64: 2, 16>, scalar_prefetch = 0 : i64, scratch_operands = 9 : i64, tpu.core_type = #tpu.core_type<sc_vector_subcore>, window_params = [{transform_indices = #map}, {transform_indices = #map1}, {transform_indices = #map2}, {transform_indices = #map}, {transform_indices = #map}]} {
    "tpu.region"() ({
      %run_scoped3A_155 = tpu.sem_alloc : memref<!tpu.dma_semaphore, #tpu.memory_space<semaphore_mem>>
      %dma_start3A_156 = arith.constant 0 : i32
      %dma_start3A_157 = arith.constant 0 : i32
      %dma_start3A_158 = arith.constant 0 : i32
      %dma_start3A_159 = tpu.memref_slice %arg3[%arg0, %dma_start3A_156, %dma_start3A_157, %dma_start3A_158] : memref<2x16x160x128xi32, #tpu.memory_space<hbm>> -> memref<1x16x160x128xi32, #tpu.memory_space<hbm>>
      %dma_start3A_160 = tpu.memref_squeeze %dma_start3A_159 : memref<1x16x160x128xi32, #tpu.memory_space<hbm>> -> memref<16x160x128xi32, #tpu.memory_space<hbm>>
      %dma_start3A_161 = arith.constant 0 : i32
      %dma_start3A_162 = arith.constant 0 : i32
      %dma_start3A_163 = tpu.memref_slice %dma_start3A_160[%arg1, %dma_start3A_161, %dma_start3A_162] : memref<16x160x128xi32, #tpu.memory_space<hbm>> -> memref<1x160x128xi32, #tpu.memory_space<hbm>>
      %dma_start3A_164 = tpu.memref_squeeze %dma_start3A_163 : memref<1x160x128xi32, #tpu.memory_space<hbm>> -> memref<160x128xi32, #tpu.memory_space<hbm>>
      %dma_start3A_165 = arith.constant 0 : i32
      %dma_start3A_166 = arith.constant 0 : i32
      %dma_start3A_167 = arith.constant 0 : i32
      %dma_start3A_168 = tpu.memref_slice %arg3[%arg0, %dma_start3A_165, %dma_start3A_166, %dma_start3A_167] : memref<2x16x160x128xi32, #tpu.memory_space<hbm>> -> memref<1x16x160x128xi32, #tpu.memory_space<hbm>>
      %dma_start3A_169 = tpu.memref_squeeze %dma_start3A_168 : memref<1x16x160x128xi32, #tpu.memory_space<hbm>> -> memref<16x160x128xi32, #tpu.memory_space<hbm>>
      %dma_start3A_170 = arith.constant 0 : i32
      %dma_start3A_171 = arith.constant 0 : i32
      %dma_start3A_172 = tpu.memref_slice %dma_start3A_169[%arg1, %dma_start3A_170, %dma_start3A_171] : memref<16x160x128xi32, #tpu.memory_space<hbm>> -> memref<1x160x128xi32, #tpu.memory_space<hbm>>
      %dma_start3A_173 = tpu.memref_squeeze %dma_start3A_172 : memref<1x160x128xi32, #tpu.memory_space<hbm>> -> memref<160x128xi32, #tpu.memory_space<hbm>>
      tpu.enqueue_dma source(%dma_start3A_173 : memref<160x128xi32, #tpu.memory_space<hbm>>) target(%arg7 : memref<160x128xi32, #tpu.memory_space<vmem>>) target_semaphore(%run_scoped3A_155 : memref<!tpu.dma_semaphore, #tpu.memory_space<semaphore_mem>>)
      %dma_wait3A_174 = arith.constant 0 : i32
      %dma_wait3A_175 = arith.constant 0 : i32
      %dma_wait3A_176 = arith.constant 0 : i32
      %dma_wait3A_177 = tpu.memref_slice %arg3[%arg0, %dma_wait3A_174, %dma_wait3A_175, %dma_wait3A_176] : memref<2x16x160x128xi32, #tpu.memory_space<hbm>> -> memref<1x16x160x128xi32, #tpu.memory_space<hbm>>
      %dma_wait3A_178 = tpu.memref_squeeze %dma_wait3A_177 : memref<1x16x160x128xi32, #tpu.memory_space<hbm>> -> memref<16x160x128xi32, #tpu.memory_space<hbm>>
      %dma_wait3A_179 = arith.constant 0 : i32
      %dma_wait3A_180 = arith.constant 0 : i32
      %dma_wait3A_181 = tpu.memref_slice %dma_wait3A_178[%arg1, %dma_wait3A_179, %dma_wait3A_180] : memref<16x160x128xi32, #tpu.memory_space<hbm>> -> memref<1x160x128xi32, #tpu.memory_space<hbm>>
      %dma_wait3A_182 = tpu.memref_squeeze %dma_wait3A_181 : memref<1x160x128xi32, #tpu.memory_space<hbm>> -> memref<160x128xi32, #tpu.memory_space<hbm>>
      %dma_wait3A_183 = arith.constant 0 : i32
      %dma_wait3A_184 = arith.constant 0 : i32
      %dma_wait3A_185 = arith.constant 0 : i32
      %dma_wait3A_186 = tpu.memref_slice %arg3[%arg0, %dma_wait3A_183, %dma_wait3A_184, %dma_wait3A_185] : memref<2x16x160x128xi32, #tpu.memory_space<hbm>> -> memref<1x16x160x128xi32, #tpu.memory_space<hbm>>
      %dma_wait3A_187 = tpu.memref_squeeze %dma_wait3A_186 : memref<1x16x160x128xi32, #tpu.memory_space<hbm>> -> memref<16x160x128xi32, #tpu.memory_space<hbm>>
      %dma_wait3A_188 = arith.constant 0 : i32
      %dma_wait3A_189 = arith.constant 0 : i32
      %dma_wait3A_190 = tpu.memref_slice %dma_wait3A_187[%arg1, %dma_wait3A_188, %dma_wait3A_189] : memref<16x160x128xi32, #tpu.memory_space<hbm>> -> memref<1x160x128xi32, #tpu.memory_space<hbm>>
      %dma_wait3A_191 = tpu.memref_squeeze %dma_wait3A_190 : memref<1x160x128xi32, #tpu.memory_space<hbm>> -> memref<160x128xi32, #tpu.memory_space<hbm>>
      tpu.wait_dma2 semaphore(%run_scoped3A_155 : memref<!tpu.dma_semaphore, #tpu.memory_space<semaphore_mem>>) src(%dma_wait3A_191 : memref<160x128xi32, #tpu.memory_space<hbm>>) dst(%arg7 : memref<160x128xi32, #tpu.memory_space<vmem>>)
      tpu.yield
    }) : () -> ()
    "tpu.region"() ({
      %run_scoped3A_155 = tpu.sem_alloc : memref<!tpu.dma_semaphore, #tpu.memory_space<semaphore_mem>>
      %dma_start3A_156 = arith.constant 0 : i32
      %dma_start3A_157 = arith.constant 0 : i32
      %dma_start3A_158 = tpu.memref_slice %arg4[%arg1, %dma_start3A_156, %dma_start3A_157] : memref<16x160x128xi32, #tpu.memory_space<hbm>> -> memref<1x160x128xi32, #tpu.memory_space<hbm>>
      %dma_start3A_159 = tpu.memref_squeeze %dma_start3A_158 : memref<1x160x128xi32, #tpu.memory_space<hbm>> -> memref<160x128xi32, #tpu.memory_space<hbm>>
      %dma_start3A_160 = arith.constant 0 : i32
      %dma_start3A_161 = arith.constant 0 : i32
      %dma_start3A_162 = tpu.memref_slice %arg4[%arg1, %dma_start3A_160, %dma_start3A_161] : memref<16x160x128xi32, #tpu.memory_space<hbm>> -> memref<1x160x128xi32, #tpu.memory_space<hbm>>
      %dma_start3A_163 = tpu.memref_squeeze %dma_start3A_162 : memref<1x160x128xi32, #tpu.memory_space<hbm>> -> memref<160x128xi32, #tpu.memory_space<hbm>>
      tpu.enqueue_dma source(%dma_start3A_163 : memref<160x128xi32, #tpu.memory_space<hbm>>) target(%arg8 : memref<160x128xi32, #tpu.memory_space<vmem>>) target_semaphore(%run_scoped3A_155 : memref<!tpu.dma_semaphore, #tpu.memory_space<semaphore_mem>>)
      %dma_wait3A_164 = arith.constant 0 : i32
      %dma_wait3A_165 = arith.constant 0 : i32
      %dma_wait3A_166 = tpu.memref_slice %arg4[%arg1, %dma_wait3A_164, %dma_wait3A_165] : memref<16x160x128xi32, #tpu.memory_space<hbm>> -> memref<1x160x128xi32, #tpu.memory_space<hbm>>
      %dma_wait3A_167 = tpu.memref_squeeze %dma_wait3A_166 : memref<1x160x128xi32, #tpu.memory_space<hbm>> -> memref<160x128xi32, #tpu.memory_space<hbm>>
      %dma_wait3A_168 = arith.constant 0 : i32
      %dma_wait3A_169 = arith.constant 0 : i32
      %dma_wait3A_170 = tpu.memref_slice %arg4[%arg1, %dma_wait3A_168, %dma_wait3A_169] : memref<16x160x128xi32, #tpu.memory_space<hbm>> -> memref<1x160x128xi32, #tpu.memory_space<hbm>>
      %dma_wait3A_171 = tpu.memref_squeeze %dma_wait3A_170 : memref<1x160x128xi32, #tpu.memory_space<hbm>> -> memref<160x128xi32, #tpu.memory_space<hbm>>
      tpu.wait_dma2 semaphore(%run_scoped3A_155 : memref<!tpu.dma_semaphore, #tpu.memory_space<semaphore_mem>>) src(%dma_wait3A_171 : memref<160x128xi32, #tpu.memory_space<hbm>>) dst(%arg8 : memref<160x128xi32, #tpu.memory_space<vmem>>)
      tpu.yield
    }) : () -> ()
    "tpu.region"() ({
      %run_scoped3A_155 = tpu.sem_alloc : memref<!tpu.dma_semaphore, #tpu.memory_space<semaphore_mem>>
      tpu.enqueue_dma source(%arg5 : memref<128x64xf32, #tpu.memory_space<hbm>>) target(%arg10 : memref<128x64xf32, #tpu.memory_space<vmem>>) target_semaphore(%run_scoped3A_155 : memref<!tpu.dma_semaphore, #tpu.memory_space<semaphore_mem>>)
      tpu.wait_dma2 semaphore(%run_scoped3A_155 : memref<!tpu.dma_semaphore, #tpu.memory_space<semaphore_mem>>) src(%arg5 : memref<128x64xf32, #tpu.memory_space<hbm>>) dst(%arg10 : memref<128x64xf32, #tpu.memory_space<vmem>>)
      tpu.yield
    }) : () -> ()
    %mul3A = arith.constant 640 : i32
    %mul3A_0 = arith.muli %arg1, %mul3A : i32
    %add3A = arith.constant 0 : i32
    %add3A_1 = arith.addi %mul3A_0, %add3A : i32
    "tpu.region"() ({
      %run_scoped3A_155 = tpu.sem_alloc : memref<!tpu.dma_semaphore, #tpu.memory_space<semaphore_mem>>
      %dma_start3A_156 = arith.constant 0 : i32
      %dma_start3A_157 = tpu.memref_slice %arg11[%add3A_1, %dma_start3A_156] : memref<10240x64xf32, #tpu.memory_space<vmem_shared>> -> memref<128x64xf32, #tpu.memory_space<vmem_shared>>
      %dma_start3A_158 = arith.constant 0 : i32
      %dma_start3A_159 = tpu.memref_slice %arg11[%add3A_1, %dma_start3A_158] : memref<10240x64xf32, #tpu.memory_space<vmem_shared>> -> memref<128x64xf32, #tpu.memory_space<vmem_shared>>
      tpu.enqueue_dma source(%arg10 : memref<128x64xf32, #tpu.memory_space<vmem>>) target(%dma_start3A_159 : memref<128x64xf32, #tpu.memory_space<vmem_shared>>) target_semaphore(%run_scoped3A_155 : memref<!tpu.dma_semaphore, #tpu.memory_space<semaphore_mem>>)
      %dma_wait3A_160 = arith.constant 0 : i32
      %dma_wait3A_161 = tpu.memref_slice %arg11[%add3A_1, %dma_wait3A_160] : memref<10240x64xf32, #tpu.memory_space<vmem_shared>> -> memref<128x64xf32, #tpu.memory_space<vmem_shared>>
      %dma_wait3A_162 = arith.constant 0 : i32
      %dma_wait3A_163 = tpu.memref_slice %arg11[%add3A_1, %dma_wait3A_162] : memref<10240x64xf32, #tpu.memory_space<vmem_shared>> -> memref<128x64xf32, #tpu.memory_space<vmem_shared>>
      tpu.wait_dma2 semaphore(%run_scoped3A_155 : memref<!tpu.dma_semaphore, #tpu.memory_space<semaphore_mem>>) src(%arg10 : memref<128x64xf32, #tpu.memory_space<vmem>>) dst(%dma_wait3A_163 : memref<128x64xf32, #tpu.memory_space<vmem_shared>>)
      tpu.yield
    }) : () -> ()
    %mul3A_2 = arith.constant 640 : i32
    %mul3A_3 = arith.muli %arg1, %mul3A_2 : i32
    %add3A_4 = arith.constant 128 : i32
    %add3A_5 = arith.addi %mul3A_3, %add3A_4 : i32
    "tpu.region"() ({
      %run_scoped3A_155 = tpu.sem_alloc : memref<!tpu.dma_semaphore, #tpu.memory_space<semaphore_mem>>
      %dma_start3A_156 = arith.constant 0 : i32
      %dma_start3A_157 = tpu.memref_slice %arg11[%add3A_5, %dma_start3A_156] : memref<10240x64xf32, #tpu.memory_space<vmem_shared>> -> memref<128x64xf32, #tpu.memory_space<vmem_shared>>
      %dma_start3A_158 = arith.constant 0 : i32
      %dma_start3A_159 = tpu.memref_slice %arg11[%add3A_5, %dma_start3A_158] : memref<10240x64xf32, #tpu.memory_space<vmem_shared>> -> memref<128x64xf32, #tpu.memory_space<vmem_shared>>
      tpu.enqueue_dma source(%arg10 : memref<128x64xf32, #tpu.memory_space<vmem>>) target(%dma_start3A_159 : memref<128x64xf32, #tpu.memory_space<vmem_shared>>) target_semaphore(%run_scoped3A_155 : memref<!tpu.dma_semaphore, #tpu.memory_space<semaphore_mem>>)
      %dma_wait3A_160 = arith.constant 0 : i32
      %dma_wait3A_161 = tpu.memref_slice %arg11[%add3A_5, %dma_wait3A_160] : memref<10240x64xf32, #tpu.memory_space<vmem_shared>> -> memref<128x64xf32, #tpu.memory_space<vmem_shared>>
      %dma_wait3A_162 = arith.constant 0 : i32
      %dma_wait3A_163 = tpu.memref_slice %arg11[%add3A_5, %dma_wait3A_162] : memref<10240x64xf32, #tpu.memory_space<vmem_shared>> -> memref<128x64xf32, #tpu.memory_space<vmem_shared>>
      tpu.wait_dma2 semaphore(%run_scoped3A_155 : memref<!tpu.dma_semaphore, #tpu.memory_space<semaphore_mem>>) src(%arg10 : memref<128x64xf32, #tpu.memory_space<vmem>>) dst(%dma_wait3A_163 : memref<128x64xf32, #tpu.memory_space<vmem_shared>>)
      tpu.yield
    }) : () -> ()
    %mul3A_6 = arith.constant 640 : i32
    %mul3A_7 = arith.muli %arg1, %mul3A_6 : i32
    %add3A_8 = arith.constant 256 : i32
    %add3A_9 = arith.addi %mul3A_7, %add3A_8 : i32
    "tpu.region"() ({
      %run_scoped3A_155 = tpu.sem_alloc : memref<!tpu.dma_semaphore, #tpu.memory_space<semaphore_mem>>
      %dma_start3A_156 = arith.constant 0 : i32
      %dma_start3A_157 = tpu.memref_slice %arg11[%add3A_9, %dma_start3A_156] : memref<10240x64xf32, #tpu.memory_space<vmem_shared>> -> memref<128x64xf32, #tpu.memory_space<vmem_shared>>
      %dma_start3A_158 = arith.constant 0 : i32
      %dma_start3A_159 = tpu.memref_slice %arg11[%add3A_9, %dma_start3A_158] : memref<10240x64xf32, #tpu.memory_space<vmem_shared>> -> memref<128x64xf32, #tpu.memory_space<vmem_shared>>
      tpu.enqueue_dma source(%arg10 : memref<128x64xf32, #tpu.memory_space<vmem>>) target(%dma_start3A_159 : memref<128x64xf32, #tpu.memory_space<vmem_shared>>) target_semaphore(%run_scoped3A_155 : memref<!tpu.dma_semaphore, #tpu.memory_space<semaphore_mem>>)
      %dma_wait3A_160 = arith.constant 0 : i32
      %dma_wait3A_161 = tpu.memref_slice %arg11[%add3A_9, %dma_wait3A_160] : memref<10240x64xf32, #tpu.memory_space<vmem_shared>> -> memref<128x64xf32, #tpu.memory_space<vmem_shared>>
      %dma_wait3A_162 = arith.constant 0 : i32
      %dma_wait3A_163 = tpu.memref_slice %arg11[%add3A_9, %dma_wait3A_162] : memref<10240x64xf32, #tpu.memory_space<vmem_shared>> -> memref<128x64xf32, #tpu.memory_space<vmem_shared>>
      tpu.wait_dma2 semaphore(%run_scoped3A_155 : memref<!tpu.dma_semaphore, #tpu.memory_space<semaphore_mem>>) src(%arg10 : memref<128x64xf32, #tpu.memory_space<vmem>>) dst(%dma_wait3A_163 : memref<128x64xf32, #tpu.memory_space<vmem_shared>>)
      tpu.yield
    }) : () -> ()
    %mul3A_10 = arith.constant 640 : i32
    %mul3A_11 = arith.muli %arg1, %mul3A_10 : i32
    %add3A_12 = arith.constant 384 : i32
    %add3A_13 = arith.addi %mul3A_11, %add3A_12 : i32
    "tpu.region"() ({
      %run_scoped3A_155 = tpu.sem_alloc : memref<!tpu.dma_semaphore, #tpu.memory_space<semaphore_mem>>
      %dma_start3A_156 = arith.constant 0 : i32
      %dma_start3A_157 = tpu.memref_slice %arg11[%add3A_13, %dma_start3A_156] : memref<10240x64xf32, #tpu.memory_space<vmem_shared>> -> memref<128x64xf32, #tpu.memory_space<vmem_shared>>
      %dma_start3A_158 = arith.constant 0 : i32
      %dma_start3A_159 = tpu.memref_slice %arg11[%add3A_13, %dma_start3A_158] : memref<10240x64xf32, #tpu.memory_space<vmem_shared>> -> memref<128x64xf32, #tpu.memory_space<vmem_shared>>
      tpu.enqueue_dma source(%arg10 : memref<128x64xf32, #tpu.memory_space<vmem>>) target(%dma_start3A_159 : memref<128x64xf32, #tpu.memory_space<vmem_shared>>) target_semaphore(%run_scoped3A_155 : memref<!tpu.dma_semaphore, #tpu.memory_space<semaphore_mem>>)
      %dma_wait3A_160 = arith.constant 0 : i32
      %dma_wait3A_161 = tpu.memref_slice %arg11[%add3A_13, %dma_wait3A_160] : memref<10240x64xf32, #tpu.memory_space<vmem_shared>> -> memref<128x64xf32, #tpu.memory_space<vmem_shared>>
      %dma_wait3A_162 = arith.constant 0 : i32
      %dma_wait3A_163 = tpu.memref_slice %arg11[%add3A_13, %dma_wait3A_162] : memref<10240x64xf32, #tpu.memory_space<vmem_shared>> -> memref<128x64xf32, #tpu.memory_space<vmem_shared>>
      tpu.wait_dma2 semaphore(%run_scoped3A_155 : memref<!tpu.dma_semaphore, #tpu.memory_space<semaphore_mem>>) src(%arg10 : memref<128x64xf32, #tpu.memory_space<vmem>>) dst(%dma_wait3A_163 : memref<128x64xf32, #tpu.memory_space<vmem_shared>>)
      tpu.yield
    }) : () -> ()
    %mul3A_14 = arith.constant 640 : i32
    %mul3A_15 = arith.muli %arg1, %mul3A_14 : i32
    %add3A_16 = arith.constant 512 : i32
    %add3A_17 = arith.addi %mul3A_15, %add3A_16 : i32
    "tpu.region"() ({
      %run_scoped3A_155 = tpu.sem_alloc : memref<!tpu.dma_semaphore, #tpu.memory_space<semaphore_mem>>
      %dma_start3A_156 = arith.constant 0 : i32
      %dma_start3A_157 = tpu.memref_slice %arg11[%add3A_17, %dma_start3A_156] : memref<10240x64xf32, #tpu.memory_space<vmem_shared>> -> memref<128x64xf32, #tpu.memory_space<vmem_shared>>
      %dma_start3A_158 = arith.constant 0 : i32
      %dma_start3A_159 = tpu.memref_slice %arg11[%add3A_17, %dma_start3A_158] : memref<10240x64xf32, #tpu.memory_space<vmem_shared>> -> memref<128x64xf32, #tpu.memory_space<vmem_shared>>
      tpu.enqueue_dma source(%arg10 : memref<128x64xf32, #tpu.memory_space<vmem>>) target(%dma_start3A_159 : memref<128x64xf32, #tpu.memory_space<vmem_shared>>) target_semaphore(%run_scoped3A_155 : memref<!tpu.dma_semaphore, #tpu.memory_space<semaphore_mem>>)
      %dma_wait3A_160 = arith.constant 0 : i32
      %dma_wait3A_161 = tpu.memref_slice %arg11[%add3A_17, %dma_wait3A_160] : memref<10240x64xf32, #tpu.memory_space<vmem_shared>> -> memref<128x64xf32, #tpu.memory_space<vmem_shared>>
      %dma_wait3A_162 = arith.constant 0 : i32
      %dma_wait3A_163 = tpu.memref_slice %arg11[%add3A_17, %dma_wait3A_162] : memref<10240x64xf32, #tpu.memory_space<vmem_shared>> -> memref<128x64xf32, #tpu.memory_space<vmem_shared>>
      tpu.wait_dma2 semaphore(%run_scoped3A_155 : memref<!tpu.dma_semaphore, #tpu.memory_space<semaphore_mem>>) src(%arg10 : memref<128x64xf32, #tpu.memory_space<vmem>>) dst(%dma_wait3A_163 : memref<128x64xf32, #tpu.memory_space<vmem_shared>>)
      tpu.yield
    }) : () -> ()
    %barrier3A = arith.constant 0 : index
    tpu.barrier barrier_id(%barrier3A)
    %dma_start3A = arith.constant 0 : i32
    %dma_start3A_18 = arith.constant 0 : i32
    %dma_start3A_19 = arith.constant 0 : i32
    %dma_start3A_20 = arith.constant 0 : i32
    %dma_start3A_21 = tpu.memref_slice %arg9[%dma_start3A_18, %dma_start3A_19, %dma_start3A_20] : memref<4x128x64xf32, #tpu.memory_space<vmem>> -> memref<1x128x64xf32, #tpu.memory_space<vmem>>
    %dma_start3A_22 = tpu.memref_squeeze %dma_start3A_21 : memref<1x128x64xf32, #tpu.memory_space<vmem>> -> memref<128x64xf32, #tpu.memory_space<vmem>>
    %dma_start3A_23 = arith.constant 0 : i32
    %dma_start3A_24 = tpu.memref_slice %arg7[%dma_start3A, %dma_start3A_23] : memref<160x128xi32, #tpu.memory_space<vmem>> -> memref<1x128xi32, #tpu.memory_space<vmem>>
    %dma_start3A_25 = tpu.memref_squeeze %dma_start3A_24 : memref<1x128xi32, #tpu.memory_space<vmem>> -> memref<128xi32, #tpu.memory_space<vmem>>
    %dma_start3A_26 = arith.constant 0 : i32
    %dma_start3A_27 = arith.constant 0 : i32
    %dma_start3A_28 = tpu.memref_slice %arg2[%dma_start3A_26, %dma_start3A_27] : memref<20000x64xf32, #tpu.memory_space<hbm>> -> memref<20000x64xf32, #tpu.memory_space<hbm>>
    tpu.enqueue_indirect_dma source(%dma_start3A_28 : memref<20000x64xf32, #tpu.memory_space<hbm>>) target(%dma_start3A_22 : memref<128x64xf32, #tpu.memory_space<vmem>>) offsets(%dma_start3A_25 : memref<128xi32, #tpu.memory_space<vmem>>) semaphore(%arg12 : memref<!tpu.dma_semaphore, #tpu.memory_space<semaphore_mem>>)
    %dma_start3A_29 = arith.constant 1 : i32
    %dma_start3A_30 = arith.constant 1 : i32
    %dma_start3A_31 = arith.constant 0 : i32
    %dma_start3A_32 = arith.constant 0 : i32
    %dma_start3A_33 = tpu.memref_slice %arg9[%dma_start3A_30, %dma_start3A_31, %dma_start3A_32] : memref<4x128x64xf32, #tpu.memory_space<vmem>> -> memref<1x128x64xf32, #tpu.memory_space<vmem>>
    %dma_start3A_34 = tpu.memref_squeeze %dma_start3A_33 : memref<1x128x64xf32, #tpu.memory_space<vmem>> -> memref<128x64xf32, #tpu.memory_space<vmem>>
    %dma_start3A_35 = arith.constant 0 : i32
    %dma_start3A_36 = tpu.memref_slice %arg7[%dma_start3A_29, %dma_start3A_35] : memref<160x128xi32, #tpu.memory_space<vmem>> -> memref<1x128xi32, #tpu.memory_space<vmem>>
    %dma_start3A_37 = tpu.memref_squeeze %dma_start3A_36 : memref<1x128xi32, #tpu.memory_space<vmem>> -> memref<128xi32, #tpu.memory_space<vmem>>
    %dma_start3A_38 = arith.constant 0 : i32
    %dma_start3A_39 = arith.constant 0 : i32
    %dma_start3A_40 = tpu.memref_slice %arg2[%dma_start3A_38, %dma_start3A_39] : memref<20000x64xf32, #tpu.memory_space<hbm>> -> memref<20000x64xf32, #tpu.memory_space<hbm>>
    tpu.enqueue_indirect_dma source(%dma_start3A_40 : memref<20000x64xf32, #tpu.memory_space<hbm>>) target(%dma_start3A_34 : memref<128x64xf32, #tpu.memory_space<vmem>>) offsets(%dma_start3A_37 : memref<128xi32, #tpu.memory_space<vmem>>) semaphore(%arg13 : memref<!tpu.dma_semaphore, #tpu.memory_space<semaphore_mem>>)
    %dma_start3A_41 = arith.constant 2 : i32
    %dma_start3A_42 = arith.constant 2 : i32
    %dma_start3A_43 = arith.constant 0 : i32
    %dma_start3A_44 = arith.constant 0 : i32
    %dma_start3A_45 = tpu.memref_slice %arg9[%dma_start3A_42, %dma_start3A_43, %dma_start3A_44] : memref<4x128x64xf32, #tpu.memory_space<vmem>> -> memref<1x128x64xf32, #tpu.memory_space<vmem>>
    %dma_start3A_46 = tpu.memref_squeeze %dma_start3A_45 : memref<1x128x64xf32, #tpu.memory_space<vmem>> -> memref<128x64xf32, #tpu.memory_space<vmem>>
    %dma_start3A_47 = arith.constant 0 : i32
    %dma_start3A_48 = tpu.memref_slice %arg7[%dma_start3A_41, %dma_start3A_47] : memref<160x128xi32, #tpu.memory_space<vmem>> -> memref<1x128xi32, #tpu.memory_space<vmem>>
    %dma_start3A_49 = tpu.memref_squeeze %dma_start3A_48 : memref<1x128xi32, #tpu.memory_space<vmem>> -> memref<128xi32, #tpu.memory_space<vmem>>
    %dma_start3A_50 = arith.constant 0 : i32
    %dma_start3A_51 = arith.constant 0 : i32
    %dma_start3A_52 = tpu.memref_slice %arg2[%dma_start3A_50, %dma_start3A_51] : memref<20000x64xf32, #tpu.memory_space<hbm>> -> memref<20000x64xf32, #tpu.memory_space<hbm>>
    tpu.enqueue_indirect_dma source(%dma_start3A_52 : memref<20000x64xf32, #tpu.memory_space<hbm>>) target(%dma_start3A_46 : memref<128x64xf32, #tpu.memory_space<vmem>>) offsets(%dma_start3A_49 : memref<128xi32, #tpu.memory_space<vmem>>) semaphore(%arg14 : memref<!tpu.dma_semaphore, #tpu.memory_space<semaphore_mem>>)
    %dma_start3A_53 = arith.constant 3 : i32
    %dma_start3A_54 = arith.constant 3 : i32
    %dma_start3A_55 = arith.constant 0 : i32
    %dma_start3A_56 = arith.constant 0 : i32
    %dma_start3A_57 = tpu.memref_slice %arg9[%dma_start3A_54, %dma_start3A_55, %dma_start3A_56] : memref<4x128x64xf32, #tpu.memory_space<vmem>> -> memref<1x128x64xf32, #tpu.memory_space<vmem>>
    %dma_start3A_58 = tpu.memref_squeeze %dma_start3A_57 : memref<1x128x64xf32, #tpu.memory_space<vmem>> -> memref<128x64xf32, #tpu.memory_space<vmem>>
    %dma_start3A_59 = arith.constant 0 : i32
    %dma_start3A_60 = tpu.memref_slice %arg7[%dma_start3A_53, %dma_start3A_59] : memref<160x128xi32, #tpu.memory_space<vmem>> -> memref<1x128xi32, #tpu.memory_space<vmem>>
    %dma_start3A_61 = tpu.memref_squeeze %dma_start3A_60 : memref<1x128xi32, #tpu.memory_space<vmem>> -> memref<128xi32, #tpu.memory_space<vmem>>
    %dma_start3A_62 = arith.constant 0 : i32
    %dma_start3A_63 = arith.constant 0 : i32
    %dma_start3A_64 = tpu.memref_slice %arg2[%dma_start3A_62, %dma_start3A_63] : memref<20000x64xf32, #tpu.memory_space<hbm>> -> memref<20000x64xf32, #tpu.memory_space<hbm>>
    tpu.enqueue_indirect_dma source(%dma_start3A_64 : memref<20000x64xf32, #tpu.memory_space<hbm>>) target(%dma_start3A_58 : memref<128x64xf32, #tpu.memory_space<vmem>>) offsets(%dma_start3A_61 : memref<128xi32, #tpu.memory_space<vmem>>) semaphore(%arg15 : memref<!tpu.dma_semaphore, #tpu.memory_space<semaphore_mem>>)
    %scan3A = arith.constant 0 : i32
    %scan3A_65 = arith.constant 0 : i32
    %scan3A_66 = arith.constant 39 : i32
    %scan3A_67 = arith.addi %scan3A_65, %scan3A_66 : i32
    %scan3A_68 = arith.constant 1 : i32
    scf.for %scan3A_155 = %scan3A_65 to %scan3A_67 step %scan3A_68  : i32 {
      %mul3A_156 = arith.constant 4 : i32
      %mul3A_157 = arith.muli %scan3A_155, %mul3A_156 : i32
      %add3A_158 = arith.constant 0 : i32
      %add3A_159 = arith.addi %mul3A_157, %add3A_158 : i32
      %dma_wait3A_160 = arith.constant 0 : i32
      %dma_wait3A_161 = arith.constant 0 : i32
      %dma_wait3A_162 = arith.constant 0 : i32
      %dma_wait3A_163 = tpu.memref_slice %arg9[%dma_wait3A_160, %dma_wait3A_161, %dma_wait3A_162] : memref<4x128x64xf32, #tpu.memory_space<vmem>> -> memref<1x128x64xf32, #tpu.memory_space<vmem>>
      %dma_wait3A_164 = tpu.memref_squeeze %dma_wait3A_163 : memref<1x128x64xf32, #tpu.memory_space<vmem>> -> memref<128x64xf32, #tpu.memory_space<vmem>>
      %dma_wait3A_165 = arith.constant 0 : i32
      %dma_wait3A_166 = tpu.memref_slice %arg7[%add3A_159, %dma_wait3A_165] : memref<160x128xi32, #tpu.memory_space<vmem>> -> memref<1x128xi32, #tpu.memory_space<vmem>>
      %dma_wait3A_167 = tpu.memref_squeeze %dma_wait3A_166 : memref<1x128xi32, #tpu.memory_space<vmem>> -> memref<128xi32, #tpu.memory_space<vmem>>
      %dma_wait3A_168 = arith.constant 0 : i32
      %dma_wait3A_169 = arith.constant 0 : i32
      %dma_wait3A_170 = tpu.memref_slice %arg2[%dma_wait3A_168, %dma_wait3A_169] : memref<20000x64xf32, #tpu.memory_space<hbm>> -> memref<20000x64xf32, #tpu.memory_space<hbm>>
      tpu.wait_indirect_dma semaphore(%arg12 : memref<!tpu.dma_semaphore, #tpu.memory_space<semaphore_mem>>) src(%dma_wait3A_170 : memref<20000x64xf32, #tpu.memory_space<hbm>>) dst(%dma_wait3A_164 : memref<128x64xf32, #tpu.memory_space<vmem>>)
      %run_scoped3A_171 = arith.constant 0 : i32
      "tpu.region"() ({
        %run_scoped3A_272 = tpu.sem_alloc : memref<!tpu.dma_semaphore, #tpu.memory_space<semaphore_mem>>
        %dma_start3A_273 = arith.constant 0 : i32
        %dma_start3A_274 = arith.constant 0 : i32
        %dma_start3A_275 = tpu.memref_slice %arg9[%run_scoped3A_171, %dma_start3A_273, %dma_start3A_274] : memref<4x128x64xf32, #tpu.memory_space<vmem>> -> memref<1x128x64xf32, #tpu.memory_space<vmem>>
        %dma_start3A_276 = tpu.memref_squeeze %dma_start3A_275 : memref<1x128x64xf32, #tpu.memory_space<vmem>> -> memref<128x64xf32, #tpu.memory_space<vmem>>
        %dma_start3A_277 = arith.constant 0 : i32
        %dma_start3A_278 = tpu.memref_slice %arg8[%add3A_159, %dma_start3A_277] : memref<160x128xi32, #tpu.memory_space<vmem>> -> memref<1x128xi32, #tpu.memory_space<vmem>>
        %dma_start3A_279 = tpu.memref_squeeze %dma_start3A_278 : memref<1x128xi32, #tpu.memory_space<vmem>> -> memref<128xi32, #tpu.memory_space<vmem>>
        %dma_start3A_280 = arith.constant 0 : i32
        %dma_start3A_281 = arith.constant 0 : i32
        %dma_start3A_282 = tpu.memref_slice %arg11[%dma_start3A_280, %dma_start3A_281] : memref<10240x64xf32, #tpu.memory_space<vmem_shared>> -> memref<10240x64xf32, #tpu.memory_space<vmem_shared>>
        tpu.enqueue_indirect_dma source(%dma_start3A_276 : memref<128x64xf32, #tpu.memory_space<vmem>>) target(%dma_start3A_282 : memref<10240x64xf32, #tpu.memory_space<vmem_shared>>) offsets(%dma_start3A_279 : memref<128xi32, #tpu.memory_space<vmem>>) semaphore(%run_scoped3A_272 : memref<!tpu.dma_semaphore, #tpu.memory_space<semaphore_mem>>) {add = true}
        %dma_wait3A_283 = arith.constant 0 : i32
        %dma_wait3A_284 = arith.constant 0 : i32
        %dma_wait3A_285 = tpu.memref_slice %arg9[%run_scoped3A_171, %dma_wait3A_283, %dma_wait3A_284] : memref<4x128x64xf32, #tpu.memory_space<vmem>> -> memref<1x128x64xf32, #tpu.memory_space<vmem>>
        %dma_wait3A_286 = tpu.memref_squeeze %dma_wait3A_285 : memref<1x128x64xf32, #tpu.memory_space<vmem>> -> memref<128x64xf32, #tpu.memory_space<vmem>>
        %dma_wait3A_287 = arith.constant 0 : i32
        %dma_wait3A_288 = tpu.memref_slice %arg8[%add3A_159, %dma_wait3A_287] : memref<160x128xi32, #tpu.memory_space<vmem>> -> memref<1x128xi32, #tpu.memory_space<vmem>>
        %dma_wait3A_289 = tpu.memref_squeeze %dma_wait3A_288 : memref<1x128xi32, #tpu.memory_space<vmem>> -> memref<128xi32, #tpu.memory_space<vmem>>
        %dma_wait3A_290 = arith.constant 0 : i32
        %dma_wait3A_291 = arith.constant 0 : i32
        %dma_wait3A_292 = tpu.memref_slice %arg11[%dma_wait3A_290, %dma_wait3A_291] : memref<10240x64xf32, #tpu.memory_space<vmem_shared>> -> memref<10240x64xf32, #tpu.memory_space<vmem_shared>>
        tpu.wait_indirect_dma semaphore(%run_scoped3A_272 : memref<!tpu.dma_semaphore, #tpu.memory_space<semaphore_mem>>) src(%dma_wait3A_286 : memref<128x64xf32, #tpu.memory_space<vmem>>) dst(%dma_wait3A_292 : memref<10240x64xf32, #tpu.memory_space<vmem_shared>>)
        tpu.yield
      }) : () -> ()
      %add3A_172 = arith.constant 4 : i32
      %add3A_173 = arith.addi %add3A_159, %add3A_172 : i32
      %dma_start3A_174 = arith.constant 0 : i32
      %dma_start3A_175 = arith.constant 0 : i32
      %dma_start3A_176 = arith.constant 0 : i32
      %dma_start3A_177 = tpu.memref_slice %arg9[%dma_start3A_174, %dma_start3A_175, %dma_start3A_176] : memref<4x128x64xf32, #tpu.memory_space<vmem>> -> memref<1x128x64xf32, #tpu.memory_space<vmem>>
      %dma_start3A_178 = tpu.memref_squeeze %dma_start3A_177 : memref<1x128x64xf32, #tpu.memory_space<vmem>> -> memref<128x64xf32, #tpu.memory_space<vmem>>
      %dma_start3A_179 = arith.constant 0 : i32
      %dma_start3A_180 = tpu.memref_slice %arg7[%add3A_173, %dma_start3A_179] : memref<160x128xi32, #tpu.memory_space<vmem>> -> memref<1x128xi32, #tpu.memory_space<vmem>>
      %dma_start3A_181 = tpu.memref_squeeze %dma_start3A_180 : memref<1x128xi32, #tpu.memory_space<vmem>> -> memref<128xi32, #tpu.memory_space<vmem>>
      %dma_start3A_182 = arith.constant 0 : i32
      %dma_start3A_183 = arith.constant 0 : i32
      %dma_start3A_184 = tpu.memref_slice %arg2[%dma_start3A_182, %dma_start3A_183] : memref<20000x64xf32, #tpu.memory_space<hbm>> -> memref<20000x64xf32, #tpu.memory_space<hbm>>
      tpu.enqueue_indirect_dma source(%dma_start3A_184 : memref<20000x64xf32, #tpu.memory_space<hbm>>) target(%dma_start3A_178 : memref<128x64xf32, #tpu.memory_space<vmem>>) offsets(%dma_start3A_181 : memref<128xi32, #tpu.memory_space<vmem>>) semaphore(%arg12 : memref<!tpu.dma_semaphore, #tpu.memory_space<semaphore_mem>>)
      %mul3A_185 = arith.constant 4 : i32
      %mul3A_186 = arith.muli %scan3A_155, %mul3A_185 : i32
      %add3A_187 = arith.constant 1 : i32
      %add3A_188 = arith.addi %mul3A_186, %add3A_187 : i32
      %dma_wait3A_189 = arith.constant 1 : i32
      %dma_wait3A_190 = arith.constant 0 : i32
      %dma_wait3A_191 = arith.constant 0 : i32
      %dma_wait3A_192 = tpu.memref_slice %arg9[%dma_wait3A_189, %dma_wait3A_190, %dma_wait3A_191] : memref<4x128x64xf32, #tpu.memory_space<vmem>> -> memref<1x128x64xf32, #tpu.memory_space<vmem>>
      %dma_wait3A_193 = tpu.memref_squeeze %dma_wait3A_192 : memref<1x128x64xf32, #tpu.memory_space<vmem>> -> memref<128x64xf32, #tpu.memory_space<vmem>>
      %dma_wait3A_194 = arith.constant 0 : i32
      %dma_wait3A_195 = tpu.memref_slice %arg7[%add3A_188, %dma_wait3A_194] : memref<160x128xi32, #tpu.memory_space<vmem>> -> memref<1x128xi32, #tpu.memory_space<vmem>>
      %dma_wait3A_196 = tpu.memref_squeeze %dma_wait3A_195 : memref<1x128xi32, #tpu.memory_space<vmem>> -> memref<128xi32, #tpu.memory_space<vmem>>
      %dma_wait3A_197 = arith.constant 0 : i32
      %dma_wait3A_198 = arith.constant 0 : i32
      %dma_wait3A_199 = tpu.memref_slice %arg2[%dma_wait3A_197, %dma_wait3A_198] : memref<20000x64xf32, #tpu.memory_space<hbm>> -> memref<20000x64xf32, #tpu.memory_space<hbm>>
      tpu.wait_indirect_dma semaphore(%arg13 : memref<!tpu.dma_semaphore, #tpu.memory_space<semaphore_mem>>) src(%dma_wait3A_199 : memref<20000x64xf32, #tpu.memory_space<hbm>>) dst(%dma_wait3A_193 : memref<128x64xf32, #tpu.memory_space<vmem>>)
      %run_scoped3A_200 = arith.constant 1 : i32
      "tpu.region"() ({
        %run_scoped3A_272 = tpu.sem_alloc : memref<!tpu.dma_semaphore, #tpu.memory_space<semaphore_mem>>
        %dma_start3A_273 = arith.constant 0 : i32
        %dma_start3A_274 = arith.constant 0 : i32
        %dma_start3A_275 = tpu.memref_slice %arg9[%run_scoped3A_200, %dma_start3A_273, %dma_start3A_274] : memref<4x128x64xf32, #tpu.memory_space<vmem>> -> memref<1x128x64xf32, #tpu.memory_space<vmem>>
        %dma_start3A_276 = tpu.memref_squeeze %dma_start3A_275 : memref<1x128x64xf32, #tpu.memory_space<vmem>> -> memref<128x64xf32, #tpu.memory_space<vmem>>
        %dma_start3A_277 = arith.constant 0 : i32
        %dma_start3A_278 = tpu.memref_slice %arg8[%add3A_188, %dma_start3A_277] : memref<160x128xi32, #tpu.memory_space<vmem>> -> memref<1x128xi32, #tpu.memory_space<vmem>>
        %dma_start3A_279 = tpu.memref_squeeze %dma_start3A_278 : memref<1x128xi32, #tpu.memory_space<vmem>> -> memref<128xi32, #tpu.memory_space<vmem>>
        %dma_start3A_280 = arith.constant 0 : i32
        %dma_start3A_281 = arith.constant 0 : i32
        %dma_start3A_282 = tpu.memref_slice %arg11[%dma_start3A_280, %dma_start3A_281] : memref<10240x64xf32, #tpu.memory_space<vmem_shared>> -> memref<10240x64xf32, #tpu.memory_space<vmem_shared>>
        tpu.enqueue_indirect_dma source(%dma_start3A_276 : memref<128x64xf32, #tpu.memory_space<vmem>>) target(%dma_start3A_282 : memref<10240x64xf32, #tpu.memory_space<vmem_shared>>) offsets(%dma_start3A_279 : memref<128xi32, #tpu.memory_space<vmem>>) semaphore(%run_scoped3A_272 : memref<!tpu.dma_semaphore, #tpu.memory_space<semaphore_mem>>) {add = true}
        %dma_wait3A_283 = arith.constant 0 : i32
        %dma_wait3A_284 = arith.constant 0 : i32
        %dma_wait3A_285 = tpu.memref_slice %arg9[%run_scoped3A_200, %dma_wait3A_283, %dma_wait3A_284] : memref<4x128x64xf32, #tpu.memory_space<vmem>> -> memref<1x128x64xf32, #tpu.memory_space<vmem>>
        %dma_wait3A_286 = tpu.memref_squeeze %dma_wait3A_285 : memref<1x128x64xf32, #tpu.memory_space<vmem>> -> memref<128x64xf32, #tpu.memory_space<vmem>>
        %dma_wait3A_287 = arith.constant 0 : i32
        %dma_wait3A_288 = tpu.memref_slice %arg8[%add3A_188, %dma_wait3A_287] : memref<160x128xi32, #tpu.memory_space<vmem>> -> memref<1x128xi32, #tpu.memory_space<vmem>>
        %dma_wait3A_289 = tpu.memref_squeeze %dma_wait3A_288 : memref<1x128xi32, #tpu.memory_space<vmem>> -> memref<128xi32, #tpu.memory_space<vmem>>
        %dma_wait3A_290 = arith.constant 0 : i32
        %dma_wait3A_291 = arith.constant 0 : i32
        %dma_wait3A_292 = tpu.memref_slice %arg11[%dma_wait3A_290, %dma_wait3A_291] : memref<10240x64xf32, #tpu.memory_space<vmem_shared>> -> memref<10240x64xf32, #tpu.memory_space<vmem_shared>>
        tpu.wait_indirect_dma semaphore(%run_scoped3A_272 : memref<!tpu.dma_semaphore, #tpu.memory_space<semaphore_mem>>) src(%dma_wait3A_286 : memref<128x64xf32, #tpu.memory_space<vmem>>) dst(%dma_wait3A_292 : memref<10240x64xf32, #tpu.memory_space<vmem_shared>>)
        tpu.yield
      }) : () -> ()
      %add3A_201 = arith.constant 4 : i32
      %add3A_202 = arith.addi %add3A_188, %add3A_201 : i32
      %dma_start3A_203 = arith.constant 1 : i32
      %dma_start3A_204 = arith.constant 0 : i32
      %dma_start3A_205 = arith.constant 0 : i32
      %dma_start3A_206 = tpu.memref_slice %arg9[%dma_start3A_203, %dma_start3A_204, %dma_start3A_205] : memref<4x128x64xf32, #tpu.memory_space<vmem>> -> memref<1x128x64xf32, #tpu.memory_space<vmem>>
      %dma_start3A_207 = tpu.memref_squeeze %dma_start3A_206 : memref<1x128x64xf32, #tpu.memory_space<vmem>> -> memref<128x64xf32, #tpu.memory_space<vmem>>
      %dma_start3A_208 = arith.constant 0 : i32
      %dma_start3A_209 = tpu.memref_slice %arg7[%add3A_202, %dma_start3A_208] : memref<160x128xi32, #tpu.memory_space<vmem>> -> memref<1x128xi32, #tpu.memory_space<vmem>>
      %dma_start3A_210 = tpu.memref_squeeze %dma_start3A_209 : memref<1x128xi32, #tpu.memory_space<vmem>> -> memref<128xi32, #tpu.memory_space<vmem>>
      %dma_start3A_211 = arith.constant 0 : i32
      %dma_start3A_212 = arith.constant 0 : i32
      %dma_start3A_213 = tpu.memref_slice %arg2[%dma_start3A_211, %dma_start3A_212] : memref<20000x64xf32, #tpu.memory_space<hbm>> -> memref<20000x64xf32, #tpu.memory_space<hbm>>
      tpu.enqueue_indirect_dma source(%dma_start3A_213 : memref<20000x64xf32, #tpu.memory_space<hbm>>) target(%dma_start3A_207 : memref<128x64xf32, #tpu.memory_space<vmem>>) offsets(%dma_start3A_210 : memref<128xi32, #tpu.memory_space<vmem>>) semaphore(%arg13 : memref<!tpu.dma_semaphore, #tpu.memory_space<semaphore_mem>>)
      %mul3A_214 = arith.constant 4 : i32
      %mul3A_215 = arith.muli %scan3A_155, %mul3A_214 : i32
      %add3A_216 = arith.constant 2 : i32
      %add3A_217 = arith.addi %mul3A_215, %add3A_216 : i32
      %dma_wait3A_218 = arith.constant 2 : i32
      %dma_wait3A_219 = arith.constant 0 : i32
      %dma_wait3A_220 = arith.constant 0 : i32
      %dma_wait3A_221 = tpu.memref_slice %arg9[%dma_wait3A_218, %dma_wait3A_219, %dma_wait3A_220] : memref<4x128x64xf32, #tpu.memory_space<vmem>> -> memref<1x128x64xf32, #tpu.memory_space<vmem>>
      %dma_wait3A_222 = tpu.memref_squeeze %dma_wait3A_221 : memref<1x128x64xf32, #tpu.memory_space<vmem>> -> memref<128x64xf32, #tpu.memory_space<vmem>>
      %dma_wait3A_223 = arith.constant 0 : i32
      %dma_wait3A_224 = tpu.memref_slice %arg7[%add3A_217, %dma_wait3A_223] : memref<160x128xi32, #tpu.memory_space<vmem>> -> memref<1x128xi32, #tpu.memory_space<vmem>>
      %dma_wait3A_225 = tpu.memref_squeeze %dma_wait3A_224 : memref<1x128xi32, #tpu.memory_space<vmem>> -> memref<128xi32, #tpu.memory_space<vmem>>
      %dma_wait3A_226 = arith.constant 0 : i32
      %dma_wait3A_227 = arith.constant 0 : i32
      %dma_wait3A_228 = tpu.memref_slice %arg2[%dma_wait3A_226, %dma_wait3A_227] : memref<20000x64xf32, #tpu.memory_space<hbm>> -> memref<20000x64xf32, #tpu.memory_space<hbm>>
      tpu.wait_indirect_dma semaphore(%arg14 : memref<!tpu.dma_semaphore, #tpu.memory_space<semaphore_mem>>) src(%dma_wait3A_228 : memref<20000x64xf32, #tpu.memory_space<hbm>>) dst(%dma_wait3A_222 : memref<128x64xf32, #tpu.memory_space<vmem>>)
      %run_scoped3A_229 = arith.constant 2 : i32
      "tpu.region"() ({
        %run_scoped3A_272 = tpu.sem_alloc : memref<!tpu.dma_semaphore, #tpu.memory_space<semaphore_mem>>
        %dma_start3A_273 = arith.constant 0 : i32
        %dma_start3A_274 = arith.constant 0 : i32
        %dma_start3A_275 = tpu.memref_slice %arg9[%run_scoped3A_229, %dma_start3A_273, %dma_start3A_274] : memref<4x128x64xf32, #tpu.memory_space<vmem>> -> memref<1x128x64xf32, #tpu.memory_space<vmem>>
        %dma_start3A_276 = tpu.memref_squeeze %dma_start3A_275 : memref<1x128x64xf32, #tpu.memory_space<vmem>> -> memref<128x64xf32, #tpu.memory_space<vmem>>
        %dma_start3A_277 = arith.constant 0 : i32
        %dma_start3A_278 = tpu.memref_slice %arg8[%add3A_217, %dma_start3A_277] : memref<160x128xi32, #tpu.memory_space<vmem>> -> memref<1x128xi32, #tpu.memory_space<vmem>>
        %dma_start3A_279 = tpu.memref_squeeze %dma_start3A_278 : memref<1x128xi32, #tpu.memory_space<vmem>> -> memref<128xi32, #tpu.memory_space<vmem>>
        %dma_start3A_280 = arith.constant 0 : i32
        %dma_start3A_281 = arith.constant 0 : i32
        %dma_start3A_282 = tpu.memref_slice %arg11[%dma_start3A_280, %dma_start3A_281] : memref<10240x64xf32, #tpu.memory_space<vmem_shared>> -> memref<10240x64xf32, #tpu.memory_space<vmem_shared>>
        tpu.enqueue_indirect_dma source(%dma_start3A_276 : memref<128x64xf32, #tpu.memory_space<vmem>>) target(%dma_start3A_282 : memref<10240x64xf32, #tpu.memory_space<vmem_shared>>) offsets(%dma_start3A_279 : memref<128xi32, #tpu.memory_space<vmem>>) semaphore(%run_scoped3A_272 : memref<!tpu.dma_semaphore, #tpu.memory_space<semaphore_mem>>) {add = true}
        %dma_wait3A_283 = arith.constant 0 : i32
        %dma_wait3A_284 = arith.constant 0 : i32
        %dma_wait3A_285 = tpu.memref_slice %arg9[%run_scoped3A_229, %dma_wait3A_283, %dma_wait3A_284] : memref<4x128x64xf32, #tpu.memory_space<vmem>> -> memref<1x128x64xf32, #tpu.memory_space<vmem>>
        %dma_wait3A_286 = tpu.memref_squeeze %dma_wait3A_285 : memref<1x128x64xf32, #tpu.memory_space<vmem>> -> memref<128x64xf32, #tpu.memory_space<vmem>>
        %dma_wait3A_287 = arith.constant 0 : i32
        %dma_wait3A_288 = tpu.memref_slice %arg8[%add3A_217, %dma_wait3A_287] : memref<160x128xi32, #tpu.memory_space<vmem>> -> memref<1x128xi32, #tpu.memory_space<vmem>>
        %dma_wait3A_289 = tpu.memref_squeeze %dma_wait3A_288 : memref<1x128xi32, #tpu.memory_space<vmem>> -> memref<128xi32, #tpu.memory_space<vmem>>
        %dma_wait3A_290 = arith.constant 0 : i32
        %dma_wait3A_291 = arith.constant 0 : i32
        %dma_wait3A_292 = tpu.memref_slice %arg11[%dma_wait3A_290, %dma_wait3A_291] : memref<10240x64xf32, #tpu.memory_space<vmem_shared>> -> memref<10240x64xf32, #tpu.memory_space<vmem_shared>>
        tpu.wait_indirect_dma semaphore(%run_scoped3A_272 : memref<!tpu.dma_semaphore, #tpu.memory_space<semaphore_mem>>) src(%dma_wait3A_286 : memref<128x64xf32, #tpu.memory_space<vmem>>) dst(%dma_wait3A_292 : memref<10240x64xf32, #tpu.memory_space<vmem_shared>>)
        tpu.yield
      }) : () -> ()
      %add3A_230 = arith.constant 4 : i32
      %add3A_231 = arith.addi %add3A_217, %add3A_230 : i32
      %dma_start3A_232 = arith.constant 2 : i32
      %dma_start3A_233 = arith.constant 0 : i32
      %dma_start3A_234 = arith.constant 0 : i32
      %dma_start3A_235 = tpu.memref_slice %arg9[%dma_start3A_232, %dma_start3A_233, %dma_start3A_234] : memref<4x128x64xf32, #tpu.memory_space<vmem>> -> memref<1x128x64xf32, #tpu.memory_space<vmem>>
      %dma_start3A_236 = tpu.memref_squeeze %dma_start3A_235 : memref<1x128x64xf32, #tpu.memory_space<vmem>> -> memref<128x64xf32, #tpu.memory_space<vmem>>
      %dma_start3A_237 = arith.constant 0 : i32
      %dma_start3A_238 = tpu.memref_slice %arg7[%add3A_231, %dma_start3A_237] : memref<160x128xi32, #tpu.memory_space<vmem>> -> memref<1x128xi32, #tpu.memory_space<vmem>>
      %dma_start3A_239 = tpu.memref_squeeze %dma_start3A_238 : memref<1x128xi32, #tpu.memory_space<vmem>> -> memref<128xi32, #tpu.memory_space<vmem>>
      %dma_start3A_240 = arith.constant 0 : i32
      %dma_start3A_241 = arith.constant 0 : i32
      %dma_start3A_242 = tpu.memref_slice %arg2[%dma_start3A_240, %dma_start3A_241] : memref<20000x64xf32, #tpu.memory_space<hbm>> -> memref<20000x64xf32, #tpu.memory_space<hbm>>
      tpu.enqueue_indirect_dma source(%dma_start3A_242 : memref<20000x64xf32, #tpu.memory_space<hbm>>) target(%dma_start3A_236 : memref<128x64xf32, #tpu.memory_space<vmem>>) offsets(%dma_start3A_239 : memref<128xi32, #tpu.memory_space<vmem>>) semaphore(%arg14 : memref<!tpu.dma_semaphore, #tpu.memory_space<semaphore_mem>>)
      %mul3A_243 = arith.constant 4 : i32
      %mul3A_244 = arith.muli %scan3A_155, %mul3A_243 : i32
      %add3A_245 = arith.constant 3 : i32
      %add3A_246 = arith.addi %mul3A_244, %add3A_245 : i32
      %dma_wait3A_247 = arith.constant 3 : i32
      %dma_wait3A_248 = arith.constant 0 : i32
      %dma_wait3A_249 = arith.constant 0 : i32
      %dma_wait3A_250 = tpu.memref_slice %arg9[%dma_wait3A_247, %dma_wait3A_248, %dma_wait3A_249] : memref<4x128x64xf32, #tpu.memory_space<vmem>> -> memref<1x128x64xf32, #tpu.memory_space<vmem>>
      %dma_wait3A_251 = tpu.memref_squeeze %dma_wait3A_250 : memref<1x128x64xf32, #tpu.memory_space<vmem>> -> memref<128x64xf32, #tpu.memory_space<vmem>>
      %dma_wait3A_252 = arith.constant 0 : i32
      %dma_wait3A_253 = tpu.memref_slice %arg7[%add3A_246, %dma_wait3A_252] : memref<160x128xi32, #tpu.memory_space<vmem>> -> memref<1x128xi32, #tpu.memory_space<vmem>>
      %dma_wait3A_254 = tpu.memref_squeeze %dma_wait3A_253 : memref<1x128xi32, #tpu.memory_space<vmem>> -> memref<128xi32, #tpu.memory_space<vmem>>
      %dma_wait3A_255 = arith.constant 0 : i32
      %dma_wait3A_256 = arith.constant 0 : i32
      %dma_wait3A_257 = tpu.memref_slice %arg2[%dma_wait3A_255, %dma_wait3A_256] : memref<20000x64xf32, #tpu.memory_space<hbm>> -> memref<20000x64xf32, #tpu.memory_space<hbm>>
      tpu.wait_indirect_dma semaphore(%arg15 : memref<!tpu.dma_semaphore, #tpu.memory_space<semaphore_mem>>) src(%dma_wait3A_257 : memref<20000x64xf32, #tpu.memory_space<hbm>>) dst(%dma_wait3A_251 : memref<128x64xf32, #tpu.memory_space<vmem>>)
      %run_scoped3A_258 = arith.constant 3 : i32
      "tpu.region"() ({
        %run_scoped3A_272 = tpu.sem_alloc : memref<!tpu.dma_semaphore, #tpu.memory_space<semaphore_mem>>
        %dma_start3A_273 = arith.constant 0 : i32
        %dma_start3A_274 = arith.constant 0 : i32
        %dma_start3A_275 = tpu.memref_slice %arg9[%run_scoped3A_258, %dma_start3A_273, %dma_start3A_274] : memref<4x128x64xf32, #tpu.memory_space<vmem>> -> memref<1x128x64xf32, #tpu.memory_space<vmem>>
        %dma_start3A_276 = tpu.memref_squeeze %dma_start3A_275 : memref<1x128x64xf32, #tpu.memory_space<vmem>> -> memref<128x64xf32, #tpu.memory_space<vmem>>
        %dma_start3A_277 = arith.constant 0 : i32
        %dma_start3A_278 = tpu.memref_slice %arg8[%add3A_246, %dma_start3A_277] : memref<160x128xi32, #tpu.memory_space<vmem>> -> memref<1x128xi32, #tpu.memory_space<vmem>>
        %dma_start3A_279 = tpu.memref_squeeze %dma_start3A_278 : memref<1x128xi32, #tpu.memory_space<vmem>> -> memref<128xi32, #tpu.memory_space<vmem>>
        %dma_start3A_280 = arith.constant 0 : i32
        %dma_start3A_281 = arith.constant 0 : i32
        %dma_start3A_282 = tpu.memref_slice %arg11[%dma_start3A_280, %dma_start3A_281] : memref<10240x64xf32, #tpu.memory_space<vmem_shared>> -> memref<10240x64xf32, #tpu.memory_space<vmem_shared>>
        tpu.enqueue_indirect_dma source(%dma_start3A_276 : memref<128x64xf32, #tpu.memory_space<vmem>>) target(%dma_start3A_282 : memref<10240x64xf32, #tpu.memory_space<vmem_shared>>) offsets(%dma_start3A_279 : memref<128xi32, #tpu.memory_space<vmem>>) semaphore(%run_scoped3A_272 : memref<!tpu.dma_semaphore, #tpu.memory_space<semaphore_mem>>) {add = true}
        %dma_wait3A_283 = arith.constant 0 : i32
        %dma_wait3A_284 = arith.constant 0 : i32
        %dma_wait3A_285 = tpu.memref_slice %arg9[%run_scoped3A_258, %dma_wait3A_283, %dma_wait3A_284] : memref<4x128x64xf32, #tpu.memory_space<vmem>> -> memref<1x128x64xf32, #tpu.memory_space<vmem>>
        %dma_wait3A_286 = tpu.memref_squeeze %dma_wait3A_285 : memref<1x128x64xf32, #tpu.memory_space<vmem>> -> memref<128x64xf32, #tpu.memory_space<vmem>>
        %dma_wait3A_287 = arith.constant 0 : i32
        %dma_wait3A_288 = tpu.memref_slice %arg8[%add3A_246, %dma_wait3A_287] : memref<160x128xi32, #tpu.memory_space<vmem>> -> memref<1x128xi32, #tpu.memory_space<vmem>>
        %dma_wait3A_289 = tpu.memref_squeeze %dma_wait3A_288 : memref<1x128xi32, #tpu.memory_space<vmem>> -> memref<128xi32, #tpu.memory_space<vmem>>
        %dma_wait3A_290 = arith.constant 0 : i32
        %dma_wait3A_291 = arith.constant 0 : i32
        %dma_wait3A_292 = tpu.memref_slice %arg11[%dma_wait3A_290, %dma_wait3A_291] : memref<10240x64xf32, #tpu.memory_space<vmem_shared>> -> memref<10240x64xf32, #tpu.memory_space<vmem_shared>>
        tpu.wait_indirect_dma semaphore(%run_scoped3A_272 : memref<!tpu.dma_semaphore, #tpu.memory_space<semaphore_mem>>) src(%dma_wait3A_286 : memref<128x64xf32, #tpu.memory_space<vmem>>) dst(%dma_wait3A_292 : memref<10240x64xf32, #tpu.memory_space<vmem_shared>>)
        tpu.yield
      }) : () -> ()
      %add3A_259 = arith.constant 4 : i32
      %add3A_260 = arith.addi %add3A_246, %add3A_259 : i32
      %dma_start3A_261 = arith.constant 3 : i32
      %dma_start3A_262 = arith.constant 0 : i32
      %dma_start3A_263 = arith.constant 0 : i32
      %dma_start3A_264 = tpu.memref_slice %arg9[%dma_start3A_261, %dma_start3A_262, %dma_start3A_263] : memref<4x128x64xf32, #tpu.memory_space<vmem>> -> memref<1x128x64xf32, #tpu.memory_space<vmem>>
      %dma_start3A_265 = tpu.memref_squeeze %dma_start3A_264 : memref<1x128x64xf32, #tpu.memory_space<vmem>> -> memref<128x64xf32, #tpu.memory_space<vmem>>
      %dma_start3A_266 = arith.constant 0 : i32
      %dma_start3A_267 = tpu.memref_slice %arg7[%add3A_260, %dma_start3A_266] : memref<160x128xi32, #tpu.memory_space<vmem>> -> memref<1x128xi32, #tpu.memory_space<vmem>>
      %dma_start3A_268 = tpu.memref_squeeze %dma_start3A_267 : memref<1x128xi32, #tpu.memory_space<vmem>> -> memref<128xi32, #tpu.memory_space<vmem>>
      %dma_start3A_269 = arith.constant 0 : i32
      %dma_start3A_270 = arith.constant 0 : i32
      %dma_start3A_271 = tpu.memref_slice %arg2[%dma_start3A_269, %dma_start3A_270] : memref<20000x64xf32, #tpu.memory_space<hbm>> -> memref<20000x64xf32, #tpu.memory_space<hbm>>
      tpu.enqueue_indirect_dma source(%dma_start3A_271 : memref<20000x64xf32, #tpu.memory_space<hbm>>) target(%dma_start3A_265 : memref<128x64xf32, #tpu.memory_space<vmem>>) offsets(%dma_start3A_268 : memref<128xi32, #tpu.memory_space<vmem>>) semaphore(%arg15 : memref<!tpu.dma_semaphore, #tpu.memory_space<semaphore_mem>>)
    }
    %scan3A_69 = arith.constant 39 : i32
    %dma_wait3A = arith.constant 156 : i32
    %dma_wait3A_70 = arith.constant 0 : i32
    %dma_wait3A_71 = arith.constant 0 : i32
    %dma_wait3A_72 = arith.constant 0 : i32
    %dma_wait3A_73 = tpu.memref_slice %arg9[%dma_wait3A_70, %dma_wait3A_71, %dma_wait3A_72] : memref<4x128x64xf32, #tpu.memory_space<vmem>> -> memref<1x128x64xf32, #tpu.memory_space<vmem>>
    %dma_wait3A_74 = tpu.memref_squeeze %dma_wait3A_73 : memref<1x128x64xf32, #tpu.memory_space<vmem>> -> memref<128x64xf32, #tpu.memory_space<vmem>>
    %dma_wait3A_75 = arith.constant 0 : i32
    %dma_wait3A_76 = tpu.memref_slice %arg7[%dma_wait3A, %dma_wait3A_75] : memref<160x128xi32, #tpu.memory_space<vmem>> -> memref<1x128xi32, #tpu.memory_space<vmem>>
    %dma_wait3A_77 = tpu.memref_squeeze %dma_wait3A_76 : memref<1x128xi32, #tpu.memory_space<vmem>> -> memref<128xi32, #tpu.memory_space<vmem>>
    %dma_wait3A_78 = arith.constant 0 : i32
    %dma_wait3A_79 = arith.constant 0 : i32
    %dma_wait3A_80 = tpu.memref_slice %arg2[%dma_wait3A_78, %dma_wait3A_79] : memref<20000x64xf32, #tpu.memory_space<hbm>> -> memref<20000x64xf32, #tpu.memory_space<hbm>>
    tpu.wait_indirect_dma semaphore(%arg12 : memref<!tpu.dma_semaphore, #tpu.memory_space<semaphore_mem>>) src(%dma_wait3A_80 : memref<20000x64xf32, #tpu.memory_space<hbm>>) dst(%dma_wait3A_74 : memref<128x64xf32, #tpu.memory_space<vmem>>)
    %run_scoped3A = arith.constant 0 : i32
    %run_scoped3A_81 = arith.constant 156 : i32
    "tpu.region"() ({
      %run_scoped3A_155 = tpu.sem_alloc : memref<!tpu.dma_semaphore, #tpu.memory_space<semaphore_mem>>
      %dma_start3A_156 = arith.constant 0 : i32
      %dma_start3A_157 = arith.constant 0 : i32
      %dma_start3A_158 = tpu.memref_slice %arg9[%run_scoped3A, %dma_start3A_156, %dma_start3A_157] : memref<4x128x64xf32, #tpu.memory_space<vmem>> -> memref<1x128x64xf32, #tpu.memory_space<vmem>>
      %dma_start3A_159 = tpu.memref_squeeze %dma_start3A_158 : memref<1x128x64xf32, #tpu.memory_space<vmem>> -> memref<128x64xf32, #tpu.memory_space<vmem>>
      %dma_start3A_160 = arith.constant 0 : i32
      %dma_start3A_161 = tpu.memref_slice %arg8[%run_scoped3A_81, %dma_start3A_160] : memref<160x128xi32, #tpu.memory_space<vmem>> -> memref<1x128xi32, #tpu.memory_space<vmem>>
      %dma_start3A_162 = tpu.memref_squeeze %dma_start3A_161 : memref<1x128xi32, #tpu.memory_space<vmem>> -> memref<128xi32, #tpu.memory_space<vmem>>
      %dma_start3A_163 = arith.constant 0 : i32
      %dma_start3A_164 = arith.constant 0 : i32
      %dma_start3A_165 = tpu.memref_slice %arg11[%dma_start3A_163, %dma_start3A_164] : memref<10240x64xf32, #tpu.memory_space<vmem_shared>> -> memref<10240x64xf32, #tpu.memory_space<vmem_shared>>
      tpu.enqueue_indirect_dma source(%dma_start3A_159 : memref<128x64xf32, #tpu.memory_space<vmem>>) target(%dma_start3A_165 : memref<10240x64xf32, #tpu.memory_space<vmem_shared>>) offsets(%dma_start3A_162 : memref<128xi32, #tpu.memory_space<vmem>>) semaphore(%run_scoped3A_155 : memref<!tpu.dma_semaphore, #tpu.memory_space<semaphore_mem>>) {add = true}
      %dma_wait3A_166 = arith.constant 0 : i32
      %dma_wait3A_167 = arith.constant 0 : i32
      %dma_wait3A_168 = tpu.memref_slice %arg9[%run_scoped3A, %dma_wait3A_166, %dma_wait3A_167] : memref<4x128x64xf32, #tpu.memory_space<vmem>> -> memref<1x128x64xf32, #tpu.memory_space<vmem>>
      %dma_wait3A_169 = tpu.memref_squeeze %dma_wait3A_168 : memref<1x128x64xf32, #tpu.memory_space<vmem>> -> memref<128x64xf32, #tpu.memory_space<vmem>>
      %dma_wait3A_170 = arith.constant 0 : i32
      %dma_wait3A_171 = tpu.memref_slice %arg8[%run_scoped3A_81, %dma_wait3A_170] : memref<160x128xi32, #tpu.memory_space<vmem>> -> memref<1x128xi32, #tpu.memory_space<vmem>>
      %dma_wait3A_172 = tpu.memref_squeeze %dma_wait3A_171 : memref<1x128xi32, #tpu.memory_space<vmem>> -> memref<128xi32, #tpu.memory_space<vmem>>
      %dma_wait3A_173 = arith.constant 0 : i32
      %dma_wait3A_174 = arith.constant 0 : i32
      %dma_wait3A_175 = tpu.memref_slice %arg11[%dma_wait3A_173, %dma_wait3A_174] : memref<10240x64xf32, #tpu.memory_space<vmem_shared>> -> memref<10240x64xf32, #tpu.memory_space<vmem_shared>>
      tpu.wait_indirect_dma semaphore(%run_scoped3A_155 : memref<!tpu.dma_semaphore, #tpu.memory_space<semaphore_mem>>) src(%dma_wait3A_169 : memref<128x64xf32, #tpu.memory_space<vmem>>) dst(%dma_wait3A_175 : memref<10240x64xf32, #tpu.memory_space<vmem_shared>>)
      tpu.yield
    }) : () -> ()
    %dma_wait3A_82 = arith.constant 157 : i32
    %dma_wait3A_83 = arith.constant 1 : i32
    %dma_wait3A_84 = arith.constant 0 : i32
    %dma_wait3A_85 = arith.constant 0 : i32
    %dma_wait3A_86 = tpu.memref_slice %arg9[%dma_wait3A_83, %dma_wait3A_84, %dma_wait3A_85] : memref<4x128x64xf32, #tpu.memory_space<vmem>> -> memref<1x128x64xf32, #tpu.memory_space<vmem>>
    %dma_wait3A_87 = tpu.memref_squeeze %dma_wait3A_86 : memref<1x128x64xf32, #tpu.memory_space<vmem>> -> memref<128x64xf32, #tpu.memory_space<vmem>>
    %dma_wait3A_88 = arith.constant 0 : i32
    %dma_wait3A_89 = tpu.memref_slice %arg7[%dma_wait3A_82, %dma_wait3A_88] : memref<160x128xi32, #tpu.memory_space<vmem>> -> memref<1x128xi32, #tpu.memory_space<vmem>>
    %dma_wait3A_90 = tpu.memref_squeeze %dma_wait3A_89 : memref<1x128xi32, #tpu.memory_space<vmem>> -> memref<128xi32, #tpu.memory_space<vmem>>
    %dma_wait3A_91 = arith.constant 0 : i32
    %dma_wait3A_92 = arith.constant 0 : i32
    %dma_wait3A_93 = tpu.memref_slice %arg2[%dma_wait3A_91, %dma_wait3A_92] : memref<20000x64xf32, #tpu.memory_space<hbm>> -> memref<20000x64xf32, #tpu.memory_space<hbm>>
    tpu.wait_indirect_dma semaphore(%arg13 : memref<!tpu.dma_semaphore, #tpu.memory_space<semaphore_mem>>) src(%dma_wait3A_93 : memref<20000x64xf32, #tpu.memory_space<hbm>>) dst(%dma_wait3A_87 : memref<128x64xf32, #tpu.memory_space<vmem>>)
    %run_scoped3A_94 = arith.constant 1 : i32
    %run_scoped3A_95 = arith.constant 157 : i32
    "tpu.region"() ({
      %run_scoped3A_155 = tpu.sem_alloc : memref<!tpu.dma_semaphore, #tpu.memory_space<semaphore_mem>>
      %dma_start3A_156 = arith.constant 0 : i32
      %dma_start3A_157 = arith.constant 0 : i32
      %dma_start3A_158 = tpu.memref_slice %arg9[%run_scoped3A_94, %dma_start3A_156, %dma_start3A_157] : memref<4x128x64xf32, #tpu.memory_space<vmem>> -> memref<1x128x64xf32, #tpu.memory_space<vmem>>
      %dma_start3A_159 = tpu.memref_squeeze %dma_start3A_158 : memref<1x128x64xf32, #tpu.memory_space<vmem>> -> memref<128x64xf32, #tpu.memory_space<vmem>>
      %dma_start3A_160 = arith.constant 0 : i32
      %dma_start3A_161 = tpu.memref_slice %arg8[%run_scoped3A_95, %dma_start3A_160] : memref<160x128xi32, #tpu.memory_space<vmem>> -> memref<1x128xi32, #tpu.memory_space<vmem>>
      %dma_start3A_162 = tpu.memref_squeeze %dma_start3A_161 : memref<1x128xi32, #tpu.memory_space<vmem>> -> memref<128xi32, #tpu.memory_space<vmem>>
      %dma_start3A_163 = arith.constant 0 : i32
      %dma_start3A_164 = arith.constant 0 : i32
      %dma_start3A_165 = tpu.memref_slice %arg11[%dma_start3A_163, %dma_start3A_164] : memref<10240x64xf32, #tpu.memory_space<vmem_shared>> -> memref<10240x64xf32, #tpu.memory_space<vmem_shared>>
      tpu.enqueue_indirect_dma source(%dma_start3A_159 : memref<128x64xf32, #tpu.memory_space<vmem>>) target(%dma_start3A_165 : memref<10240x64xf32, #tpu.memory_space<vmem_shared>>) offsets(%dma_start3A_162 : memref<128xi32, #tpu.memory_space<vmem>>) semaphore(%run_scoped3A_155 : memref<!tpu.dma_semaphore, #tpu.memory_space<semaphore_mem>>) {add = true}
      %dma_wait3A_166 = arith.constant 0 : i32
      %dma_wait3A_167 = arith.constant 0 : i32
      %dma_wait3A_168 = tpu.memref_slice %arg9[%run_scoped3A_94, %dma_wait3A_166, %dma_wait3A_167] : memref<4x128x64xf32, #tpu.memory_space<vmem>> -> memref<1x128x64xf32, #tpu.memory_space<vmem>>
      %dma_wait3A_169 = tpu.memref_squeeze %dma_wait3A_168 : memref<1x128x64xf32, #tpu.memory_space<vmem>> -> memref<128x64xf32, #tpu.memory_space<vmem>>
      %dma_wait3A_170 = arith.constant 0 : i32
      %dma_wait3A_171 = tpu.memref_slice %arg8[%run_scoped3A_95, %dma_wait3A_170] : memref<160x128xi32, #tpu.memory_space<vmem>> -> memref<1x128xi32, #tpu.memory_space<vmem>>
      %dma_wait3A_172 = tpu.memref_squeeze %dma_wait3A_171 : memref<1x128xi32, #tpu.memory_space<vmem>> -> memref<128xi32, #tpu.memory_space<vmem>>
      %dma_wait3A_173 = arith.constant 0 : i32
      %dma_wait3A_174 = arith.constant 0 : i32
      %dma_wait3A_175 = tpu.memref_slice %arg11[%dma_wait3A_173, %dma_wait3A_174] : memref<10240x64xf32, #tpu.memory_space<vmem_shared>> -> memref<10240x64xf32, #tpu.memory_space<vmem_shared>>
      tpu.wait_indirect_dma semaphore(%run_scoped3A_155 : memref<!tpu.dma_semaphore, #tpu.memory_space<semaphore_mem>>) src(%dma_wait3A_169 : memref<128x64xf32, #tpu.memory_space<vmem>>) dst(%dma_wait3A_175 : memref<10240x64xf32, #tpu.memory_space<vmem_shared>>)
      tpu.yield
    }) : () -> ()
    %dma_wait3A_96 = arith.constant 158 : i32
    %dma_wait3A_97 = arith.constant 2 : i32
    %dma_wait3A_98 = arith.constant 0 : i32
    %dma_wait3A_99 = arith.constant 0 : i32
    %dma_wait3A_100 = tpu.memref_slice %arg9[%dma_wait3A_97, %dma_wait3A_98, %dma_wait3A_99] : memref<4x128x64xf32, #tpu.memory_space<vmem>> -> memref<1x128x64xf32, #tpu.memory_space<vmem>>
    %dma_wait3A_101 = tpu.memref_squeeze %dma_wait3A_100 : memref<1x128x64xf32, #tpu.memory_space<vmem>> -> memref<128x64xf32, #tpu.memory_space<vmem>>
    %dma_wait3A_102 = arith.constant 0 : i32
    %dma_wait3A_103 = tpu.memref_slice %arg7[%dma_wait3A_96, %dma_wait3A_102] : memref<160x128xi32, #tpu.memory_space<vmem>> -> memref<1x128xi32, #tpu.memory_space<vmem>>
    %dma_wait3A_104 = tpu.memref_squeeze %dma_wait3A_103 : memref<1x128xi32, #tpu.memory_space<vmem>> -> memref<128xi32, #tpu.memory_space<vmem>>
    %dma_wait3A_105 = arith.constant 0 : i32
    %dma_wait3A_106 = arith.constant 0 : i32
    %dma_wait3A_107 = tpu.memref_slice %arg2[%dma_wait3A_105, %dma_wait3A_106] : memref<20000x64xf32, #tpu.memory_space<hbm>> -> memref<20000x64xf32, #tpu.memory_space<hbm>>
    tpu.wait_indirect_dma semaphore(%arg14 : memref<!tpu.dma_semaphore, #tpu.memory_space<semaphore_mem>>) src(%dma_wait3A_107 : memref<20000x64xf32, #tpu.memory_space<hbm>>) dst(%dma_wait3A_101 : memref<128x64xf32, #tpu.memory_space<vmem>>)
    %run_scoped3A_108 = arith.constant 2 : i32
    %run_scoped3A_109 = arith.constant 158 : i32
    "tpu.region"() ({
      %run_scoped3A_155 = tpu.sem_alloc : memref<!tpu.dma_semaphore, #tpu.memory_space<semaphore_mem>>
      %dma_start3A_156 = arith.constant 0 : i32
      %dma_start3A_157 = arith.constant 0 : i32
      %dma_start3A_158 = tpu.memref_slice %arg9[%run_scoped3A_108, %dma_start3A_156, %dma_start3A_157] : memref<4x128x64xf32, #tpu.memory_space<vmem>> -> memref<1x128x64xf32, #tpu.memory_space<vmem>>
      %dma_start3A_159 = tpu.memref_squeeze %dma_start3A_158 : memref<1x128x64xf32, #tpu.memory_space<vmem>> -> memref<128x64xf32, #tpu.memory_space<vmem>>
      %dma_start3A_160 = arith.constant 0 : i32
      %dma_start3A_161 = tpu.memref_slice %arg8[%run_scoped3A_109, %dma_start3A_160] : memref<160x128xi32, #tpu.memory_space<vmem>> -> memref<1x128xi32, #tpu.memory_space<vmem>>
      %dma_start3A_162 = tpu.memref_squeeze %dma_start3A_161 : memref<1x128xi32, #tpu.memory_space<vmem>> -> memref<128xi32, #tpu.memory_space<vmem>>
      %dma_start3A_163 = arith.constant 0 : i32
      %dma_start3A_164 = arith.constant 0 : i32
      %dma_start3A_165 = tpu.memref_slice %arg11[%dma_start3A_163, %dma_start3A_164] : memref<10240x64xf32, #tpu.memory_space<vmem_shared>> -> memref<10240x64xf32, #tpu.memory_space<vmem_shared>>
      tpu.enqueue_indirect_dma source(%dma_start3A_159 : memref<128x64xf32, #tpu.memory_space<vmem>>) target(%dma_start3A_165 : memref<10240x64xf32, #tpu.memory_space<vmem_shared>>) offsets(%dma_start3A_162 : memref<128xi32, #tpu.memory_space<vmem>>) semaphore(%run_scoped3A_155 : memref<!tpu.dma_semaphore, #tpu.memory_space<semaphore_mem>>) {add = true}
      %dma_wait3A_166 = arith.constant 0 : i32
      %dma_wait3A_167 = arith.constant 0 : i32
      %dma_wait3A_168 = tpu.memref_slice %arg9[%run_scoped3A_108, %dma_wait3A_166, %dma_wait3A_167] : memref<4x128x64xf32, #tpu.memory_space<vmem>> -> memref<1x128x64xf32, #tpu.memory_space<vmem>>
      %dma_wait3A_169 = tpu.memref_squeeze %dma_wait3A_168 : memref<1x128x64xf32, #tpu.memory_space<vmem>> -> memref<128x64xf32, #tpu.memory_space<vmem>>
      %dma_wait3A_170 = arith.constant 0 : i32
      %dma_wait3A_171 = tpu.memref_slice %arg8[%run_scoped3A_109, %dma_wait3A_170] : memref<160x128xi32, #tpu.memory_space<vmem>> -> memref<1x128xi32, #tpu.memory_space<vmem>>
      %dma_wait3A_172 = tpu.memref_squeeze %dma_wait3A_171 : memref<1x128xi32, #tpu.memory_space<vmem>> -> memref<128xi32, #tpu.memory_space<vmem>>
      %dma_wait3A_173 = arith.constant 0 : i32
      %dma_wait3A_174 = arith.constant 0 : i32
      %dma_wait3A_175 = tpu.memref_slice %arg11[%dma_wait3A_173, %dma_wait3A_174] : memref<10240x64xf32, #tpu.memory_space<vmem_shared>> -> memref<10240x64xf32, #tpu.memory_space<vmem_shared>>
      tpu.wait_indirect_dma semaphore(%run_scoped3A_155 : memref<!tpu.dma_semaphore, #tpu.memory_space<semaphore_mem>>) src(%dma_wait3A_169 : memref<128x64xf32, #tpu.memory_space<vmem>>) dst(%dma_wait3A_175 : memref<10240x64xf32, #tpu.memory_space<vmem_shared>>)
      tpu.yield
    }) : () -> ()
    %dma_wait3A_110 = arith.constant 159 : i32
    %dma_wait3A_111 = arith.constant 3 : i32
    %dma_wait3A_112 = arith.constant 0 : i32
    %dma_wait3A_113 = arith.constant 0 : i32
    %dma_wait3A_114 = tpu.memref_slice %arg9[%dma_wait3A_111, %dma_wait3A_112, %dma_wait3A_113] : memref<4x128x64xf32, #tpu.memory_space<vmem>> -> memref<1x128x64xf32, #tpu.memory_space<vmem>>
    %dma_wait3A_115 = tpu.memref_squeeze %dma_wait3A_114 : memref<1x128x64xf32, #tpu.memory_space<vmem>> -> memref<128x64xf32, #tpu.memory_space<vmem>>
    %dma_wait3A_116 = arith.constant 0 : i32
    %dma_wait3A_117 = tpu.memref_slice %arg7[%dma_wait3A_110, %dma_wait3A_116] : memref<160x128xi32, #tpu.memory_space<vmem>> -> memref<1x128xi32, #tpu.memory_space<vmem>>
    %dma_wait3A_118 = tpu.memref_squeeze %dma_wait3A_117 : memref<1x128xi32, #tpu.memory_space<vmem>> -> memref<128xi32, #tpu.memory_space<vmem>>
    %dma_wait3A_119 = arith.constant 0 : i32
    %dma_wait3A_120 = arith.constant 0 : i32
    %dma_wait3A_121 = tpu.memref_slice %arg2[%dma_wait3A_119, %dma_wait3A_120] : memref<20000x64xf32, #tpu.memory_space<hbm>> -> memref<20000x64xf32, #tpu.memory_space<hbm>>
    tpu.wait_indirect_dma semaphore(%arg15 : memref<!tpu.dma_semaphore, #tpu.memory_space<semaphore_mem>>) src(%dma_wait3A_121 : memref<20000x64xf32, #tpu.memory_space<hbm>>) dst(%dma_wait3A_115 : memref<128x64xf32, #tpu.memory_space<vmem>>)
    %run_scoped3A_122 = arith.constant 3 : i32
    %run_scoped3A_123 = arith.constant 159 : i32
    "tpu.region"() ({
      %run_scoped3A_155 = tpu.sem_alloc : memref<!tpu.dma_semaphore, #tpu.memory_space<semaphore_mem>>
      %dma_start3A_156 = arith.constant 0 : i32
      %dma_start3A_157 = arith.constant 0 : i32
      %dma_start3A_158 = tpu.memref_slice %arg9[%run_scoped3A_122, %dma_start3A_156, %dma_start3A_157] : memref<4x128x64xf32, #tpu.memory_space<vmem>> -> memref<1x128x64xf32, #tpu.memory_space<vmem>>
      %dma_start3A_159 = tpu.memref_squeeze %dma_start3A_158 : memref<1x128x64xf32, #tpu.memory_space<vmem>> -> memref<128x64xf32, #tpu.memory_space<vmem>>
      %dma_start3A_160 = arith.constant 0 : i32
      %dma_start3A_161 = tpu.memref_slice %arg8[%run_scoped3A_123, %dma_start3A_160] : memref<160x128xi32, #tpu.memory_space<vmem>> -> memref<1x128xi32, #tpu.memory_space<vmem>>
      %dma_start3A_162 = tpu.memref_squeeze %dma_start3A_161 : memref<1x128xi32, #tpu.memory_space<vmem>> -> memref<128xi32, #tpu.memory_space<vmem>>
      %dma_start3A_163 = arith.constant 0 : i32
      %dma_start3A_164 = arith.constant 0 : i32
      %dma_start3A_165 = tpu.memref_slice %arg11[%dma_start3A_163, %dma_start3A_164] : memref<10240x64xf32, #tpu.memory_space<vmem_shared>> -> memref<10240x64xf32, #tpu.memory_space<vmem_shared>>
      tpu.enqueue_indirect_dma source(%dma_start3A_159 : memref<128x64xf32, #tpu.memory_space<vmem>>) target(%dma_start3A_165 : memref<10240x64xf32, #tpu.memory_space<vmem_shared>>) offsets(%dma_start3A_162 : memref<128xi32, #tpu.memory_space<vmem>>) semaphore(%run_scoped3A_155 : memref<!tpu.dma_semaphore, #tpu.memory_space<semaphore_mem>>) {add = true}
      %dma_wait3A_166 = arith.constant 0 : i32
      %dma_wait3A_167 = arith.constant 0 : i32
      %dma_wait3A_168 = tpu.memref_slice %arg9[%run_scoped3A_122, %dma_wait3A_166, %dma_wait3A_167] : memref<4x128x64xf32, #tpu.memory_space<vmem>> -> memref<1x128x64xf32, #tpu.memory_space<vmem>>
      %dma_wait3A_169 = tpu.memref_squeeze %dma_wait3A_168 : memref<1x128x64xf32, #tpu.memory_space<vmem>> -> memref<128x64xf32, #tpu.memory_space<vmem>>
      %dma_wait3A_170 = arith.constant 0 : i32
      %dma_wait3A_171 = tpu.memref_slice %arg8[%run_scoped3A_123, %dma_wait3A_170] : memref<160x128xi32, #tpu.memory_space<vmem>> -> memref<1x128xi32, #tpu.memory_space<vmem>>
      %dma_wait3A_172 = tpu.memref_squeeze %dma_wait3A_171 : memref<1x128xi32, #tpu.memory_space<vmem>> -> memref<128xi32, #tpu.memory_space<vmem>>
      %dma_wait3A_173 = arith.constant 0 : i32
      %dma_wait3A_174 = arith.constant 0 : i32
      %dma_wait3A_175 = tpu.memref_slice %arg11[%dma_wait3A_173, %dma_wait3A_174] : memref<10240x64xf32, #tpu.memory_space<vmem_shared>> -> memref<10240x64xf32, #tpu.memory_space<vmem_shared>>
      tpu.wait_indirect_dma semaphore(%run_scoped3A_155 : memref<!tpu.dma_semaphore, #tpu.memory_space<semaphore_mem>>) src(%dma_wait3A_169 : memref<128x64xf32, #tpu.memory_space<vmem>>) dst(%dma_wait3A_175 : memref<10240x64xf32, #tpu.memory_space<vmem_shared>>)
      tpu.yield
    }) : () -> ()
    %barrier3A_124 = arith.constant 0 : index
    tpu.barrier barrier_id(%barrier3A_124)
    %mul3A_125 = arith.constant 640 : i32
    %mul3A_126 = arith.muli %arg1, %mul3A_125 : i32
    %add3A_127 = arith.constant 0 : i32
    %add3A_128 = arith.addi %mul3A_126, %add3A_127 : i32
    %mul3A_129 = arith.constant 64 : i32
    %mul3A_130 = arith.muli %arg0, %mul3A_129 : i32
    "tpu.region"() ({
      %run_scoped3A_155 = tpu.sem_alloc : memref<!tpu.dma_semaphore, #tpu.memory_space<semaphore_mem>>
      %dma_start3A_156 = tpu.memref_slice %arg6[%add3A_128, %mul3A_130] : memref<10240x128xf32, #tpu.memory_space<hbm>> -> memref<128x64xf32, #tpu.memory_space<hbm>>
      %dma_start3A_157 = arith.constant 0 : i32
      %dma_start3A_158 = tpu.memref_slice %arg11[%add3A_128, %dma_start3A_157] : memref<10240x64xf32, #tpu.memory_space<vmem_shared>> -> memref<128x64xf32, #tpu.memory_space<vmem_shared>>
      tpu.enqueue_dma source(%dma_start3A_158 : memref<128x64xf32, #tpu.memory_space<vmem_shared>>) target(%dma_start3A_156 : memref<128x64xf32, #tpu.memory_space<hbm>>) target_semaphore(%run_scoped3A_155 : memref<!tpu.dma_semaphore, #tpu.memory_space<semaphore_mem>>)
      %dma_wait3A_159 = tpu.memref_slice %arg6[%add3A_128, %mul3A_130] : memref<10240x128xf32, #tpu.memory_space<hbm>> -> memref<128x64xf32, #tpu.memory_space<hbm>>
      %dma_wait3A_160 = arith.constant 0 : i32
      %dma_wait3A_161 = tpu.memref_slice %arg11[%add3A_128, %dma_wait3A_160] : memref<10240x64xf32, #tpu.memory_space<vmem_shared>> -> memref<128x64xf32, #tpu.memory_space<vmem_shared>>
      tpu.wait_dma2 semaphore(%run_scoped3A_155 : memref<!tpu.dma_semaphore, #tpu.memory_space<semaphore_mem>>) src(%dma_wait3A_161 : memref<128x64xf32, #tpu.memory_space<vmem_shared>>) dst(%dma_wait3A_159 : memref<128x64xf32, #tpu.memory_space<hbm>>)
      tpu.yield
    }) : () -> ()
    %mul3A_131 = arith.constant 640 : i32
    %mul3A_132 = arith.muli %arg1, %mul3A_131 : i32
    %add3A_133 = arith.constant 128 : i32
    %add3A_134 = arith.addi %mul3A_132, %add3A_133 : i32
    %mul3A_135 = arith.constant 64 : i32
    %mul3A_136 = arith.muli %arg0, %mul3A_135 : i32
    "tpu.region"() ({
      %run_scoped3A_155 = tpu.sem_alloc : memref<!tpu.dma_semaphore, #tpu.memory_space<semaphore_mem>>
      %dma_start3A_156 = tpu.memref_slice %arg6[%add3A_134, %mul3A_136] : memref<10240x128xf32, #tpu.memory_space<hbm>> -> memref<128x64xf32, #tpu.memory_space<hbm>>
      %dma_start3A_157 = arith.constant 0 : i32
      %dma_start3A_158 = tpu.memref_slice %arg11[%add3A_134, %dma_start3A_157] : memref<10240x64xf32, #tpu.memory_space<vmem_shared>> -> memref<128x64xf32, #tpu.memory_space<vmem_shared>>
      tpu.enqueue_dma source(%dma_start3A_158 : memref<128x64xf32, #tpu.memory_space<vmem_shared>>) target(%dma_start3A_156 : memref<128x64xf32, #tpu.memory_space<hbm>>) target_semaphore(%run_scoped3A_155 : memref<!tpu.dma_semaphore, #tpu.memory_space<semaphore_mem>>)
      %dma_wait3A_159 = tpu.memref_slice %arg6[%add3A_134, %mul3A_136] : memref<10240x128xf32, #tpu.memory_space<hbm>> -> memref<128x64xf32, #tpu.memory_space<hbm>>
      %dma_wait3A_160 = arith.constant 0 : i32
      %dma_wait3A_161 = tpu.memref_slice %arg11[%add3A_134, %dma_wait3A_160] : memref<10240x64xf32, #tpu.memory_space<vmem_shared>> -> memref<128x64xf32, #tpu.memory_space<vmem_shared>>
      tpu.wait_dma2 semaphore(%run_scoped3A_155 : memref<!tpu.dma_semaphore, #tpu.memory_space<semaphore_mem>>) src(%dma_wait3A_161 : memref<128x64xf32, #tpu.memory_space<vmem_shared>>) dst(%dma_wait3A_159 : memref<128x64xf32, #tpu.memory_space<hbm>>)
      tpu.yield
    }) : () -> ()
    %mul3A_137 = arith.constant 640 : i32
    %mul3A_138 = arith.muli %arg1, %mul3A_137 : i32
    %add3A_139 = arith.constant 256 : i32
    %add3A_140 = arith.addi %mul3A_138, %add3A_139 : i32
    %mul3A_141 = arith.constant 64 : i32
    %mul3A_142 = arith.muli %arg0, %mul3A_141 : i32
    "tpu.region"() ({
      %run_scoped3A_155 = tpu.sem_alloc : memref<!tpu.dma_semaphore, #tpu.memory_space<semaphore_mem>>
      %dma_start3A_156 = tpu.memref_slice %arg6[%add3A_140, %mul3A_142] : memref<10240x128xf32, #tpu.memory_space<hbm>> -> memref<128x64xf32, #tpu.memory_space<hbm>>
      %dma_start3A_157 = arith.constant 0 : i32
      %dma_start3A_158 = tpu.memref_slice %arg11[%add3A_140, %dma_start3A_157] : memref<10240x64xf32, #tpu.memory_space<vmem_shared>> -> memref<128x64xf32, #tpu.memory_space<vmem_shared>>
      tpu.enqueue_dma source(%dma_start3A_158 : memref<128x64xf32, #tpu.memory_space<vmem_shared>>) target(%dma_start3A_156 : memref<128x64xf32, #tpu.memory_space<hbm>>) target_semaphore(%run_scoped3A_155 : memref<!tpu.dma_semaphore, #tpu.memory_space<semaphore_mem>>)
      %dma_wait3A_159 = tpu.memref_slice %arg6[%add3A_140, %mul3A_142] : memref<10240x128xf32, #tpu.memory_space<hbm>> -> memref<128x64xf32, #tpu.memory_space<hbm>>
      %dma_wait3A_160 = arith.constant 0 : i32
      %dma_wait3A_161 = tpu.memref_slice %arg11[%add3A_140, %dma_wait3A_160] : memref<10240x64xf32, #tpu.memory_space<vmem_shared>> -> memref<128x64xf32, #tpu.memory_space<vmem_shared>>
      tpu.wait_dma2 semaphore(%run_scoped3A_155 : memref<!tpu.dma_semaphore, #tpu.memory_space<semaphore_mem>>) src(%dma_wait3A_161 : memref<128x64xf32, #tpu.memory_space<vmem_shared>>) dst(%dma_wait3A_159 : memref<128x64xf32, #tpu.memory_space<hbm>>)
      tpu.yield
    }) : () -> ()
    %mul3A_143 = arith.constant 640 : i32
    %mul3A_144 = arith.muli %arg1, %mul3A_143 : i32
    %add3A_145 = arith.constant 384 : i32
    %add3A_146 = arith.addi %mul3A_144, %add3A_145 : i32
    %mul3A_147 = arith.constant 64 : i32
    %mul3A_148 = arith.muli %arg0, %mul3A_147 : i32
    "tpu.region"() ({
      %run_scoped3A_155 = tpu.sem_alloc : memref<!tpu.dma_semaphore, #tpu.memory_space<semaphore_mem>>
      %dma_start3A_156 = tpu.memref_slice %arg6[%add3A_146, %mul3A_148] : memref<10240x128xf32, #tpu.memory_space<hbm>> -> memref<128x64xf32, #tpu.memory_space<hbm>>
      %dma_start3A_157 = arith.constant 0 : i32
      %dma_start3A_158 = tpu.memref_slice %arg11[%add3A_146, %dma_start3A_157] : memref<10240x64xf32, #tpu.memory_space<vmem_shared>> -> memref<128x64xf32, #tpu.memory_space<vmem_shared>>
      tpu.enqueue_dma source(%dma_start3A_158 : memref<128x64xf32, #tpu.memory_space<vmem_shared>>) target(%dma_start3A_156 : memref<128x64xf32, #tpu.memory_space<hbm>>) target_semaphore(%run_scoped3A_155 : memref<!tpu.dma_semaphore, #tpu.memory_space<semaphore_mem>>)
      %dma_wait3A_159 = tpu.memref_slice %arg6[%add3A_146, %mul3A_148] : memref<10240x128xf32, #tpu.memory_space<hbm>> -> memref<128x64xf32, #tpu.memory_space<hbm>>
      %dma_wait3A_160 = arith.constant 0 : i32
      %dma_wait3A_161 = tpu.memref_slice %arg11[%add3A_146, %dma_wait3A_160] : memref<10240x64xf32, #tpu.memory_space<vmem_shared>> -> memref<128x64xf32, #tpu.memory_space<vmem_shared>>
      tpu.wait_dma2 semaphore(%run_scoped3A_155 : memref<!tpu.dma_semaphore, #tpu.memory_space<semaphore_mem>>) src(%dma_wait3A_161 : memref<128x64xf32, #tpu.memory_space<vmem_shared>>) dst(%dma_wait3A_159 : memref<128x64xf32, #tpu.memory_space<hbm>>)
      tpu.yield
    }) : () -> ()
    %mul3A_149 = arith.constant 640 : i32
    %mul3A_150 = arith.muli %arg1, %mul3A_149 : i32
    %add3A_151 = arith.constant 512 : i32
    %add3A_152 = arith.addi %mul3A_150, %add3A_151 : i32
    %mul3A_153 = arith.constant 64 : i32
    %mul3A_154 = arith.muli %arg0, %mul3A_153 : i32
    "tpu.region"() ({
      %run_scoped3A_155 = tpu.sem_alloc : memref<!tpu.dma_semaphore, #tpu.memory_space<semaphore_mem>>
      %dma_start3A_156 = tpu.memref_slice %arg6[%add3A_152, %mul3A_154] : memref<10240x128xf32, #tpu.memory_space<hbm>> -> memref<128x64xf32, #tpu.memory_space<hbm>>
      %dma_start3A_157 = arith.constant 0 : i32
      %dma_start3A_158 = tpu.memref_slice %arg11[%add3A_152, %dma_start3A_157] : memref<10240x64xf32, #tpu.memory_space<vmem_shared>> -> memref<128x64xf32, #tpu.memory_space<vmem_shared>>
      tpu.enqueue_dma source(%dma_start3A_158 : memref<128x64xf32, #tpu.memory_space<vmem_shared>>) target(%dma_start3A_156 : memref<128x64xf32, #tpu.memory_space<hbm>>) target_semaphore(%run_scoped3A_155 : memref<!tpu.dma_semaphore, #tpu.memory_space<semaphore_mem>>)
      %dma_wait3A_159 = tpu.memref_slice %arg6[%add3A_152, %mul3A_154] : memref<10240x128xf32, #tpu.memory_space<hbm>> -> memref<128x64xf32, #tpu.memory_space<hbm>>
      %dma_wait3A_160 = arith.constant 0 : i32
      %dma_wait3A_161 = tpu.memref_slice %arg11[%add3A_152, %dma_wait3A_160] : memref<10240x64xf32, #tpu.memory_space<vmem_shared>> -> memref<128x64xf32, #tpu.memory_space<vmem_shared>>
      tpu.wait_dma2 semaphore(%run_scoped3A_155 : memref<!tpu.dma_semaphore, #tpu.memory_space<semaphore_mem>>) src(%dma_wait3A_161 : memref<128x64xf32, #tpu.memory_space<vmem_shared>>) dst(%dma_wait3A_159 : memref<128x64xf32, #tpu.memory_space<hbm>>)
      tpu.yield
    }) : () -> ()
    return
  }
}

module attributes {stable_mosaic.version = 14 : i64} {
  func.func @_pre_body(%arg0: i32, %arg1: memref<2000x128xf32, #tpu.memory_space<vmem>>, %arg2: memref<128x128xf32, #tpu.memory_space<vmem>>, %arg3: memref<2000x128xf32, #tpu.memory_space<vmem>>, %arg4: memref<2000x128xf32, #tpu.memory_space<vmem>>) attributes {dimension_semantics = [#tpu.dimension_semantics<arbitrary>], iteration_bounds = array<i64: 5>, scalar_prefetch = 0 : i64, scratch_operands = 0 : i64, tpu.core_type = #tpu.core_type<tc>, window_params = [{transform_indices = @transform_0, window_bounds = array<i64: 2000, 128>}, {pipeline_mode = #tpu.pipeline_mode<synchronous>, transform_indices = @transform_1, window_bounds = array<i64: 128, 128>}, {transform_indices = @transform_2, window_bounds = array<i64: 2000, 128>}, {transform_indices = @transform_3, window_bounds = array<i64: 2000, 128>}]} {
    %get3A = arith.constant 0 : index
    %get3A_0 = arith.constant 0 : index
    %get3A_1 = vector.load %arg3[%get3A, %get3A_0] : memref<2000x128xf32, #tpu.memory_space<vmem>>, vector<2000x1xf32>
    %get3A_2 = arith.constant 0 : index
    %get3A_3 = arith.constant 16 : index
    %get3A_4 = vector.load %arg3[%get3A_2, %get3A_3] : memref<2000x128xf32, #tpu.memory_space<vmem>>, vector<2000x1xf32>
    %add3A = arith.addf %get3A_1, %get3A_4 : vector<2000x1xf32>
    %add3A_5 = arith.constant 1.000000e+00 : f32
    %add3A_6 = vector.broadcast %add3A_5 : f32 to vector<2000x1xf32>
    %add3A_7 = arith.addf %add3A, %add3A_6 : vector<2000x1xf32>
    %rsqrt3A = math.rsqrt %add3A_7 : vector<2000x1xf32>
    %get3A_8 = arith.constant 0 : index
    %get3A_9 = arith.constant 0 : index
    %get3A_10 = vector.load %arg1[%get3A_8, %get3A_9] : memref<2000x128xf32, #tpu.memory_space<vmem>>, vector<2000x128xf32>
    %get3A_11 = arith.constant 0 : index
    %get3A_12 = arith.constant 0 : index
    %get3A_13 = vector.load %arg2[%get3A_11, %get3A_12] : memref<128x128xf32, #tpu.memory_space<vmem>>, vector<128x128xf32>
    %dot_general3A = arith.constant dense<0.000000e+00> : vector<2000x128xf32>
    %dot_general3A_14 = tpu.matmul %get3A_10, %get3A_13, %dot_general3A {dimension_numbers = #tpu.dot_dimension_numbers<[1], [0], [0], [1], [0, 0, 1, 1], [], []>, transpose_lhs_hint = false} : vector<2000x128xf32>, vector<128x128xf32>, vector<2000x128xf32> -> vector<2000x128xf32>
    %mul3A = vector.broadcast %rsqrt3A : vector<2000x1xf32> to vector<2000x128xf32>
    %mul3A_15 = arith.mulf %dot_general3A_14, %mul3A : vector<2000x128xf32>
    %swap3A = arith.constant 0 : index
    %swap3A_16 = arith.constant 0 : index
    %swap3A_17 = vector.load %arg4[%swap3A, %swap3A_16] : memref<2000x128xf32, #tpu.memory_space<vmem>>, vector<2000x128xf32>
    tpu.vector_store %arg4[%swap3A, %swap3A_16], %mul3A_15 {strides = array<i32>} : memref<2000x128xf32, #tpu.memory_space<vmem>>, vector<2000x128xf32>,
    return
  }
  func.func @transform_0(%arg0: i32) -> (i32, i32) {
    %c0_i32 = arith.constant 0 : i32
    %c0_i32_0 = arith.constant 0 : i32
    return %arg0, %c0_i32 : i32, i32
  }
  func.func @transform_1(%arg0: i32) -> (i32, i32) {
    %c0_i32 = arith.constant 0 : i32
    %c0_i32_0 = arith.constant 0 : i32
    %c0_i32_1 = arith.constant 0 : i32
    return %c0_i32, %c0_i32_0 : i32, i32
  }
  func.func @transform_2(%arg0: i32) -> (i32, i32) {
    %c0_i32 = arith.constant 0 : i32
    %c0_i32_0 = arith.constant 0 : i32
    return %arg0, %c0_i32 : i32, i32
  }
  func.func @transform_3(%arg0: i32) -> (i32, i32) {
    %c0_i32 = arith.constant 0 : i32
    %c0_i32_0 = arith.constant 0 : i32
    return %arg0, %c0_i32 : i32, i32
  }
}

module attributes {stable_mosaic.version = 14 : i64} {
  func.func @_mid_body(%arg0: i32, %arg1: memref<2000x128xf32, #tpu.memory_space<vmem>>, %arg2: memref<2000x128xf32, #tpu.memory_space<vmem>>, %arg3: memref<2000x128xf32, #tpu.memory_space<vmem>>, %arg4: memref<1x128xf32, #tpu.memory_space<vmem>>, %arg5: memref<128x128xf32, #tpu.memory_space<vmem>>, %arg6: memref<2000x128xf32, #tpu.memory_space<vmem>>) attributes {dimension_semantics = [#tpu.dimension_semantics<arbitrary>], iteration_bounds = array<i64: 5>, scalar_prefetch = 0 : i64, scratch_operands = 0 : i64, tpu.core_type = #tpu.core_type<tc>, window_params = [{transform_indices = @transform_0, window_bounds = array<i64: 2000, 128>}, {transform_indices = @transform_1, window_bounds = array<i64: 2000, 128>}, {transform_indices = @transform_2, window_bounds = array<i64: 2000, 128>}, {pipeline_mode = #tpu.pipeline_mode<synchronous>, transform_indices = @transform_3, window_bounds = array<i64: 1, 128>}, {pipeline_mode = #tpu.pipeline_mode<synchronous>, transform_indices = @transform_4, window_bounds = array<i64: 128, 128>}, {transform_indices = @transform_5, window_bounds = array<i64: 2000, 128>}]} {
    %get3A = arith.constant 0 : index
    %get3A_0 = arith.constant 0 : index
    %get3A_1 = vector.load %arg3[%get3A, %get3A_0] : memref<2000x128xf32, #tpu.memory_space<vmem>>, vector<2000x1xf32>
    %get3A_2 = arith.constant 0 : index
    %get3A_3 = arith.constant 16 : index
    %get3A_4 = vector.load %arg3[%get3A_2, %get3A_3] : memref<2000x128xf32, #tpu.memory_space<vmem>>, vector<2000x1xf32>
    %add3A = arith.addf %get3A_1, %get3A_4 : vector<2000x1xf32>
    %add3A_5 = arith.constant 1.000000e+00 : f32
    %add3A_6 = vector.broadcast %add3A_5 : f32 to vector<2000x1xf32>
    %add3A_7 = arith.addf %add3A, %add3A_6 : vector<2000x1xf32>
    %rsqrt3A = math.rsqrt %add3A_7 : vector<2000x1xf32>
    %get3A_8 = arith.constant 0 : index
    %get3A_9 = arith.constant 0 : index
    %get3A_10 = vector.load %arg1[%get3A_8, %get3A_9] : memref<2000x128xf32, #tpu.memory_space<vmem>>, vector<2000x128xf32>
    %get3A_11 = arith.constant 0 : index
    %get3A_12 = arith.constant 0 : index
    %get3A_13 = vector.load %arg2[%get3A_11, %get3A_12] : memref<2000x128xf32, #tpu.memory_space<vmem>>, vector<2000x128xf32>
    %add3A_14 = arith.addf %get3A_10, %get3A_13 : vector<2000x128xf32>
    %mul3A = vector.broadcast %rsqrt3A : vector<2000x1xf32> to vector<2000x128xf32>
    %mul3A_15 = arith.mulf %mul3A, %add3A_14 : vector<2000x128xf32>
    %get3A_16 = arith.constant 0 : index
    %get3A_17 = arith.constant 0 : index
    %get3A_18 = vector.load %arg4[%get3A_16, %get3A_17] : memref<1x128xf32, #tpu.memory_space<vmem>>, vector<1x128xf32>
    %add3A_19 = vector.broadcast %get3A_18 : vector<1x128xf32> to vector<2000x128xf32>
    %add3A_20 = arith.addf %mul3A_15, %add3A_19 : vector<2000x128xf32>
    %max3A = arith.constant 0.000000e+00 : f32
    %max3A_21 = vector.broadcast %max3A : f32 to vector<2000x128xf32>
    %max3A_22 = arith.maximumf %add3A_20, %max3A_21 : vector<2000x128xf32>
    %get3A_23 = arith.constant 0 : index
    %get3A_24 = arith.constant 0 : index
    %get3A_25 = vector.load %arg5[%get3A_23, %get3A_24] : memref<128x128xf32, #tpu.memory_space<vmem>>, vector<128x128xf32>
    %dot_general3A = arith.constant dense<0.000000e+00> : vector<2000x128xf32>
    %dot_general3A_26 = tpu.matmul %max3A_22, %get3A_25, %dot_general3A {dimension_numbers = #tpu.dot_dimension_numbers<[1], [0], [0], [1], [0, 0, 1, 1], [], []>, transpose_lhs_hint = false} : vector<2000x128xf32>, vector<128x128xf32>, vector<2000x128xf32> -> vector<2000x128xf32>
    %mul3A_27 = vector.broadcast %rsqrt3A : vector<2000x1xf32> to vector<2000x128xf32>
    %mul3A_28 = arith.mulf %dot_general3A_26, %mul3A_27 : vector<2000x128xf32>
    %swap3A = arith.constant 0 : index
    %swap3A_29 = arith.constant 0 : index
    %swap3A_30 = vector.load %arg6[%swap3A, %swap3A_29] : memref<2000x128xf32, #tpu.memory_space<vmem>>, vector<2000x128xf32>
    tpu.vector_store %arg6[%swap3A, %swap3A_29], %mul3A_28 {strides = array<i32>} : memref<2000x128xf32, #tpu.memory_space<vmem>>, vector<2000x128xf32>,
    return
  }
  func.func @transform_0(%arg0: i32) -> (i32, i32) {
    %c0_i32 = arith.constant 0 : i32
    %c0_i32_0 = arith.constant 0 : i32
    return %arg0, %c0_i32 : i32, i32
  }
  func.func @transform_1(%arg0: i32) -> (i32, i32) {
    %c0_i32 = arith.constant 0 : i32
    %c0_i32_0 = arith.constant 0 : i32
    return %arg0, %c0_i32 : i32, i32
  }
  func.func @transform_2(%arg0: i32) -> (i32, i32) {
    %c0_i32 = arith.constant 0 : i32
    %c0_i32_0 = arith.constant 0 : i32
    return %arg0, %c0_i32 : i32, i32
  }
  func.func @transform_3(%arg0: i32) -> (i32, i32) {
    %c0_i32 = arith.constant 0 : i32
    %c0_i32_0 = arith.constant 0 : i32
    %c0_i32_1 = arith.constant 0 : i32
    return %c0_i32, %c0_i32_0 : i32, i32
  }
  func.func @transform_4(%arg0: i32) -> (i32, i32) {
    %c0_i32 = arith.constant 0 : i32
    %c0_i32_0 = arith.constant 0 : i32
    %c0_i32_1 = arith.constant 0 : i32
    return %c0_i32, %c0_i32_0 : i32, i32
  }
  func.func @transform_5(%arg0: i32) -> (i32, i32) {
    %c0_i32 = arith.constant 0 : i32
    %c0_i32_0 = arith.constant 0 : i32
    return %arg0, %c0_i32 : i32, i32
  }
}

module attributes {stable_mosaic.version = 14 : i64} {
  func.func @_post_body(%arg0: i32, %arg1: memref<2000x128xf32, #tpu.memory_space<vmem>>, %arg2: memref<2000x128xf32, #tpu.memory_space<vmem>>, %arg3: memref<2000x128xf32, #tpu.memory_space<vmem>>, %arg4: memref<1x128xf32, #tpu.memory_space<vmem>>, %arg5: memref<2000x128xf32, #tpu.memory_space<vmem>>) attributes {dimension_semantics = [#tpu.dimension_semantics<arbitrary>], iteration_bounds = array<i64: 5>, scalar_prefetch = 0 : i64, scratch_operands = 0 : i64, tpu.core_type = #tpu.core_type<tc>, window_params = [{transform_indices = @transform_0, window_bounds = array<i64: 2000, 128>}, {transform_indices = @transform_1, window_bounds = array<i64: 2000, 128>}, {transform_indices = @transform_2, window_bounds = array<i64: 2000, 128>}, {pipeline_mode = #tpu.pipeline_mode<synchronous>, transform_indices = @transform_3, window_bounds = array<i64: 1, 128>}, {transform_indices = @transform_4, window_bounds = array<i64: 2000, 128>}]} {
    %get3A = arith.constant 0 : index
    %get3A_0 = arith.constant 0 : index
    %get3A_1 = vector.load %arg3[%get3A, %get3A_0] : memref<2000x128xf32, #tpu.memory_space<vmem>>, vector<2000x1xf32>
    %get3A_2 = arith.constant 0 : index
    %get3A_3 = arith.constant 16 : index
    %get3A_4 = vector.load %arg3[%get3A_2, %get3A_3] : memref<2000x128xf32, #tpu.memory_space<vmem>>, vector<2000x1xf32>
    %add3A = arith.addf %get3A_1, %get3A_4 : vector<2000x1xf32>
    %add3A_5 = arith.constant 1.000000e+00 : f32
    %add3A_6 = vector.broadcast %add3A_5 : f32 to vector<2000x1xf32>
    %add3A_7 = arith.addf %add3A, %add3A_6 : vector<2000x1xf32>
    %rsqrt3A = math.rsqrt %add3A_7 : vector<2000x1xf32>
    %get3A_8 = arith.constant 0 : index
    %get3A_9 = arith.constant 0 : index
    %get3A_10 = vector.load %arg1[%get3A_8, %get3A_9] : memref<2000x128xf32, #tpu.memory_space<vmem>>, vector<2000x128xf32>
    %get3A_11 = arith.constant 0 : index
    %get3A_12 = arith.constant 0 : index
    %get3A_13 = vector.load %arg2[%get3A_11, %get3A_12] : memref<2000x128xf32, #tpu.memory_space<vmem>>, vector<2000x128xf32>
    %add3A_14 = arith.addf %get3A_10, %get3A_13 : vector<2000x128xf32>
    %mul3A = vector.broadcast %rsqrt3A : vector<2000x1xf32> to vector<2000x128xf32>
    %mul3A_15 = arith.mulf %mul3A, %add3A_14 : vector<2000x128xf32>
    %get3A_16 = arith.constant 0 : index
    %get3A_17 = arith.constant 0 : index
    %get3A_18 = vector.load %arg4[%get3A_16, %get3A_17] : memref<1x128xf32, #tpu.memory_space<vmem>>, vector<1x128xf32>
    %add3A_19 = vector.broadcast %get3A_18 : vector<1x128xf32> to vector<2000x128xf32>
    %add3A_20 = arith.addf %mul3A_15, %add3A_19 : vector<2000x128xf32>
    %swap3A = arith.constant 0 : index
    %swap3A_21 = arith.constant 0 : index
    %swap3A_22 = vector.load %arg5[%swap3A, %swap3A_21] : memref<2000x128xf32, #tpu.memory_space<vmem>>, vector<2000x128xf32>
    tpu.vector_store %arg5[%swap3A, %swap3A_21], %add3A_20 {strides = array<i32>} : memref<2000x128xf32, #tpu.memory_space<vmem>>, vector<2000x128xf32>,
    return
  }
  func.func @transform_0(%arg0: i32) -> (i32, i32) {
    %c0_i32 = arith.constant 0 : i32
    %c0_i32_0 = arith.constant 0 : i32
    return %arg0, %c0_i32 : i32, i32
  }
  func.func @transform_1(%arg0: i32) -> (i32, i32) {
    %c0_i32 = arith.constant 0 : i32
    %c0_i32_0 = arith.constant 0 : i32
    return %arg0, %c0_i32 : i32, i32
  }
  func.func @transform_2(%arg0: i32) -> (i32, i32) {
    %c0_i32 = arith.constant 0 : i32
    %c0_i32_0 = arith.constant 0 : i32
    return %arg0, %c0_i32 : i32, i32
  }
  func.func @transform_3(%arg0: i32) -> (i32, i32) {
    %c0_i32 = arith.constant 0 : i32
    %c0_i32_0 = arith.constant 0 : i32
    %c0_i32_1 = arith.constant 0 : i32
    return %c0_i32, %c0_i32_0 : i32, i32
  }
  func.func @transform_4(%arg0: i32) -> (i32, i32) {
    %c0_i32 = arith.constant 0 : i32
    %c0_i32_0 = arith.constant 0 : i32
    return %arg0, %c0_i32 : i32, i32
  }
}

</mosaic_0001>

<sc_bundles>
// kernel: kernel.11.cloned.1.call-start
scs
__scs_entry_jumppad:
0x0: {  	(pc) =	sbr.rel $0x88, $3  }
0x1: {  	(tag) =	ssettag $0x0;
	lr =	simm.s32 $0x1  }
0x2: {  	[smem:$0x3F9B] =	sst lr;
	_ =	strace $0xD0000000  }
0x3: {  	_ = 	snop  }
0x4: {  	_ = 	snop  }
0x5: {  	_ = 	snop  }
0x6: {  	_ = 	snop  }
0x7: {  	_ = 	snop  }
__scs_overlays_trampoline_lowered:
0x8: {  	[smem:$0x3FAA] =	sst s0  }
0x9: {  	[smem:$0x3FAB] =	sst s1  }
0xa: {  	[smem:$0x3FAC] =	sst s2  }
0xb: {  	[smem:$0x3FAD] =	sst s3  }
0xc: {  	[smem:$0x3FAE] =	sst s4  }
0xd: {  	[smem:$0x3FAF] =	sst s5  }
0xe: {  	[smem:$0x3FB0] =	sst s6  }
0xf: {  	[smem:$0x3FB1] =	sst s7  }
0x10: {  	[smem:$0x3FB2] =	sst s8  }
0x11: {  	[smem:$0x3FB3] =	sst s9;
	s0 =	simm.s32 @!p0 $0x0  }
0x12: {  	s1 =	sld [smem:$0x3F99];
	s0 =	simm.s32 @p0 $0x1  }
0x13: {  	[smem:$0x3FB4] =	sst s0;
	s0 =	simm.s32 @!p1 $0x0  }
0x14: {  	s2 =	sld [smem:$0x3F98];
	s0 =	simm.s32 @p1 $0x1  }
0x15: {  	[smem:$0x3FB5] =	sst s0;
	s0 =	simm.s32 @!p2 $0x0  }
0x16: {  	s3 =	sld [smem:$0x3FDB];
	s0 =	simm.s32 @p2 $0x1  }
0x17: {  	s4 =	simm.s32 $0x1BF5;
	[smem:$0x3FB7] =	sst s0  }
0x18: {  	s0 =	sld [smem:$0x3F9A];
	_ =	swait.ge [sflag:s4], $0x0  }
0x19: {  	s7 =	sld [smem:$0x3F9B]  }
0x1a: {  	s8 =	sadd.s32 $0xFFFFE003, lr  }
0x1b: {  	s9 =	sadd.s32 $0xFFFFFEF7, lr;
	s5 =	simm.s32 $0xFFFFFFFF;
	p2 =	slt.u32 s8, $0xFFFFF086  }
0x1c: {  	p1 =	slt.u32 s9, $0xF7A;
	s5 =	simm.s32 @!p2 $0x0  }
0x1d: {  	s5 =	simm.s32 @p1 $0x1;
	p0 =	seq.s32 s7, s2  }
0x1e: {  	s7 =	smul.u32 @!p0 $0xF7A, s2;
	p2 =	seq.s32 @!p0 s5, $0x0  }
0x1f: {  	s9 =	smul.u32 $0xF7A, s1;
	s8 =	simm.s32 @!p0 $0x1BF5;
	p2 =	por !p2, p0  }
0x20: {  	[sflag:s8] =	ssyncset.s32 @!p0 $0xFFFFF086;
	s6 =	sadd.s32 @!p0 s3, s7;
	s7 =	simm.s32 @!p0 $0x108  }
0x21: {  	s3 =	sadd.s32 s3, s9;
	s6 =	sadd.s32 @!p0 $0x88, s6;
	s7 =	simm.s32 @p2 $0x1082  }
0x22: {  	[simem:s7], [sflag:s8] =	dma.local @!p0 [hbm:s6], $0xF7A  }
0x23: {  	s9 =	sor.u32 $0xD0000000, s2;
	s6 =	simm.s32 $0x108;
	_ =	swait.ge @!p0 [sflag:s8], $0x0  }
0x24: {  	s3 =	sadd.s32 $0x88, s3;
	s6 =	simm.s32 @!p1 $0x1082;
	[sflag:s4] =	ssyncset.s32 $0xFFFFF086  }
0x25: {  	[simem:s6], [sflag:s4] =	dma.local [hbm:s3], $0xF7A  }
0x26: {  	[smem:$0x3F9B] =	sst s1;
	(tag) =	ssettag s2;
	_ =	strace s9  }
0x27: {  	s1 =	sld [smem:$0x3FAB]  }
0x28: {  	s2 =	sld [smem:$0x3FAC]  }
0x29: {  	s4 =	sld [smem:$0x3FAE]  }
0x2a: {  	p0 =	seq.s32 s5, $0x0;
	s5 =	sld [smem:$0x3FAF]  }
0x2b: {  	s6 =	sld [smem:$0x3FB0]  }
0x2c: {  	s7 =	sld [smem:$0x3FB1]  }
0x2d: {  	s3 =	simm.s32 $0x108;
	s8 =	sld [smem:$0x3FB2]  }
0x2e: {  	s3 =	simm.s32 @!p0 $0x1082;
	s9 =	sld [smem:$0x3FB3]  }
0x2f: {  	lr =	sadd.s32 s0, s3;
	s0 =	sld [smem:$0x3FAA]  }
0x30: {  	s3 =	sld [smem:$0x3FAD]  }
0x31: {  	[smem:$0x3FB6] =	sst s10  }
0x32: {  	s10 =	sld [smem:$0x3FB4];
	_ =	sdelay $0x3  }
0x33: {  	p0 =	seq.s32 s10, $0x1;
	s10 =	sld [smem:$0x3FB6];
	_ =	sdelay $0x3  }
0x34: {  	[smem:$0x3FB6] =	sst s10  }
0x35: {  	s10 =	sld [smem:$0x3FB5];
	_ =	sdelay $0x3  }
0x36: {  	p1 =	seq.s32 s10, $0x1;
	s10 =	sld [smem:$0x3FB6];
	_ =	sdelay $0x3  }
0x37: {  	[smem:$0x3FB6] =	sst s10  }
0x38: {  	s10 =	sld [smem:$0x3FB7]  }
0x39: {  	_ = 	snop;
	(pc) =	sbr.ind lr, $3  }
0x3a: {  	_ = 	snop  }
0x3b: {  	_ = 	snop  }
0x3c: {  	p2 =	seq.s32 s10, $0x1;
	s10 =	sld [smem:$0x3FB6]  }
0x3d: {  	_ =	shalt  }
0x3e: {  	_ =	shalt  }
0x3f: {  	_ =	shalt  }
0x40: {  	_ =	shalt  }
0x41: {  	_ =	shalt  }
0x42: {  	_ =	shalt  }
0x43: {  	_ =	shalt  }
0x44: {  	_ =	shalt  }
0x45: {  	_ =	shalt  }
0x46: {  	_ =	shalt  }
0x47: {  	_ =	shalt  }
0x48: {  	_ =	shalt  }
0x49: {  	_ =	shalt  }
0x4a: {  	_ =	shalt  }
0x4b: {  	_ =	shalt  }
0x4c: {  	_ =	shalt  }
0x4d: {  	_ =	shalt  }
0x4e: {  	_ =	shalt  }
0x4f: {  	_ =	shalt  }
0x50: {  	_ =	shalt  }
0x51: {  	_ =	shalt  }
0x52: {  	_ =	shalt  }
0x53: {  	_ =	shalt  }
0x54: {  	_ =	shalt  }
0x55: {  	_ =	shalt  }
0x56: {  	_ =	shalt  }
0x57: {  	_ =	shalt  }
0x58: {  	_ =	shalt  }
0x59: {  	_ =	shalt  }
0x5a: {  	_ =	shalt  }
0x5b: {  	_ =	shalt  }
0x5c: {  	_ =	shalt  }
0x5d: {  	_ =	shalt  }
0x5e: {  	_ =	shalt  }
0x5f: {  	_ =	shalt  }
0x60: {  	_ =	shalt  }
0x61: {  	_ =	shalt  }
0x62: {  	_ =	shalt  }
0x63: {  	_ =	shalt  }
0x64: {  	_ =	shalt  }
0x65: {  	_ =	shalt  }
0x66: {  	_ =	shalt  }
0x67: {  	_ =	shalt  }
0x68: {  	_ =	shalt  }
0x69: {  	_ =	shalt  }
0x6a: {  	_ =	shalt  }
0x6b: {  	_ =	shalt  }
0x6c: {  	_ =	shalt  }
0x6d: {  	_ =	shalt  }
0x6e: {  	_ =	shalt  }
0x6f: {  	_ =	shalt  }
0x70: {  	_ =	shalt  }
0x71: {  	_ =	shalt  }
0x72: {  	_ =	shalt  }
0x73: {  	_ =	shalt  }
0x74: {  	_ =	shalt  }
0x75: {  	_ =	shalt  }
0x76: {  	_ =	shalt  }
0x77: {  	_ =	shalt  }
0x78: {  	_ =	shalt  }
0x79: {  	_ =	shalt  }
0x7a: {  	_ =	shalt  }
0x7b: {  	_ =	shalt  }
0x7c: {  	_ =	shalt  }
0x7d: {  	_ =	shalt  }
0x7e: {  	_ =	shalt  }
0x7f: {  	_ =	shalt  }
0x80: {  	_ =	shalt  }
0x81: {  	_ =	shalt  }
0x82: {  	_ =	shalt  }
0x83: {  	_ =	shalt  }
0x84: {  	_ =	shalt  }
0x85: {  	_ =	shalt  }
0x86: {  	_ =	shalt  }
0x87: {  	_ =	shalt  }
.Lfunc_end0:
.L_simem_size_0:
called_computation.1_lowered:
.L_overlay_start_0:
0x88: {  	s2 =	sld [smem:$0x3FD9]  }
0x89: {  	s3 =	sld [smem:$0x3FFE];
	_ =	sdelay $0x1  }
0x8a: {  	s1 =	srdreg.scid  }
0x8b: {  	s0 =	sand.u32 $0x1, s1  }
0x8c: {  	s17 =	sshll.u32 s0, $0xA;
	s2 =	sadd.s32 s3, s2  }
0x8d: {  	s2 =	sadd.s32 s2, s17  }
0x8e: {  	[smem:$0x3FC2] =	sst s2  }
0x8f: {  	_ = 	snop  }
0x90: {  	s2 =	sld [smem:$0x3FD0];
	(tm) =	ssettm $0x1  }
0x91: {  	s18 =	sld [smem:$0x3FFB];
	_ =	sdelay $0x3  }
0x92: {  	_ =	strace s18  }
0x93: {  	s3 =	sld [smem:$0x3FFC];
	_ =	sdelay $0x3  }
0x94: {  	_ =	strace s3  }
0x95: {  	s3 =	sld [smem:$0x3FFD];
	_ =	sdelay $0x3  }
0x96: {  	_ =	strace s3  }
0x97: {  	_ =	strace $0x8FFFFFFF  }
0x98: {  	s19 =	sld [smem:$0x3FDB];
	_ =	sdelay $0x1  }
0x99: {  	s4 =	simm.s32 $_scs_section_size  }
0x9a: {  	s5 =	simm.s32 $_size__tile_overlayer_lowered;
	s6 =	simm.s32 $_tile_overlayer_lowered  }
0x9b: {  	s22 =	simm.s32 $0x1BFF;
	s21 =	sshll.u32 s6, $0x1;
	s3 =	sadd.s32 s4, s19  }
0x9c: {  	s7 =	simm.s32 $0x0;
	s20 =	sshll.u32 s5, $0x1;
	s5 =	sadd.s32 s21, s3  }
0x9d: {  	[timem:s7], [sflag:s22] =	dma.local [hbm:s5], s20  }
0x9e: {  	_ =	swait.ge [sflag:s22], s20  }
0x9f: {  	s4 =	ssub.s32 $0x0, s20;
	[sflag:s22] =	ssyncset.done $0x0  }
0xa0: {  	[sflag:s22] =	ssyncadd.s32 s4;
	_ =	sdelay $0x1  }
0xa1: {  	s23 =	simm.s32 $0x1B8B  }
0xa2: {  	_ =	swait.ge [sflag:s23], $0x1  }
0xa3: {  	[sflag:s23] =	ssyncset.done $0x0  }
0xa4: {  	s25 =	simm.s32 $0x1B8E;
	s24 =	sld [smem:$0x3FFE];
	[sflag:s23] =	ssyncadd.s32 $0xFFFFFFFF  }
0xa5: {  	s26 =	simm.s32 $execute0_lowered;
	[smem:$0x3FD2] =	sst s25  }
0xa6: {  	s5 =	sshll.u32 s26, $0x1;
	_ =	strace $0x80000049;
	[dreg:$0x1] =	wrdreg $0xFFFFFFFF  }
0xa7: {  	s28 =	simm.s32 $_size_execute0_lowered;
	s3 =	sadd.s32 s3, s5;
	[dreg:$0x0] =	wrdreg $0x0  }
0xa8: {  	s5 =	sshll.u32 s28, $0x1;
	[dreg:$0x2] =	wrdreg s3  }
0xa9: {  	[dreg:$0x3] =	wrdreg s5  }
0xaa: {  	[dreg:$0x4] =	wrdreg $0xC0  }
0xab: {  	_ =	task [dreg:s7], $0x5FFFF  }
0xac: {  	[dreg:$0x1] =	wrdreg $0xFFFFFFFF  }
0xad: {  	[dreg:$0x0] =	wrdreg $0x60  }
0xae: {  	[dreg:$0x2] =	wrdreg s2  }
0xaf: {  	[dreg:$0x3] =	wrdreg s24  }
0xb0: {  	[dreg:$0x4] =	wrdreg $0x140000  }
0xb1: {  	[dreg:$0x5] =	wrdreg $0x9  }
0xb2: {  	_ =	task.clear_ibuf [dreg:s7], $0x6FFFF;
	_ =	strace $0x90000049  }
0xb3: {  	s29 =	simm.s32 $0x9;
	_ =	strace $0x8000004B  }
0xb4: {  	_ =	swait.ge [sflag:s29], $0x1  }
0xb5: {  	[sflag:s29] =	ssyncadd.s32 $0xFFFFFFFF  }
0xb6: {  	_ =	strace $0x9000004B  }
0xb7: {  	_ =	sfence  }
0xb8: {  	s30 =	sld [smem:$0x0];
	_ =	sdelay $0x2  }
0xb9: {  	s31 =	sshll.u32 s1, $0xD;
	s1 =	sshrl.u32 s1, $0x2  }
0xba: {  	s3 =	sand.u32 $0x4000, s31;
	s1 =	sadd.s32 s1, s30  }
0xbb: {  	s0 =	sor.u32 s3, s0;
	s1 =	sshll.u32 s1, $0x11  }
0xbc: {  	s0 =	sor.u32 s1, s0  }
0xbd: {  	s0 =	sadd.s32 $0x8F2B, s0  }
0xbe: {  	[sflag:s0] =	ssyncadd.remote.s32 $0x1  }
0xbf: {  	_ =	sfence.sel $0xFFFF  }
0xc0: {  	[dreg:$0x0] =	wrdreg $0xFFFFFFFF;
	(pc) =	sbr.abs _section_cstart, $3  }
0xc1: {  	[dreg:$0x1] =	wrdreg $0xFFFFFFFF  }
0xc2: {  	_ =	task.clear_ibuf [dreg:s7], $0x2FFFF;
	_ =	strace $0x9FFFFFFF  }
0xc3: {  	(tm) =	ssettm $0x7FFFFFFF  }
tec
execute0_lowered:
.L_overlay_start_1:
0x0: {  	(tag) =	ssettag $0x1  }
0x1: {  	s1 =	rddreg [dreg:$0x0]  }
0x2: {  	s0 =	rddreg [dreg:$0x1]  }
0x3: {  	s3 =	rddreg [dreg:$0x2]  }
0x4: {  	s4 =	simm.s32 $0x0;
	s13 =	stileid.u32;
	s5 =	srdreg.scid  }
0x5: {  	s29 =	simm.s32 $0x10000;
	s30 =	simm.s32 $0x1;
	s2 =	smul.u32 $0xA00, s13  }
0x6: {  	s31 =	simm.s32 $0x2;
	s28 =	simm.s32 $0x8;
	s8 =	smul.u32 $0x28000, s13  }
0x7: {  	[smem:$0x7FF] =	sst s4;
	s5 =	sand.u32 $0x1, s5;
	s12 =	smul.u32 $0x280, s13  }
0x8: {  	s6 =	sadd.s32 $0xD400, s0;
	s22 =	smul.u32 $0x14000, s13;
	_ =	strace $0x8000004A  }
0x9: {  	[dreg:$0x4] =	wrdreg s6;
	s16 =	smul.u32 $0xA000, s5;
	s7 =	ssub.s32 $0x2, s5  }
0xa: {  	s5 =	sshll.u32 s5, $0x6;
	s2 =	sadd.s32 s2, s0;
	s0 =	sadd.s32 $0x49600, s0  }
0xb: {  	s9 =	sshrl.u32 s7, $0x1;
	s17 =	sshrl.u32 s8, $0x2;
	s19 =	sadd.s32 $0x80, s12  }
0xc: {  	s15 =	sadd.s32 $0x100, s12;
	s6 =	sadd.s32 s16, s2;
	s18 =	ssub.s32 s7, s9  }
0xd: {  	s2 =	sadd.s32 $0x3400, s2;
	s8 =	sadd.s32 s17, s3;
	s20 =	sshll.u32 s19, $0x6  }
0xe: {  	s16 =	sadd.s32 $0x180, s12;
	s21 =	sshll.u32 s15, $0x6;
	s17 =	sadd.s32 $0x200, s12  }
0xf: {  	s23 =	sshll.u32 s15, $0x7;
	s6 =	sadd.s32 $0x35600, s6;
	[dreg:$0x6] =	wrdreg s2  }
0x10: {  	s9 =	sadd.s32 s20, s3;
	s11 =	sshll.u32 s16, $0x6;
	s10 =	sadd.s32 s21, s3  }
0x11: {  	s2 =	sshll.u32 s19, $0x7;
	s12 =	sshll.u32 s17, $0x6;
	s24 =	sshll.u32 s16, $0x7  }
0x12: {  	s25 =	sshll.u32 s17, $0x7;
	s18 =	smax.u32 s18, $0x1;
	s19 =	simm.s32 $0x5  }
0x13: {  	s21 =	simm.s32 $0x12000;
	s20 =	simm.s32 $0x0;
	[dreg:$0x5] =	wrdreg s6  }
0x14: {  	s11 =	sadd.s32 s11, s3;
	s6 =	sor.u32 s5, s22;
	s2 =	sor.u32 s5, s2  }
0x15: {  	s12 =	sadd.s32 s12, s3;
	s6 =	sshrl.u32 s6, $0x3;
	s2 =	sshrl.u32 s2, $0x3  }
0x16: {  	s22 =	simm.s32 $0x80;
	s13 =	sadd.s32 s0, s6;
	s14 =	sadd.s32 s0, s2  }
0x17: {  	s2 =	sor.u32 s5, s23;
	s6 =	sor.u32 s5, s24;
	s5 =	sor.u32 s5, s25  }
0x18: {  	s23 =	simm.s32 $0xA000;
	s24 =	simm.s32 $0xC000;
	s25 =	simm.s32 $0x10  }
0x19: {  	s2 =	sshrl.u32 s2, $0x3;
	s26 =	sshrl.u32 s6, $0x3;
	s5 =	sshrl.u32 s5, $0x3  }
0x1a: {  	s15 =	sadd.s32 s0, s2;
	s16 =	sadd.s32 s0, s26;
	s17 =	sadd.s32 s0, s5  }
0x1b: {  	s26 =	simm.s32 $0xE000;
	s0 =	simm.s32 $0x3;
	s2 =	simm.s32 $0x4  }
.LBB2_1:
0x1c: {  	s5 =	rddreg [dreg:$0x5]  }
0x1d: {  	[tilespmem:s4], [sflag:$0x5] =	stream.linear.gather [hbm4b:s5+s4], $0x5000, $0x38;
	[tilespmem:$0x1E000] =	vst v63  }
0x1e: {  	_ =	swait.ge [sflag:s19], $0x5000  }
0x1f: {  	[sflag:s19] =	ssyncset.done $0x0  }
0x20: {  	s6 =	simm.s32 $0x5000;
	s7 =	rddreg [dreg:$0x6];
	[sflag:s19] =	ssyncadd.s32 $0xFFFFB000  }
0x21: {  	[tilespmem:s6], [sflag:$0x5] =	stream.linear.gather [hbm4b:s7+s4], $0x5000, $0x38;
	[tilespmem:$0x1E000] =	vst v63  }
0x22: {  	_ =	swait.ge [sflag:s19], $0x5000  }
0x23: {  	[sflag:s19] =	ssyncset.done $0x0  }
0x24: {  	s6 =	rddreg [dreg:$0x4];
	[sflag:s19] =	ssyncadd.s32 $0xFFFFB000  }
0x25: {  	[tilespmem:s21], [sflag:$0x5] =	stream.linear.gather [hbm4b:s6+s4], $0x2000, $0x38;
	[tilespmem:$0x1E000] =	vst v63  }
0x26: {  	_ =	swait.ge [sflag:s19], $0x2000  }
0x27: {  	[sflag:s19] =	ssyncset.done $0x0  }
0x28: {  	[sflag:s19] =	ssyncadd.s32 $0xFFFFE000  }
0x29: {  	[spmem:s8] =	stream.linear.scatter [tilespmem:s21], [sflag:$0x5], $0x2000, $0x38;
	[tilespmem:$0x1E000] =	vst v63  }
0x2a: {  	_ =	swait.ge [sflag:s19], $0x2000  }
0x2b: {  	[sflag:s19] =	ssyncset.done $0x0  }
0x2c: {  	[sflag:s19] =	ssyncadd.s32 $0xFFFFE000  }
0x2d: {  	[spmem:s9] =	stream.linear.scatter [tilespmem:s21], [sflag:$0x5], $0x2000, $0x38;
	[tilespmem:$0x1E000] =	vst v63  }
0x2e: {  	_ =	swait.ge [sflag:s19], $0x2000  }
0x2f: {  	[sflag:s19] =	ssyncset.done $0x0  }
0x30: {  	[sflag:s19] =	ssyncadd.s32 $0xFFFFE000  }
0x31: {  	[spmem:s10] =	stream.linear.scatter [tilespmem:s21], [sflag:$0x5], $0x2000, $0x38;
	[tilespmem:$0x1E000] =	vst v63  }
0x32: {  	_ =	swait.ge [sflag:s19], $0x2000  }
0x33: {  	[sflag:s19] =	ssyncset.done $0x0  }
0x34: {  	[sflag:s19] =	ssyncadd.s32 $0xFFFFE000  }
0x35: {  	[spmem:s11] =	stream.linear.scatter [tilespmem:s21], [sflag:$0x5], $0x2000, $0x38;
	[tilespmem:$0x1E000] =	vst v63  }
0x36: {  	_ =	swait.ge [sflag:s19], $0x2000  }
0x37: {  	[sflag:s19] =	ssyncset.done $0x0  }
0x38: {  	[sflag:s19] =	ssyncadd.s32 $0xFFFFE000  }
0x39: {  	[spmem:s12] =	stream.linear.scatter [tilespmem:s21], [sflag:$0x5], $0x2000, $0x38;
	[tilespmem:$0x1E000] =	vst v63  }
0x3a: {  	_ =	swait.ge [sflag:s19], $0x2000  }
0x3b: {  	[sflag:s19] =	ssyncset.done $0x0  }
0x3c: {  	[sflag:s19] =	ssyncadd.s32 $0xFFFFE000  }
0x3d: {  	[bflag:$0x0] =	sbarrier.arrive $0xFFFF  }
0x3e: {  	[tilespmem:s23], [sflag:$0x1] =	stream.indirect.gather [hbm4b:s1+s22], $0x40, s4, s22, $0xb8;
	[tilespmem:$0x1E000] =	vst v63  }
0x3f: {  	_ = 	snop  }
0x40: {  	[tilespmem:s24], [sflag:$0x2] =	stream.indirect.gather [hbm4b:s1+s22], $0x40, s22, s22, $0xb8;
	[tilespmem:$0x1E000] =	vst v63  }
0x41: {  	s7 =	simm.s32 $0x100  }
0x42: {  	[tilespmem:s26], [sflag:$0x3] =	stream.indirect.gather [hbm4b:s1+s22], $0x40, s7, s22, $0xb8;
	[tilespmem:$0x1E000] =	vst v63  }
0x43: {  	s6 =	simm.s32 $0x180  }
0x44: {  	[tilespmem:s29], [sflag:$0x4] =	stream.indirect.gather [hbm4b:s1+s22], $0x40, s6, s22, $0xb8;
	[tilespmem:$0x1E000] =	vst v63  }
0x45: {  	_ =	swait.ge [sflag:s30], $0x2000  }
0x46: {  	[sflag:s30] =	ssyncset.done $0x0  }
0x47: {  	s7 =	simm.s32 $0x5000;
	[sflag:s30] =	ssyncadd.s32 $0xFFFFE000  }
0x48: {  	[spmem:s3] =	stream.indirect.scatter.add.f32 [tilespmem:s23], [sflag:$0x5], $0x40, s7, s22, $0xb8;
	[tilespmem:$0x1E000] =	vst v63  }
0x49: {  	_ =	swait.ge [sflag:s19], $0x2000  }
0x4a: {  	[sflag:s19] =	ssyncset.done $0x0  }
0x4b: {  	s6 =	simm.s32 $0x200;
	[sflag:s19] =	ssyncadd.s32 $0xFFFFE000  }
0x4c: {  	[tilespmem:s23], [sflag:$0x1] =	stream.indirect.gather [hbm4b:s1+s22], $0x40, s6, s22, $0xb8;
	[tilespmem:$0x1E000] =	vst v63  }
0x4d: {  	_ =	swait.ge [sflag:s31], $0x2000  }
0x4e: {  	[sflag:s31] =	ssyncset.done $0x0  }
0x4f: {  	s7 =	simm.s32 $0x5080;
	[sflag:s31] =	ssyncadd.s32 $0xFFFFE000  }
0x50: {  	[spmem:s3] =	stream.indirect.scatter.add.f32 [tilespmem:s24], [sflag:$0x5], $0x40, s7, s22, $0xb8;
	[tilespmem:$0x1E000] =	vst v63  }
0x51: {  	_ =	swait.ge [sflag:s19], $0x2000  }
0x52: {  	[sflag:s19] =	ssyncset.done $0x0  }
0x53: {  	s6 =	simm.s32 $0x280;
	[sflag:s19] =	ssyncadd.s32 $0xFFFFE000  }
0x54: {  	[tilespmem:s24], [sflag:$0x2] =	stream.indirect.gather [hbm4b:s1+s22], $0x40, s6, s22, $0xb8;
	[tilespmem:$0x1E000] =	vst v63  }
0x55: {  	_ =	swait.ge [sflag:s0], $0x2000  }
0x56: {  	[sflag:s0] =	ssyncset.done $0x0  }
0x57: {  	s7 =	simm.s32 $0x5100;
	[sflag:s0] =	ssyncadd.s32 $0xFFFFE000  }
0x58: {  	[spmem:s3] =	stream.indirect.scatter.add.f32 [tilespmem:s26], [sflag:$0x5], $0x40, s7, s22, $0xb8;
	[tilespmem:$0x1E000] =	vst v63  }
0x59: {  	_ =	swait.ge [sflag:s19], $0x2000  }
0x5a: {  	[sflag:s19] =	ssyncset.done $0x0  }
0x5b: {  	s6 =	simm.s32 $0x300;
	[sflag:s19] =	ssyncadd.s32 $0xFFFFE000  }
0x5c: {  	[tilespmem:s26], [sflag:$0x3] =	stream.indirect.gather [hbm4b:s1+s22], $0x40, s6, s22, $0xb8;
	[tilespmem:$0x1E000] =	vst v63  }
0x5d: {  	_ =	swait.ge [sflag:s2], $0x2000  }
0x5e: {  	[sflag:s2] =	ssyncset.done $0x0  }
0x5f: {  	s7 =	simm.s32 $0x5180;
	[sflag:s2] =	ssyncadd.s32 $0xFFFFE000  }
0x60: {  	[spmem:s3] =	stream.indirect.scatter.add.f32 [tilespmem:s29], [sflag:$0x5], $0x40, s7, s22, $0xb8;
	[tilespmem:$0x1E000] =	vst v63  }
0x61: {  	_ =	swait.ge [sflag:s19], $0x2000  }
0x62: {  	[sflag:s19] =	ssyncset.done $0x0  }
0x63: {  	s5 =	simm.s32 $0x800;
	s6 =	simm.s32 $0x380;
	[sflag:s19] =	ssyncadd.s32 $0xFFFFE000  }
.LBB2_2:
0x64: {  	[tilespmem:s29], [sflag:$0x4] =	stream.indirect.gather [hbm4b:s1+s22], $0x40, s6, s22, $0xb8;
	[tilespmem:$0x1E000] =	vst v63  }
0x65: {  	s6 =	smov.u32 s5  }
0x66: {  	p0 =	sne.s32 s5, $0x13000;
	s5 =	sadd.s32 $0x800, s5;
	_ =	swait.ge [sflag:s30], $0x2000  }
0x67: {  	s6 =	sshra.s32 s6, $0x2;
	[sflag:s30] =	ssyncset.done $0x0  }
0x68: {  	s7 =	sadd.s32 $0x5000, s6;
	[sflag:s30] =	ssyncadd.s32 $0xFFFFE000  }
0x69: {  	[spmem:s3] =	stream.indirect.scatter.add.f32 [tilespmem:s23], [sflag:$0x5], $0x40, s7, s22, $0xb8;
	[tilespmem:$0x1E000] =	vst v63  }
0x6a: {  	_ =	swait.ge [sflag:s19], $0x2000  }
0x6b: {  	[sflag:s19] =	ssyncset.done $0x0  }
0x6c: {  	s7 =	sadd.s32 $0x200, s6;
	[sflag:s19] =	ssyncadd.s32 $0xFFFFE000  }
0x6d: {  	[tilespmem:s23], [sflag:$0x1] =	stream.indirect.gather [hbm4b:s1+s22], $0x40, s7, s22, $0xb8;
	[tilespmem:$0x1E000] =	vst v63  }
0x6e: {  	_ =	swait.ge [sflag:s31], $0x2000  }
0x6f: {  	[sflag:s31] =	ssyncset.done $0x0  }
0x70: {  	s7 =	sadd.s32 $0x5080, s6;
	[sflag:s31] =	ssyncadd.s32 $0xFFFFE000  }
0x71: {  	[spmem:s3] =	stream.indirect.scatter.add.f32 [tilespmem:s24], [sflag:$0x5], $0x40, s7, s22, $0xb8;
	[tilespmem:$0x1E000] =	vst v63  }
0x72: {  	_ =	swait.ge [sflag:s19], $0x2000  }
0x73: {  	[sflag:s19] =	ssyncset.done $0x0  }
0x74: {  	s7 =	sadd.s32 $0x280, s6;
	[sflag:s19] =	ssyncadd.s32 $0xFFFFE000  }
0x75: {  	[tilespmem:s24], [sflag:$0x2] =	stream.indirect.gather [hbm4b:s1+s22], $0x40, s7, s22, $0xb8;
	[tilespmem:$0x1E000] =	vst v63  }
0x76: {  	_ =	swait.ge [sflag:s0], $0x2000  }
0x77: {  	[sflag:s0] =	ssyncset.done $0x0  }
0x78: {  	s7 =	sadd.s32 $0x5100, s6;
	[sflag:s0] =	ssyncadd.s32 $0xFFFFE000  }
0x79: {  	[spmem:s3] =	stream.indirect.scatter.add.f32 [tilespmem:s26], [sflag:$0x5], $0x40, s7, s22, $0xb8;
	[tilespmem:$0x1E000] =	vst v63  }
0x7a: {  	_ =	swait.ge [sflag:s19], $0x2000  }
0x7b: {  	[sflag:s19] =	ssyncset.done $0x0  }
0x7c: {  	s7 =	sadd.s32 $0x300, s6;
	[sflag:s19] =	ssyncadd.s32 $0xFFFFE000  }
0x7d: {  	[tilespmem:s26], [sflag:$0x3] =	stream.indirect.gather [hbm4b:s1+s22], $0x40, s7, s22, $0xb8;
	[tilespmem:$0x1E000] =	vst v63  }
0x7e: {  	_ =	swait.ge [sflag:s2], $0x2000  }
0x7f: {  	[sflag:s2] =	ssyncset.done $0x0  }
.Ltmp0:
0x80: {  	s7 =	sadd.s32 $0x5180, s6;
	[sflag:s2] =	ssyncadd.s32 $0xFFFFE000;
	(pc) =	sbr.rel @p0 .LBB2_2-.Ltmp0, $4  }
0x81: {  	[spmem:s3] =	stream.indirect.scatter.add.f32 [tilespmem:s29], [sflag:$0x5], $0x40, s7, s22, $0xb8;
	[tilespmem:$0x1E000] =	vst v63  }
0x82: {  	_ =	swait.ge [sflag:s19], $0x2000  }
0x83: {  	[sflag:s19] =	ssyncset.done $0x0  }
0x84: {  	s6 =	sadd.s32 $0x380, s6;
	[sflag:s19] =	ssyncadd.s32 $0xFFFFE000  }
0x85: {  	[tilespmem:s29], [sflag:$0x4] =	stream.indirect.gather [hbm4b:s1+s22], $0x40, s6, s22, $0xb8;
	[tilespmem:$0x1E000] =	vst v63  }
0x86: {  	_ =	swait.ge [sflag:s30], $0x2000  }
0x87: {  	[sflag:s30] =	ssyncset.done $0x0  }
0x88: {  	s5 =	simm.s32 $0x9E00;
	[sflag:s30] =	ssyncadd.s32 $0xFFFFE000  }
0x89: {  	[spmem:s3] =	stream.indirect.scatter.add.f32 [tilespmem:s23], [sflag:$0x5], $0x40, s5, s22, $0xb8;
	[tilespmem:$0x1E000] =	vst v63  }
0x8a: {  	_ =	swait.ge [sflag:s19], $0x2000  }
0x8b: {  	[sflag:s19] =	ssyncset.done $0x0  }
0x8c: {  	[sflag:s19] =	ssyncadd.s32 $0xFFFFE000  }
0x8d: {  	_ =	swait.ge [sflag:s31], $0x2000  }
0x8e: {  	[sflag:s31] =	ssyncset.done $0x0  }
0x8f: {  	s7 =	simm.s32 $0x9E80;
	[sflag:s31] =	ssyncadd.s32 $0xFFFFE000  }
0x90: {  	[spmem:s3] =	stream.indirect.scatter.add.f32 [tilespmem:s24], [sflag:$0x5], $0x40, s7, s22, $0xb8;
	[tilespmem:$0x1E000] =	vst v63  }
0x91: {  	_ =	swait.ge [sflag:s19], $0x2000  }
0x92: {  	[sflag:s19] =	ssyncset.done $0x0  }
0x93: {  	[sflag:s19] =	ssyncadd.s32 $0xFFFFE000  }
0x94: {  	_ =	swait.ge [sflag:s0], $0x2000  }
0x95: {  	[sflag:s0] =	ssyncset.done $0x0  }
0x96: {  	s6 =	simm.s32 $0x9F00;
	[sflag:s0] =	ssyncadd.s32 $0xFFFFE000  }
0x97: {  	[spmem:s3] =	stream.indirect.scatter.add.f32 [tilespmem:s26], [sflag:$0x5], $0x40, s6, s22, $0xb8;
	[tilespmem:$0x1E000] =	vst v63  }
0x98: {  	_ =	swait.ge [sflag:s19], $0x2000  }
0x99: {  	[sflag:s19] =	ssyncset.done $0x0  }
0x9a: {  	[sflag:s19] =	ssyncadd.s32 $0xFFFFE000  }
0x9b: {  	_ =	swait.ge [sflag:s2], $0x2000  }
0x9c: {  	[sflag:s2] =	ssyncset.done $0x0  }
0x9d: {  	s7 =	simm.s32 $0x9F80;
	[sflag:s2] =	ssyncadd.s32 $0xFFFFE000  }
0x9e: {  	[spmem:s3] =	stream.indirect.scatter.add.f32 [tilespmem:s29], [sflag:$0x5], $0x40, s7, s22, $0xb8;
	[tilespmem:$0x1E000] =	vst v63  }
0x9f: {  	_ =	swait.ge [sflag:s19], $0x2000  }
0xa0: {  	s6 =	stileid.u32;
	[sflag:s19] =	ssyncset.done $0x0  }
0xa1: {  	s5 =	sshll.u32 s6, $0x6;
	[sflag:s19] =	ssyncadd.s32 $0xFFFFE000  }
0xa2: {  	s5 =	sor.u32 $0x1C05, s5;
	s7 =	sshrl.u32 s8, $0x3;
	[bflag:$0x0] =	sbarrier.arrive $0xFFFF  }
0xa3: {  	[hbm:s13@s25], [sflag:s5] =	dma.strided [spmem:s7@s28], $0x400, s30, $0x8   }
0xa4: {  	_ =	swait.ge [sflag:s19], $0x400  }
0xa5: {  	[sflag:s19] =	ssyncset.done $0x0  }
0xa6: {  	s7 =	sshrl.u32 s9, $0x3;
	[sflag:s19] =	ssyncadd.s32 $0xFFFFFC00  }
0xa7: {  	[hbm:s14@s25], [sflag:s5] =	dma.strided [spmem:s7@s28], $0x400, s30, $0x8   }
0xa8: {  	_ =	swait.ge [sflag:s19], $0x400  }
0xa9: {  	[sflag:s19] =	ssyncset.done $0x0  }
0xaa: {  	s7 =	sshrl.u32 s10, $0x3;
	[sflag:s19] =	ssyncadd.s32 $0xFFFFFC00  }
0xab: {  	[hbm:s15@s25], [sflag:s5] =	dma.strided [spmem:s7@s28], $0x400, s30, $0x8   }
0xac: {  	_ =	swait.ge [sflag:s19], $0x400  }
0xad: {  	[sflag:s19] =	ssyncset.done $0x0  }
0xae: {  	s7 =	sshrl.u32 s11, $0x3;
	[sflag:s19] =	ssyncadd.s32 $0xFFFFFC00  }
0xaf: {  	[hbm:s16@s25], [sflag:s5] =	dma.strided [spmem:s7@s28], $0x400, s30, $0x8   }
0xb0: {  	s20 =	sadd.s32 $0x1, s20;
	_ =	swait.ge [sflag:s19], $0x400  }
0xb1: {  	p0 =	sne.s32 s20, s18;
	[sflag:s19] =	ssyncset.done $0x0  }
.Ltmp1:
0xb2: {  	s7 =	sshrl.u32 s12, $0x3;
	[sflag:s19] =	ssyncadd.s32 $0xFFFFFC00;
	(pc) =	sbr.rel @p0 .LBB2_1-.Ltmp1, $4  }
0xb3: {  	[hbm:s17@s25], [sflag:s5] =	dma.strided [spmem:s7@s28], $0x400, s30, $0x8   }
0xb4: {  	_ =	swait.ge [sflag:s19], $0x400  }
0xb5: {  	[sflag:s19] =	ssyncset.done $0x0  }
0xb6: {  	[sflag:s19] =	ssyncadd.s32 $0xFFFFFC00  }
0xb7: {  	_ =	sfence.sel $0x180000  }
0xb8: {  	[bflag:$0x0] =	sbarrier.arrive $0xFFFF  }
0xb9: {  	_ =	strace $0x9000004A  }
0xba: {  	s0 =	stileid.u32;
	[bflag:$0x2] =	sbarrier.arrive $0xFFFF  }
0xbb: {  	p0 =	sne.s32 s0, $0x0;
	s0 =	rddreg [dreg:$0x3]  }
0xbc: {  	s0 =	sadd.s32 @!p0 $0x100000, s0  }
0xbd: {  	[sflag:s0] =	ssyncadd.tile.s32 @!p0 $0x1;
	_ =	shalt  }
.Lfunc_end2:
_tile_overlayer_lowered:
.L_overlay_start_2:
0xbe: {  	(tag) =	ssettag $0x2  }
0xbf: {  	s0 =	rddreg [dreg:$0x0];
	s2 =	stileid.u32  }
0xc0: {  	s1 =	rddreg [dreg:$0x1];
	p0 =	sne.s32 s2, $0x0  }
0xc1: {  	s3 =	rddreg [dreg:$0x2];
	[bflag:$0x3] =	sbarrier.arrive $0xFFFF;
	s2 =	simm.s32 @!p0 $0x1C05  }
0xc2: {  	[timem:s3], [sflag:s2] =	dma.local @!p0 [hbm:s0], s1  }
0xc3: {  	s0 =	simm.s32 @!p0 $0x5  }
0xc4: {  	_ =	swait.ge @!p0 [sflag:s0], s1  }
0xc5: {  	s1 =	ssub.s32 @!p0 $0x0, s1;
	[sflag:s0] =	ssyncset.done @!p0 $0x0  }
0xc6: {  	[sflag:s0] =	ssyncadd.s32 @!p0 s1  }
0xc7: {  	[bflag:$0x3] =	sbarrier.arrive $0xFFFF  }
0xc8: {  	_ =	shalt  }

// kernel: kernel.14.cloned.1.call-start
scs
__scs_entry_jumppad:
0x0: {  	(pc) =	sbr.rel $0x88, $3  }
0x1: {  	(tag) =	ssettag $0x0;
	lr =	simm.s32 $0x1  }
0x2: {  	[smem:$0x3F9B] =	sst lr;
	_ =	strace $0xD0000000  }
0x3: {  	_ = 	snop  }
0x4: {  	_ = 	snop  }
0x5: {  	_ = 	snop  }
0x6: {  	_ = 	snop  }
0x7: {  	_ = 	snop  }
__scs_overlays_trampoline_lowered:
0x8: {  	[smem:$0x3FAA] =	sst s0  }
0x9: {  	[smem:$0x3FAB] =	sst s1  }
0xa: {  	[smem:$0x3FAC] =	sst s2  }
0xb: {  	[smem:$0x3FAD] =	sst s3  }
0xc: {  	[smem:$0x3FAE] =	sst s4  }
0xd: {  	[smem:$0x3FAF] =	sst s5  }
0xe: {  	[smem:$0x3FB0] =	sst s6  }
0xf: {  	[smem:$0x3FB1] =	sst s7  }
0x10: {  	[smem:$0x3FB2] =	sst s8  }
0x11: {  	[smem:$0x3FB3] =	sst s9;
	s0 =	simm.s32 @!p0 $0x0  }
0x12: {  	s1 =	sld [smem:$0x3F99];
	s0 =	simm.s32 @p0 $0x1  }
0x13: {  	[smem:$0x3FB4] =	sst s0;
	s0 =	simm.s32 @!p1 $0x0  }
0x14: {  	s2 =	sld [smem:$0x3F98];
	s0 =	simm.s32 @p1 $0x1  }
0x15: {  	[smem:$0x3FB5] =	sst s0;
	s0 =	simm.s32 @!p2 $0x0  }
0x16: {  	s3 =	sld [smem:$0x3FDB];
	s0 =	simm.s32 @p2 $0x1  }
0x17: {  	s4 =	simm.s32 $0x1BF5;
	[smem:$0x3FB7] =	sst s0  }
0x18: {  	s0 =	sld [smem:$0x3F9A];
	_ =	swait.ge [sflag:s4], $0x0  }
0x19: {  	s7 =	sld [smem:$0x3F9B]  }
0x1a: {  	s8 =	sadd.s32 $0xFFFFE003, lr  }
0x1b: {  	s9 =	sadd.s32 $0xFFFFFEF7, lr;
	s5 =	simm.s32 $0xFFFFFFFF;
	p2 =	slt.u32 s8, $0xFFFFF086  }
0x1c: {  	p1 =	slt.u32 s9, $0xF7A;
	s5 =	simm.s32 @!p2 $0x0  }
0x1d: {  	s5 =	simm.s32 @p1 $0x1;
	p0 =	seq.s32 s7, s2  }
0x1e: {  	s7 =	smul.u32 @!p0 $0xF7A, s2;
	p2 =	seq.s32 @!p0 s5, $0x0  }
0x1f: {  	s9 =	smul.u32 $0xF7A, s1;
	s8 =	simm.s32 @!p0 $0x1BF5;
	p2 =	por !p2, p0  }
0x20: {  	[sflag:s8] =	ssyncset.s32 @!p0 $0xFFFFF086;
	s6 =	sadd.s32 @!p0 s3, s7;
	s7 =	simm.s32 @!p0 $0x108  }
0x21: {  	s3 =	sadd.s32 s3, s9;
	s6 =	sadd.s32 @!p0 $0x88, s6;
	s7 =	simm.s32 @p2 $0x1082  }
0x22: {  	[simem:s7], [sflag:s8] =	dma.local @!p0 [hbm:s6], $0xF7A  }
0x23: {  	s9 =	sor.u32 $0xD0000000, s2;
	s6 =	simm.s32 $0x108;
	_ =	swait.ge @!p0 [sflag:s8], $0x0  }
0x24: {  	s3 =	sadd.s32 $0x88, s3;
	s6 =	simm.s32 @!p1 $0x1082;
	[sflag:s4] =	ssyncset.s32 $0xFFFFF086  }
0x25: {  	[simem:s6], [sflag:s4] =	dma.local [hbm:s3], $0xF7A  }
0x26: {  	[smem:$0x3F9B] =	sst s1;
	(tag) =	ssettag s2;
	_ =	strace s9  }
0x27: {  	s1 =	sld [smem:$0x3FAB]  }
0x28: {  	s2 =	sld [smem:$0x3FAC]  }
0x29: {  	s4 =	sld [smem:$0x3FAE]  }
0x2a: {  	p0 =	seq.s32 s5, $0x0;
	s5 =	sld [smem:$0x3FAF]  }
0x2b: {  	s6 =	sld [smem:$0x3FB0]  }
0x2c: {  	s7 =	sld [smem:$0x3FB1]  }
0x2d: {  	s3 =	simm.s32 $0x108;
	s8 =	sld [smem:$0x3FB2]  }
0x2e: {  	s3 =	simm.s32 @!p0 $0x1082;
	s9 =	sld [smem:$0x3FB3]  }
0x2f: {  	lr =	sadd.s32 s0, s3;
	s0 =	sld [smem:$0x3FAA]  }
0x30: {  	s3 =	sld [smem:$0x3FAD]  }
0x31: {  	[smem:$0x3FB6] =	sst s10  }
0x32: {  	s10 =	sld [smem:$0x3FB4];
	_ =	sdelay $0x3  }
0x33: {  	p0 =	seq.s32 s10, $0x1;
	s10 =	sld [smem:$0x3FB6];
	_ =	sdelay $0x3  }
0x34: {  	[smem:$0x3FB6] =	sst s10  }
0x35: {  	s10 =	sld [smem:$0x3FB5];
	_ =	sdelay $0x3  }
0x36: {  	p1 =	seq.s32 s10, $0x1;
	s10 =	sld [smem:$0x3FB6];
	_ =	sdelay $0x3  }
0x37: {  	[smem:$0x3FB6] =	sst s10  }
0x38: {  	s10 =	sld [smem:$0x3FB7]  }
0x39: {  	_ = 	snop;
	(pc) =	sbr.ind lr, $3  }
0x3a: {  	_ = 	snop  }
0x3b: {  	_ = 	snop  }
0x3c: {  	p2 =	seq.s32 s10, $0x1;
	s10 =	sld [smem:$0x3FB6]  }
0x3d: {  	_ =	shalt  }
0x3e: {  	_ =	shalt  }
0x3f: {  	_ =	shalt  }
0x40: {  	_ =	shalt  }
0x41: {  	_ =	shalt  }
0x42: {  	_ =	shalt  }
0x43: {  	_ =	shalt  }
0x44: {  	_ =	shalt  }
0x45: {  	_ =	shalt  }
0x46: {  	_ =	shalt  }
0x47: {  	_ =	shalt  }
0x48: {  	_ =	shalt  }
0x49: {  	_ =	shalt  }
0x4a: {  	_ =	shalt  }
0x4b: {  	_ =	shalt  }
0x4c: {  	_ =	shalt  }
0x4d: {  	_ =	shalt  }
0x4e: {  	_ =	shalt  }
0x4f: {  	_ =	shalt  }
0x50: {  	_ =	shalt  }
0x51: {  	_ =	shalt  }
0x52: {  	_ =	shalt  }
0x53: {  	_ =	shalt  }
0x54: {  	_ =	shalt  }
0x55: {  	_ =	shalt  }
0x56: {  	_ =	shalt  }
0x57: {  	_ =	shalt  }
0x58: {  	_ =	shalt  }
0x59: {  	_ =	shalt  }
0x5a: {  	_ =	shalt  }
0x5b: {  	_ =	shalt  }
0x5c: {  	_ =	shalt  }
0x5d: {  	_ =	shalt  }
0x5e: {  	_ =	shalt  }
0x5f: {  	_ =	shalt  }
0x60: {  	_ =	shalt  }
0x61: {  	_ =	shalt  }
0x62: {  	_ =	shalt  }
0x63: {  	_ =	shalt  }
0x64: {  	_ =	shalt  }
0x65: {  	_ =	shalt  }
0x66: {  	_ =	shalt  }
0x67: {  	_ =	shalt  }
0x68: {  	_ =	shalt  }
0x69: {  	_ =	shalt  }
0x6a: {  	_ =	shalt  }
0x6b: {  	_ =	shalt  }
0x6c: {  	_ =	shalt  }
0x6d: {  	_ =	shalt  }
0x6e: {  	_ =	shalt  }
0x6f: {  	_ =	shalt  }
0x70: {  	_ =	shalt  }
0x71: {  	_ =	shalt  }
0x72: {  	_ =	shalt  }
0x73: {  	_ =	shalt  }
0x74: {  	_ =	shalt  }
0x75: {  	_ =	shalt  }
0x76: {  	_ =	shalt  }
0x77: {  	_ =	shalt  }
0x78: {  	_ =	shalt  }
0x79: {  	_ =	shalt  }
0x7a: {  	_ =	shalt  }
0x7b: {  	_ =	shalt  }
0x7c: {  	_ =	shalt  }
0x7d: {  	_ =	shalt  }
0x7e: {  	_ =	shalt  }
0x7f: {  	_ =	shalt  }
0x80: {  	_ =	shalt  }
0x81: {  	_ =	shalt  }
0x82: {  	_ =	shalt  }
0x83: {  	_ =	shalt  }
0x84: {  	_ =	shalt  }
0x85: {  	_ =	shalt  }
0x86: {  	_ =	shalt  }
0x87: {  	_ =	shalt  }
.Lfunc_end0:
.L_simem_size_0:
called_computation.2_lowered:
.L_overlay_start_0:
0x88: {  	s2 =	sld [smem:$0x3FD9]  }
0x89: {  	s3 =	sld [smem:$0x3FFE];
	_ =	sdelay $0x1  }
0x8a: {  	s1 =	srdreg.scid  }
0x8b: {  	s0 =	sand.u32 $0x1, s1  }
0x8c: {  	s17 =	sshll.u32 s0, $0xA;
	s2 =	sadd.s32 s3, s2  }
0x8d: {  	s2 =	sadd.s32 s2, s17  }
0x8e: {  	[smem:$0x3FC2] =	sst s2  }
0x8f: {  	_ = 	snop  }
0x90: {  	s2 =	sld [smem:$0x3FD0];
	(tm) =	ssettm $0x1  }
0x91: {  	s18 =	sld [smem:$0x3FFB];
	_ =	sdelay $0x3  }
0x92: {  	_ =	strace s18  }
0x93: {  	s3 =	sld [smem:$0x3FFC];
	_ =	sdelay $0x3  }
0x94: {  	_ =	strace s3  }
0x95: {  	s3 =	sld [smem:$0x3FFD];
	_ =	sdelay $0x3  }
0x96: {  	_ =	strace s3  }
0x97: {  	_ =	strace $0x8FFFFFFF  }
0x98: {  	s19 =	sld [smem:$0x3FDB];
	_ =	sdelay $0x1  }
0x99: {  	s4 =	simm.s32 $_scs_section_size  }
0x9a: {  	s5 =	simm.s32 $_size__tile_overlayer_lowered;
	s6 =	simm.s32 $_tile_overlayer_lowered  }
0x9b: {  	s22 =	simm.s32 $0x1BFF;
	s21 =	sshll.u32 s6, $0x1;
	s3 =	sadd.s32 s4, s19  }
0x9c: {  	s7 =	simm.s32 $0x0;
	s20 =	sshll.u32 s5, $0x1;
	s5 =	sadd.s32 s21, s3  }
0x9d: {  	[timem:s7], [sflag:s22] =	dma.local [hbm:s5], s20  }
0x9e: {  	_ =	swait.ge [sflag:s22], s20  }
0x9f: {  	s4 =	ssub.s32 $0x0, s20;
	[sflag:s22] =	ssyncset.done $0x0  }
0xa0: {  	[sflag:s22] =	ssyncadd.s32 s4;
	_ =	sdelay $0x1  }
0xa1: {  	s23 =	simm.s32 $0x1B8B  }
0xa2: {  	_ =	swait.ge [sflag:s23], $0x1  }
0xa3: {  	[sflag:s23] =	ssyncset.done $0x0  }
0xa4: {  	s25 =	simm.s32 $0x1B8E;
	s24 =	sld [smem:$0x3FFE];
	[sflag:s23] =	ssyncadd.s32 $0xFFFFFFFF  }
0xa5: {  	s26 =	simm.s32 $execute0_lowered;
	[smem:$0x3FD2] =	sst s25  }
0xa6: {  	s5 =	sshll.u32 s26, $0x1;
	_ =	strace $0x8000004C;
	[dreg:$0x1] =	wrdreg $0xFFFFFFFF  }
0xa7: {  	s28 =	simm.s32 $_size_execute0_lowered;
	s3 =	sadd.s32 s3, s5;
	[dreg:$0x0] =	wrdreg $0x0  }
0xa8: {  	s5 =	sshll.u32 s28, $0x1;
	[dreg:$0x2] =	wrdreg s3  }
0xa9: {  	[dreg:$0x3] =	wrdreg s5  }
0xaa: {  	[dreg:$0x4] =	wrdreg $0xC0  }
0xab: {  	_ =	task [dreg:s7], $0x5FFFF  }
0xac: {  	[dreg:$0x1] =	wrdreg $0xFFFFFFFF  }
0xad: {  	[dreg:$0x0] =	wrdreg $0x60  }
0xae: {  	[dreg:$0x2] =	wrdreg s2  }
0xaf: {  	[dreg:$0x3] =	wrdreg s24  }
0xb0: {  	[dreg:$0x4] =	wrdreg $0x140000  }
0xb1: {  	[dreg:$0x5] =	wrdreg $0x9  }
0xb2: {  	_ =	task.clear_ibuf [dreg:s7], $0x6FFFF;
	_ =	strace $0x9000004C  }
0xb3: {  	s29 =	simm.s32 $0x9;
	_ =	strace $0x8000004E  }
0xb4: {  	_ =	swait.ge [sflag:s29], $0x1  }
0xb5: {  	[sflag:s29] =	ssyncadd.s32 $0xFFFFFFFF  }
0xb6: {  	_ =	strace $0x9000004E  }
0xb7: {  	_ =	sfence  }
0xb8: {  	s30 =	sld [smem:$0x0];
	_ =	sdelay $0x2  }
0xb9: {  	s31 =	sshll.u32 s1, $0xD;
	s1 =	sshrl.u32 s1, $0x2  }
0xba: {  	s3 =	sand.u32 $0x4000, s31;
	s1 =	sadd.s32 s1, s30  }
0xbb: {  	s0 =	sor.u32 s3, s0;
	s1 =	sshll.u32 s1, $0x11  }
0xbc: {  	s0 =	sor.u32 s1, s0  }
0xbd: {  	s0 =	sadd.s32 $0x8F2B, s0  }
0xbe: {  	[sflag:s0] =	ssyncadd.remote.s32 $0x1  }
0xbf: {  	_ =	sfence.sel $0xFFFF  }
0xc0: {  	[dreg:$0x0] =	wrdreg $0xFFFFFFFF;
	(pc) =	sbr.abs _section_cstart, $3  }
0xc1: {  	[dreg:$0x1] =	wrdreg $0xFFFFFFFF  }
0xc2: {  	_ =	task.clear_ibuf [dreg:s7], $0x2FFFF;
	_ =	strace $0x9FFFFFFF  }
0xc3: {  	(tm) =	ssettm $0x7FFFFFFF  }
tec
execute0_lowered:
.L_overlay_start_1:
0x0: {  	(tag) =	ssettag $0x1  }
0x1: {  	s1 =	rddreg [dreg:$0x0]  }
0x2: {  	s0 =	rddreg [dreg:$0x1]  }
0x3: {  	s3 =	rddreg [dreg:$0x2]  }
0x4: {  	s4 =	simm.s32 $0x0;
	s13 =	stileid.u32;
	s5 =	srdreg.scid  }
0x5: {  	s29 =	simm.s32 $0x10000;
	s30 =	simm.s32 $0x1;
	s2 =	smul.u32 $0xA00, s13  }
0x6: {  	s31 =	simm.s32 $0x2;
	s28 =	simm.s32 $0x8;
	s8 =	smul.u32 $0x28000, s13  }
0x7: {  	[smem:$0x7FF] =	sst s4;
	s5 =	sand.u32 $0x1, s5;
	s12 =	smul.u32 $0x280, s13  }
0x8: {  	s6 =	sadd.s32 $0xD400, s0;
	s22 =	smul.u32 $0x14000, s13;
	_ =	strace $0x8000004D  }
0x9: {  	[dreg:$0x4] =	wrdreg s6;
	s16 =	smul.u32 $0xA000, s5;
	s7 =	ssub.s32 $0x2, s5  }
0xa: {  	s5 =	sshll.u32 s5, $0x6;
	s2 =	sadd.s32 s2, s0;
	s0 =	sadd.s32 $0x49600, s0  }
0xb: {  	s9 =	sshrl.u32 s7, $0x1;
	s17 =	sshrl.u32 s8, $0x2;
	s19 =	sadd.s32 $0x80, s12  }
0xc: {  	s15 =	sadd.s32 $0x100, s12;
	s6 =	sadd.s32 s16, s2;
	s18 =	ssub.s32 s7, s9  }
0xd: {  	s2 =	sadd.s32 $0x3400, s2;
	s8 =	sadd.s32 s17, s3;
	s20 =	sshll.u32 s19, $0x6  }
0xe: {  	s16 =	sadd.s32 $0x180, s12;
	s21 =	sshll.u32 s15, $0x6;
	s17 =	sadd.s32 $0x200, s12  }
0xf: {  	s23 =	sshll.u32 s15, $0x7;
	s6 =	sadd.s32 $0x35600, s6;
	[dreg:$0x6] =	wrdreg s2  }
0x10: {  	s9 =	sadd.s32 s20, s3;
	s11 =	sshll.u32 s16, $0x6;
	s10 =	sadd.s32 s21, s3  }
0x11: {  	s2 =	sshll.u32 s19, $0x7;
	s12 =	sshll.u32 s17, $0x6;
	s24 =	sshll.u32 s16, $0x7  }
0x12: {  	s25 =	sshll.u32 s17, $0x7;
	s18 =	smax.u32 s18, $0x1;
	s19 =	simm.s32 $0x5  }
0x13: {  	s21 =	simm.s32 $0x12000;
	s20 =	simm.s32 $0x0;
	[dreg:$0x5] =	wrdreg s6  }
0x14: {  	s11 =	sadd.s32 s11, s3;
	s6 =	sor.u32 s5, s22;
	s2 =	sor.u32 s5, s2  }
0x15: {  	s12 =	sadd.s32 s12, s3;
	s6 =	sshrl.u32 s6, $0x3;
	s2 =	sshrl.u32 s2, $0x3  }
0x16: {  	s22 =	simm.s32 $0x80;
	s13 =	sadd.s32 s0, s6;
	s14 =	sadd.s32 s0, s2  }
0x17: {  	s2 =	sor.u32 s5, s23;
	s6 =	sor.u32 s5, s24;
	s5 =	sor.u32 s5, s25  }
0x18: {  	s23 =	simm.s32 $0xA000;
	s24 =	simm.s32 $0xC000;
	s25 =	simm.s32 $0x10  }
0x19: {  	s2 =	sshrl.u32 s2, $0x3;
	s26 =	sshrl.u32 s6, $0x3;
	s5 =	sshrl.u32 s5, $0x3  }
0x1a: {  	s15 =	sadd.s32 s0, s2;
	s16 =	sadd.s32 s0, s26;
	s17 =	sadd.s32 s0, s5  }
0x1b: {  	s26 =	simm.s32 $0xE000;
	s0 =	simm.s32 $0x3;
	s2 =	simm.s32 $0x4  }
.LBB2_1:
0x1c: {  	s5 =	rddreg [dreg:$0x5]  }
0x1d: {  	[tilespmem:s4], [sflag:$0x5] =	stream.linear.gather [hbm4b:s5+s4], $0x5000, $0x38;
	[tilespmem:$0x1E000] =	vst v63  }
0x1e: {  	_ =	swait.ge [sflag:s19], $0x5000  }
0x1f: {  	[sflag:s19] =	ssyncset.done $0x0  }
0x20: {  	s6 =	simm.s32 $0x5000;
	s7 =	rddreg [dreg:$0x6];
	[sflag:s19] =	ssyncadd.s32 $0xFFFFB000  }
0x21: {  	[tilespmem:s6], [sflag:$0x5] =	stream.linear.gather [hbm4b:s7+s4], $0x5000, $0x38;
	[tilespmem:$0x1E000] =	vst v63  }
0x22: {  	_ =	swait.ge [sflag:s19], $0x5000  }
0x23: {  	[sflag:s19] =	ssyncset.done $0x0  }
0x24: {  	s6 =	rddreg [dreg:$0x4];
	[sflag:s19] =	ssyncadd.s32 $0xFFFFB000  }
0x25: {  	[tilespmem:s21], [sflag:$0x5] =	stream.linear.gather [hbm4b:s6+s4], $0x2000, $0x38;
	[tilespmem:$0x1E000] =	vst v63  }
0x26: {  	_ =	swait.ge [sflag:s19], $0x2000  }
0x27: {  	[sflag:s19] =	ssyncset.done $0x0  }
0x28: {  	[sflag:s19] =	ssyncadd.s32 $0xFFFFE000  }
0x29: {  	[spmem:s8] =	stream.linear.scatter [tilespmem:s21], [sflag:$0x5], $0x2000, $0x38;
	[tilespmem:$0x1E000] =	vst v63  }
0x2a: {  	_ =	swait.ge [sflag:s19], $0x2000  }
0x2b: {  	[sflag:s19] =	ssyncset.done $0x0  }
0x2c: {  	[sflag:s19] =	ssyncadd.s32 $0xFFFFE000  }
0x2d: {  	[spmem:s9] =	stream.linear.scatter [tilespmem:s21], [sflag:$0x5], $0x2000, $0x38;
	[tilespmem:$0x1E000] =	vst v63  }
0x2e: {  	_ =	swait.ge [sflag:s19], $0x2000  }
0x2f: {  	[sflag:s19] =	ssyncset.done $0x0  }
0x30: {  	[sflag:s19] =	ssyncadd.s32 $0xFFFFE000  }
0x31: {  	[spmem:s10] =	stream.linear.scatter [tilespmem:s21], [sflag:$0x5], $0x2000, $0x38;
	[tilespmem:$0x1E000] =	vst v63  }
0x32: {  	_ =	swait.ge [sflag:s19], $0x2000  }
0x33: {  	[sflag:s19] =	ssyncset.done $0x0  }
0x34: {  	[sflag:s19] =	ssyncadd.s32 $0xFFFFE000  }
0x35: {  	[spmem:s11] =	stream.linear.scatter [tilespmem:s21], [sflag:$0x5], $0x2000, $0x38;
	[tilespmem:$0x1E000] =	vst v63  }
0x36: {  	_ =	swait.ge [sflag:s19], $0x2000  }
0x37: {  	[sflag:s19] =	ssyncset.done $0x0  }
0x38: {  	[sflag:s19] =	ssyncadd.s32 $0xFFFFE000  }
0x39: {  	[spmem:s12] =	stream.linear.scatter [tilespmem:s21], [sflag:$0x5], $0x2000, $0x38;
	[tilespmem:$0x1E000] =	vst v63  }
0x3a: {  	_ =	swait.ge [sflag:s19], $0x2000  }
0x3b: {  	[sflag:s19] =	ssyncset.done $0x0  }
0x3c: {  	[sflag:s19] =	ssyncadd.s32 $0xFFFFE000  }
0x3d: {  	[bflag:$0x0] =	sbarrier.arrive $0xFFFF  }
0x3e: {  	[tilespmem:s23], [sflag:$0x1] =	stream.indirect.gather [hbm4b:s1+s22], $0x40, s4, s22, $0xb8;
	[tilespmem:$0x1E000] =	vst v63  }
0x3f: {  	_ = 	snop  }
0x40: {  	[tilespmem:s24], [sflag:$0x2] =	stream.indirect.gather [hbm4b:s1+s22], $0x40, s22, s22, $0xb8;
	[tilespmem:$0x1E000] =	vst v63  }
0x41: {  	s7 =	simm.s32 $0x100  }
0x42: {  	[tilespmem:s26], [sflag:$0x3] =	stream.indirect.gather [hbm4b:s1+s22], $0x40, s7, s22, $0xb8;
	[tilespmem:$0x1E000] =	vst v63  }
0x43: {  	s6 =	simm.s32 $0x180  }
0x44: {  	[tilespmem:s29], [sflag:$0x4] =	stream.indirect.gather [hbm4b:s1+s22], $0x40, s6, s22, $0xb8;
	[tilespmem:$0x1E000] =	vst v63  }
0x45: {  	_ =	swait.ge [sflag:s30], $0x2000  }
0x46: {  	[sflag:s30] =	ssyncset.done $0x0  }
0x47: {  	s7 =	simm.s32 $0x5000;
	[sflag:s30] =	ssyncadd.s32 $0xFFFFE000  }
0x48: {  	[spmem:s3] =	stream.indirect.scatter.add.f32 [tilespmem:s23], [sflag:$0x5], $0x40, s7, s22, $0xb8;
	[tilespmem:$0x1E000] =	vst v63  }
0x49: {  	_ =	swait.ge [sflag:s19], $0x2000  }
0x4a: {  	[sflag:s19] =	ssyncset.done $0x0  }
0x4b: {  	s6 =	simm.s32 $0x200;
	[sflag:s19] =	ssyncadd.s32 $0xFFFFE000  }
0x4c: {  	[tilespmem:s23], [sflag:$0x1] =	stream.indirect.gather [hbm4b:s1+s22], $0x40, s6, s22, $0xb8;
	[tilespmem:$0x1E000] =	vst v63  }
0x4d: {  	_ =	swait.ge [sflag:s31], $0x2000  }
0x4e: {  	[sflag:s31] =	ssyncset.done $0x0  }
0x4f: {  	s7 =	simm.s32 $0x5080;
	[sflag:s31] =	ssyncadd.s32 $0xFFFFE000  }
0x50: {  	[spmem:s3] =	stream.indirect.scatter.add.f32 [tilespmem:s24], [sflag:$0x5], $0x40, s7, s22, $0xb8;
	[tilespmem:$0x1E000] =	vst v63  }
0x51: {  	_ =	swait.ge [sflag:s19], $0x2000  }
0x52: {  	[sflag:s19] =	ssyncset.done $0x0  }
0x53: {  	s6 =	simm.s32 $0x280;
	[sflag:s19] =	ssyncadd.s32 $0xFFFFE000  }
0x54: {  	[tilespmem:s24], [sflag:$0x2] =	stream.indirect.gather [hbm4b:s1+s22], $0x40, s6, s22, $0xb8;
	[tilespmem:$0x1E000] =	vst v63  }
0x55: {  	_ =	swait.ge [sflag:s0], $0x2000  }
0x56: {  	[sflag:s0] =	ssyncset.done $0x0  }
0x57: {  	s7 =	simm.s32 $0x5100;
	[sflag:s0] =	ssyncadd.s32 $0xFFFFE000  }
0x58: {  	[spmem:s3] =	stream.indirect.scatter.add.f32 [tilespmem:s26], [sflag:$0x5], $0x40, s7, s22, $0xb8;
	[tilespmem:$0x1E000] =	vst v63  }
0x59: {  	_ =	swait.ge [sflag:s19], $0x2000  }
0x5a: {  	[sflag:s19] =	ssyncset.done $0x0  }
0x5b: {  	s6 =	simm.s32 $0x300;
	[sflag:s19] =	ssyncadd.s32 $0xFFFFE000  }
0x5c: {  	[tilespmem:s26], [sflag:$0x3] =	stream.indirect.gather [hbm4b:s1+s22], $0x40, s6, s22, $0xb8;
	[tilespmem:$0x1E000] =	vst v63  }
0x5d: {  	_ =	swait.ge [sflag:s2], $0x2000  }
0x5e: {  	[sflag:s2] =	ssyncset.done $0x0  }
0x5f: {  	s7 =	simm.s32 $0x5180;
	[sflag:s2] =	ssyncadd.s32 $0xFFFFE000  }
0x60: {  	[spmem:s3] =	stream.indirect.scatter.add.f32 [tilespmem:s29], [sflag:$0x5], $0x40, s7, s22, $0xb8;
	[tilespmem:$0x1E000] =	vst v63  }
0x61: {  	_ =	swait.ge [sflag:s19], $0x2000  }
0x62: {  	[sflag:s19] =	ssyncset.done $0x0  }
0x63: {  	s5 =	simm.s32 $0x800;
	s6 =	simm.s32 $0x380;
	[sflag:s19] =	ssyncadd.s32 $0xFFFFE000  }
.LBB2_2:
0x64: {  	[tilespmem:s29], [sflag:$0x4] =	stream.indirect.gather [hbm4b:s1+s22], $0x40, s6, s22, $0xb8;
	[tilespmem:$0x1E000] =	vst v63  }
0x65: {  	s6 =	smov.u32 s5  }
0x66: {  	p0 =	sne.s32 s5, $0x13000;
	s5 =	sadd.s32 $0x800, s5;
	_ =	swait.ge [sflag:s30], $0x2000  }
0x67: {  	s6 =	sshra.s32 s6, $0x2;
	[sflag:s30] =	ssyncset.done $0x0  }
0x68: {  	s7 =	sadd.s32 $0x5000, s6;
	[sflag:s30] =	ssyncadd.s32 $0xFFFFE000  }
0x69: {  	[spmem:s3] =	stream.indirect.scatter.add.f32 [tilespmem:s23], [sflag:$0x5], $0x40, s7, s22, $0xb8;
	[tilespmem:$0x1E000] =	vst v63  }
0x6a: {  	_ =	swait.ge [sflag:s19], $0x2000  }
0x6b: {  	[sflag:s19] =	ssyncset.done $0x0  }
0x6c: {  	s7 =	sadd.s32 $0x200, s6;
	[sflag:s19] =	ssyncadd.s32 $0xFFFFE000  }
0x6d: {  	[tilespmem:s23], [sflag:$0x1] =	stream.indirect.gather [hbm4b:s1+s22], $0x40, s7, s22, $0xb8;
	[tilespmem:$0x1E000] =	vst v63  }
0x6e: {  	_ =	swait.ge [sflag:s31], $0x2000  }
0x6f: {  	[sflag:s31] =	ssyncset.done $0x0  }
0x70: {  	s7 =	sadd.s32 $0x5080, s6;
	[sflag:s31] =	ssyncadd.s32 $0xFFFFE000  }
0x71: {  	[spmem:s3] =	stream.indirect.scatter.add.f32 [tilespmem:s24], [sflag:$0x5], $0x40, s7, s22, $0xb8;
	[tilespmem:$0x1E000] =	vst v63  }
0x72: {  	_ =	swait.ge [sflag:s19], $0x2000  }
0x73: {  	[sflag:s19] =	ssyncset.done $0x0  }
0x74: {  	s7 =	sadd.s32 $0x280, s6;
	[sflag:s19] =	ssyncadd.s32 $0xFFFFE000  }
0x75: {  	[tilespmem:s24], [sflag:$0x2] =	stream.indirect.gather [hbm4b:s1+s22], $0x40, s7, s22, $0xb8;
	[tilespmem:$0x1E000] =	vst v63  }
0x76: {  	_ =	swait.ge [sflag:s0], $0x2000  }
0x77: {  	[sflag:s0] =	ssyncset.done $0x0  }
0x78: {  	s7 =	sadd.s32 $0x5100, s6;
	[sflag:s0] =	ssyncadd.s32 $0xFFFFE000  }
0x79: {  	[spmem:s3] =	stream.indirect.scatter.add.f32 [tilespmem:s26], [sflag:$0x5], $0x40, s7, s22, $0xb8;
	[tilespmem:$0x1E000] =	vst v63  }
0x7a: {  	_ =	swait.ge [sflag:s19], $0x2000  }
0x7b: {  	[sflag:s19] =	ssyncset.done $0x0  }
0x7c: {  	s7 =	sadd.s32 $0x300, s6;
	[sflag:s19] =	ssyncadd.s32 $0xFFFFE000  }
0x7d: {  	[tilespmem:s26], [sflag:$0x3] =	stream.indirect.gather [hbm4b:s1+s22], $0x40, s7, s22, $0xb8;
	[tilespmem:$0x1E000] =	vst v63  }
0x7e: {  	_ =	swait.ge [sflag:s2], $0x2000  }
0x7f: {  	[sflag:s2] =	ssyncset.done $0x0  }
.Ltmp0:
0x80: {  	s7 =	sadd.s32 $0x5180, s6;
	[sflag:s2] =	ssyncadd.s32 $0xFFFFE000;
	(pc) =	sbr.rel @p0 .LBB2_2-.Ltmp0, $4  }
0x81: {  	[spmem:s3] =	stream.indirect.scatter.add.f32 [tilespmem:s29], [sflag:$0x5], $0x40, s7, s22, $0xb8;
	[tilespmem:$0x1E000] =	vst v63  }
0x82: {  	_ =	swait.ge [sflag:s19], $0x2000  }
0x83: {  	[sflag:s19] =	ssyncset.done $0x0  }
0x84: {  	s6 =	sadd.s32 $0x380, s6;
	[sflag:s19] =	ssyncadd.s32 $0xFFFFE000  }
0x85: {  	[tilespmem:s29], [sflag:$0x4] =	stream.indirect.gather [hbm4b:s1+s22], $0x40, s6, s22, $0xb8;
	[tilespmem:$0x1E000] =	vst v63  }
0x86: {  	_ =	swait.ge [sflag:s30], $0x2000  }
0x87: {  	[sflag:s30] =	ssyncset.done $0x0  }
0x88: {  	s5 =	simm.s32 $0x9E00;
	[sflag:s30] =	ssyncadd.s32 $0xFFFFE000  }
0x89: {  	[spmem:s3] =	stream.indirect.scatter.add.f32 [tilespmem:s23], [sflag:$0x5], $0x40, s5, s22, $0xb8;
	[tilespmem:$0x1E000] =	vst v63  }
0x8a: {  	_ =	swait.ge [sflag:s19], $0x2000  }
0x8b: {  	[sflag:s19] =	ssyncset.done $0x0  }
0x8c: {  	[sflag:s19] =	ssyncadd.s32 $0xFFFFE000  }
0x8d: {  	_ =	swait.ge [sflag:s31], $0x2000  }
0x8e: {  	[sflag:s31] =	ssyncset.done $0x0  }
0x8f: {  	s7 =	simm.s32 $0x9E80;
	[sflag:s31] =	ssyncadd.s32 $0xFFFFE000  }
0x90: {  	[spmem:s3] =	stream.indirect.scatter.add.f32 [tilespmem:s24], [sflag:$0x5], $0x40, s7, s22, $0xb8;
	[tilespmem:$0x1E000] =	vst v63  }
0x91: {  	_ =	swait.ge [sflag:s19], $0x2000  }
0x92: {  	[sflag:s19] =	ssyncset.done $0x0  }
0x93: {  	[sflag:s19] =	ssyncadd.s32 $0xFFFFE000  }
0x94: {  	_ =	swait.ge [sflag:s0], $0x2000  }
0x95: {  	[sflag:s0] =	ssyncset.done $0x0  }
0x96: {  	s6 =	simm.s32 $0x9F00;
	[sflag:s0] =	ssyncadd.s32 $0xFFFFE000  }
0x97: {  	[spmem:s3] =	stream.indirect.scatter.add.f32 [tilespmem:s26], [sflag:$0x5], $0x40, s6, s22, $0xb8;
	[tilespmem:$0x1E000] =	vst v63  }
0x98: {  	_ =	swait.ge [sflag:s19], $0x2000  }
0x99: {  	[sflag:s19] =	ssyncset.done $0x0  }
0x9a: {  	[sflag:s19] =	ssyncadd.s32 $0xFFFFE000  }
0x9b: {  	_ =	swait.ge [sflag:s2], $0x2000  }
0x9c: {  	[sflag:s2] =	ssyncset.done $0x0  }
0x9d: {  	s7 =	simm.s32 $0x9F80;
	[sflag:s2] =	ssyncadd.s32 $0xFFFFE000  }
0x9e: {  	[spmem:s3] =	stream.indirect.scatter.add.f32 [tilespmem:s29], [sflag:$0x5], $0x40, s7, s22, $0xb8;
	[tilespmem:$0x1E000] =	vst v63  }
0x9f: {  	_ =	swait.ge [sflag:s19], $0x2000  }
0xa0: {  	s6 =	stileid.u32;
	[sflag:s19] =	ssyncset.done $0x0  }
0xa1: {  	s5 =	sshll.u32 s6, $0x6;
	[sflag:s19] =	ssyncadd.s32 $0xFFFFE000  }
0xa2: {  	s5 =	sor.u32 $0x1C05, s5;
	s7 =	sshrl.u32 s8, $0x3;
	[bflag:$0x0] =	sbarrier.arrive $0xFFFF  }
0xa3: {  	[hbm:s13@s25], [sflag:s5] =	dma.strided [spmem:s7@s28], $0x400, s30, $0x8   }
0xa4: {  	_ =	swait.ge [sflag:s19], $0x400  }
0xa5: {  	[sflag:s19] =	ssyncset.done $0x0  }
0xa6: {  	s7 =	sshrl.u32 s9, $0x3;
	[sflag:s19] =	ssyncadd.s32 $0xFFFFFC00  }
0xa7: {  	[hbm:s14@s25], [sflag:s5] =	dma.strided [spmem:s7@s28], $0x400, s30, $0x8   }
0xa8: {  	_ =	swait.ge [sflag:s19], $0x400  }
0xa9: {  	[sflag:s19] =	ssyncset.done $0x0  }
0xaa: {  	s7 =	sshrl.u32 s10, $0x3;
	[sflag:s19] =	ssyncadd.s32 $0xFFFFFC00  }
0xab: {  	[hbm:s15@s25], [sflag:s5] =	dma.strided [spmem:s7@s28], $0x400, s30, $0x8   }
0xac: {  	_ =	swait.ge [sflag:s19], $0x400  }
0xad: {  	[sflag:s19] =	ssyncset.done $0x0  }
0xae: {  	s7 =	sshrl.u32 s11, $0x3;
	[sflag:s19] =	ssyncadd.s32 $0xFFFFFC00  }
0xaf: {  	[hbm:s16@s25], [sflag:s5] =	dma.strided [spmem:s7@s28], $0x400, s30, $0x8   }
0xb0: {  	s20 =	sadd.s32 $0x1, s20;
	_ =	swait.ge [sflag:s19], $0x400  }
0xb1: {  	p0 =	sne.s32 s20, s18;
	[sflag:s19] =	ssyncset.done $0x0  }
.Ltmp1:
0xb2: {  	s7 =	sshrl.u32 s12, $0x3;
	[sflag:s19] =	ssyncadd.s32 $0xFFFFFC00;
	(pc) =	sbr.rel @p0 .LBB2_1-.Ltmp1, $4  }
0xb3: {  	[hbm:s17@s25], [sflag:s5] =	dma.strided [spmem:s7@s28], $0x400, s30, $0x8   }
0xb4: {  	_ =	swait.ge [sflag:s19], $0x400  }
0xb5: {  	[sflag:s19] =	ssyncset.done $0x0  }
0xb6: {  	[sflag:s19] =	ssyncadd.s32 $0xFFFFFC00  }
0xb7: {  	_ =	sfence.sel $0x180000  }
0xb8: {  	[bflag:$0x0] =	sbarrier.arrive $0xFFFF  }
0xb9: {  	_ =	strace $0x9000004D  }
0xba: {  	s0 =	stileid.u32;
	[bflag:$0x2] =	sbarrier.arrive $0xFFFF  }
0xbb: {  	p0 =	sne.s32 s0, $0x0;
	s0 =	rddreg [dreg:$0x3]  }
0xbc: {  	s0 =	sadd.s32 @!p0 $0x100000, s0  }
0xbd: {  	[sflag:s0] =	ssyncadd.tile.s32 @!p0 $0x1;
	_ =	shalt  }
.Lfunc_end2:
_tile_overlayer_lowered:
.L_overlay_start_2:
0xbe: {  	(tag) =	ssettag $0x2  }
0xbf: {  	s0 =	rddreg [dreg:$0x0];
	s2 =	stileid.u32  }
0xc0: {  	s1 =	rddreg [dreg:$0x1];
	p0 =	sne.s32 s2, $0x0  }
0xc1: {  	s3 =	rddreg [dreg:$0x2];
	[bflag:$0x3] =	sbarrier.arrive $0xFFFF;
	s2 =	simm.s32 @!p0 $0x1C05  }
0xc2: {  	[timem:s3], [sflag:s2] =	dma.local @!p0 [hbm:s0], s1  }
0xc3: {  	s0 =	simm.s32 @!p0 $0x5  }
0xc4: {  	_ =	swait.ge @!p0 [sflag:s0], s1  }
0xc5: {  	s1 =	ssub.s32 @!p0 $0x0, s1;
	[sflag:s0] =	ssyncset.done @!p0 $0x0  }
0xc6: {  	[sflag:s0] =	ssyncadd.s32 @!p0 s1  }
0xc7: {  	[bflag:$0x3] =	sbarrier.arrive $0xFFFF  }
0xc8: {  	_ =	shalt  }

// kernel: kernel.8.cloned.1.call-start
scs
__scs_entry_jumppad:
0x0: {  	(pc) =	sbr.rel $0x88, $3  }
0x1: {  	(tag) =	ssettag $0x0;
	lr =	simm.s32 $0x1  }
0x2: {  	[smem:$0x3F9B] =	sst lr;
	_ =	strace $0xD0000000  }
0x3: {  	_ = 	snop  }
0x4: {  	_ = 	snop  }
0x5: {  	_ = 	snop  }
0x6: {  	_ = 	snop  }
0x7: {  	_ = 	snop  }
__scs_overlays_trampoline_lowered:
0x8: {  	[smem:$0x3FAA] =	sst s0  }
0x9: {  	[smem:$0x3FAB] =	sst s1  }
0xa: {  	[smem:$0x3FAC] =	sst s2  }
0xb: {  	[smem:$0x3FAD] =	sst s3  }
0xc: {  	[smem:$0x3FAE] =	sst s4  }
0xd: {  	[smem:$0x3FAF] =	sst s5  }
0xe: {  	[smem:$0x3FB0] =	sst s6  }
0xf: {  	[smem:$0x3FB1] =	sst s7  }
0x10: {  	[smem:$0x3FB2] =	sst s8  }
0x11: {  	[smem:$0x3FB3] =	sst s9;
	s0 =	simm.s32 @!p0 $0x0  }
0x12: {  	s1 =	sld [smem:$0x3F99];
	s0 =	simm.s32 @p0 $0x1  }
0x13: {  	[smem:$0x3FB4] =	sst s0;
	s0 =	simm.s32 @!p1 $0x0  }
0x14: {  	s2 =	sld [smem:$0x3F98];
	s0 =	simm.s32 @p1 $0x1  }
0x15: {  	[smem:$0x3FB5] =	sst s0;
	s0 =	simm.s32 @!p2 $0x0  }
0x16: {  	s3 =	sld [smem:$0x3FDB];
	s0 =	simm.s32 @p2 $0x1  }
0x17: {  	s4 =	simm.s32 $0x1BF5;
	[smem:$0x3FB7] =	sst s0  }
0x18: {  	s0 =	sld [smem:$0x3F9A];
	_ =	swait.ge [sflag:s4], $0x0  }
0x19: {  	s7 =	sld [smem:$0x3F9B]  }
0x1a: {  	s8 =	sadd.s32 $0xFFFFE003, lr  }
0x1b: {  	s9 =	sadd.s32 $0xFFFFFEF7, lr;
	s5 =	simm.s32 $0xFFFFFFFF;
	p2 =	slt.u32 s8, $0xFFFFF086  }
0x1c: {  	p1 =	slt.u32 s9, $0xF7A;
	s5 =	simm.s32 @!p2 $0x0  }
0x1d: {  	s5 =	simm.s32 @p1 $0x1;
	p0 =	seq.s32 s7, s2  }
0x1e: {  	s7 =	smul.u32 @!p0 $0xF7A, s2;
	p2 =	seq.s32 @!p0 s5, $0x0  }
0x1f: {  	s9 =	smul.u32 $0xF7A, s1;
	s8 =	simm.s32 @!p0 $0x1BF5;
	p2 =	por !p2, p0  }
0x20: {  	[sflag:s8] =	ssyncset.s32 @!p0 $0xFFFFF086;
	s6 =	sadd.s32 @!p0 s3, s7;
	s7 =	simm.s32 @!p0 $0x108  }
0x21: {  	s3 =	sadd.s32 s3, s9;
	s6 =	sadd.s32 @!p0 $0x88, s6;
	s7 =	simm.s32 @p2 $0x1082  }
0x22: {  	[simem:s7], [sflag:s8] =	dma.local @!p0 [hbm:s6], $0xF7A  }
0x23: {  	s9 =	sor.u32 $0xD0000000, s2;
	s6 =	simm.s32 $0x108;
	_ =	swait.ge @!p0 [sflag:s8], $0x0  }
0x24: {  	s3 =	sadd.s32 $0x88, s3;
	s6 =	simm.s32 @!p1 $0x1082;
	[sflag:s4] =	ssyncset.s32 $0xFFFFF086  }
0x25: {  	[simem:s6], [sflag:s4] =	dma.local [hbm:s3], $0xF7A  }
0x26: {  	[smem:$0x3F9B] =	sst s1;
	(tag) =	ssettag s2;
	_ =	strace s9  }
0x27: {  	s1 =	sld [smem:$0x3FAB]  }
0x28: {  	s2 =	sld [smem:$0x3FAC]  }
0x29: {  	s4 =	sld [smem:$0x3FAE]  }
0x2a: {  	p0 =	seq.s32 s5, $0x0;
	s5 =	sld [smem:$0x3FAF]  }
0x2b: {  	s6 =	sld [smem:$0x3FB0]  }
0x2c: {  	s7 =	sld [smem:$0x3FB1]  }
0x2d: {  	s3 =	simm.s32 $0x108;
	s8 =	sld [smem:$0x3FB2]  }
0x2e: {  	s3 =	simm.s32 @!p0 $0x1082;
	s9 =	sld [smem:$0x3FB3]  }
0x2f: {  	lr =	sadd.s32 s0, s3;
	s0 =	sld [smem:$0x3FAA]  }
0x30: {  	s3 =	sld [smem:$0x3FAD]  }
0x31: {  	[smem:$0x3FB6] =	sst s10  }
0x32: {  	s10 =	sld [smem:$0x3FB4];
	_ =	sdelay $0x3  }
0x33: {  	p0 =	seq.s32 s10, $0x1;
	s10 =	sld [smem:$0x3FB6];
	_ =	sdelay $0x3  }
0x34: {  	[smem:$0x3FB6] =	sst s10  }
0x35: {  	s10 =	sld [smem:$0x3FB5];
	_ =	sdelay $0x3  }
0x36: {  	p1 =	seq.s32 s10, $0x1;
	s10 =	sld [smem:$0x3FB6];
	_ =	sdelay $0x3  }
0x37: {  	[smem:$0x3FB6] =	sst s10  }
0x38: {  	s10 =	sld [smem:$0x3FB7]  }
0x39: {  	_ = 	snop;
	(pc) =	sbr.ind lr, $3  }
0x3a: {  	_ = 	snop  }
0x3b: {  	_ = 	snop  }
0x3c: {  	p2 =	seq.s32 s10, $0x1;
	s10 =	sld [smem:$0x3FB6]  }
0x3d: {  	_ =	shalt  }
0x3e: {  	_ =	shalt  }
0x3f: {  	_ =	shalt  }
0x40: {  	_ =	shalt  }
0x41: {  	_ =	shalt  }
0x42: {  	_ =	shalt  }
0x43: {  	_ =	shalt  }
0x44: {  	_ =	shalt  }
0x45: {  	_ =	shalt  }
0x46: {  	_ =	shalt  }
0x47: {  	_ =	shalt  }
0x48: {  	_ =	shalt  }
0x49: {  	_ =	shalt  }
0x4a: {  	_ =	shalt  }
0x4b: {  	_ =	shalt  }
0x4c: {  	_ =	shalt  }
0x4d: {  	_ =	shalt  }
0x4e: {  	_ =	shalt  }
0x4f: {  	_ =	shalt  }
0x50: {  	_ =	shalt  }
0x51: {  	_ =	shalt  }
0x52: {  	_ =	shalt  }
0x53: {  	_ =	shalt  }
0x54: {  	_ =	shalt  }
0x55: {  	_ =	shalt  }
0x56: {  	_ =	shalt  }
0x57: {  	_ =	shalt  }
0x58: {  	_ =	shalt  }
0x59: {  	_ =	shalt  }
0x5a: {  	_ =	shalt  }
0x5b: {  	_ =	shalt  }
0x5c: {  	_ =	shalt  }
0x5d: {  	_ =	shalt  }
0x5e: {  	_ =	shalt  }
0x5f: {  	_ =	shalt  }
0x60: {  	_ =	shalt  }
0x61: {  	_ =	shalt  }
0x62: {  	_ =	shalt  }
0x63: {  	_ =	shalt  }
0x64: {  	_ =	shalt  }
0x65: {  	_ =	shalt  }
0x66: {  	_ =	shalt  }
0x67: {  	_ =	shalt  }
0x68: {  	_ =	shalt  }
0x69: {  	_ =	shalt  }
0x6a: {  	_ =	shalt  }
0x6b: {  	_ =	shalt  }
0x6c: {  	_ =	shalt  }
0x6d: {  	_ =	shalt  }
0x6e: {  	_ =	shalt  }
0x6f: {  	_ =	shalt  }
0x70: {  	_ =	shalt  }
0x71: {  	_ =	shalt  }
0x72: {  	_ =	shalt  }
0x73: {  	_ =	shalt  }
0x74: {  	_ =	shalt  }
0x75: {  	_ =	shalt  }
0x76: {  	_ =	shalt  }
0x77: {  	_ =	shalt  }
0x78: {  	_ =	shalt  }
0x79: {  	_ =	shalt  }
0x7a: {  	_ =	shalt  }
0x7b: {  	_ =	shalt  }
0x7c: {  	_ =	shalt  }
0x7d: {  	_ =	shalt  }
0x7e: {  	_ =	shalt  }
0x7f: {  	_ =	shalt  }
0x80: {  	_ =	shalt  }
0x81: {  	_ =	shalt  }
0x82: {  	_ =	shalt  }
0x83: {  	_ =	shalt  }
0x84: {  	_ =	shalt  }
0x85: {  	_ =	shalt  }
0x86: {  	_ =	shalt  }
0x87: {  	_ =	shalt  }
.Lfunc_end0:
.L_simem_size_0:
called_computation_lowered:
.L_overlay_start_0:
0x88: {  	s2 =	sld [smem:$0x3FD9]  }
0x89: {  	s3 =	sld [smem:$0x3FFE];
	_ =	sdelay $0x1  }
0x8a: {  	s1 =	srdreg.scid  }
0x8b: {  	s0 =	sand.u32 $0x1, s1  }
0x8c: {  	s17 =	sshll.u32 s0, $0xA;
	s2 =	sadd.s32 s3, s2  }
0x8d: {  	s2 =	sadd.s32 s2, s17  }
0x8e: {  	[smem:$0x3FC2] =	sst s2  }
0x8f: {  	_ = 	snop  }
0x90: {  	s2 =	sld [smem:$0x3FD0];
	(tm) =	ssettm $0x1  }
0x91: {  	s18 =	sld [smem:$0x3FFB];
	_ =	sdelay $0x3  }
0x92: {  	_ =	strace s18  }
0x93: {  	s3 =	sld [smem:$0x3FFC];
	_ =	sdelay $0x3  }
0x94: {  	_ =	strace s3  }
0x95: {  	s3 =	sld [smem:$0x3FFD];
	_ =	sdelay $0x3  }
0x96: {  	_ =	strace s3  }
0x97: {  	_ =	strace $0x8FFFFFFF  }
0x98: {  	s19 =	sld [smem:$0x3FDB];
	_ =	sdelay $0x1  }
0x99: {  	s4 =	simm.s32 $_scs_section_size  }
0x9a: {  	s5 =	simm.s32 $_size__tile_overlayer_lowered;
	s6 =	simm.s32 $_tile_overlayer_lowered  }
0x9b: {  	s22 =	simm.s32 $0x1BFF;
	s21 =	sshll.u32 s6, $0x1;
	s3 =	sadd.s32 s4, s19  }
0x9c: {  	s7 =	simm.s32 $0x0;
	s20 =	sshll.u32 s5, $0x1;
	s5 =	sadd.s32 s21, s3  }
0x9d: {  	[timem:s7], [sflag:s22] =	dma.local [hbm:s5], s20  }
0x9e: {  	_ =	swait.ge [sflag:s22], s20  }
0x9f: {  	s4 =	ssub.s32 $0x0, s20;
	[sflag:s22] =	ssyncset.done $0x0  }
0xa0: {  	[sflag:s22] =	ssyncadd.s32 s4;
	_ =	sdelay $0x1  }
0xa1: {  	s23 =	simm.s32 $0x1B8B  }
0xa2: {  	_ =	swait.ge [sflag:s23], $0x1  }
0xa3: {  	[sflag:s23] =	ssyncset.done $0x0  }
0xa4: {  	s25 =	simm.s32 $0x1B8E;
	s24 =	sld [smem:$0x3FFE];
	[sflag:s23] =	ssyncadd.s32 $0xFFFFFFFF  }
0xa5: {  	s26 =	simm.s32 $execute0_lowered;
	[smem:$0x3FD2] =	sst s25  }
0xa6: {  	s5 =	sshll.u32 s26, $0x1;
	_ =	strace $0x80000046;
	[dreg:$0x1] =	wrdreg $0xFFFFFFFF  }
0xa7: {  	s28 =	simm.s32 $_size_execute0_lowered;
	s3 =	sadd.s32 s3, s5;
	[dreg:$0x0] =	wrdreg $0x0  }
0xa8: {  	s5 =	sshll.u32 s28, $0x1;
	[dreg:$0x2] =	wrdreg s3  }
0xa9: {  	[dreg:$0x3] =	wrdreg s5  }
0xaa: {  	[dreg:$0x4] =	wrdreg $0xC0  }
0xab: {  	_ =	task [dreg:s7], $0x5FFFF  }
0xac: {  	[dreg:$0x1] =	wrdreg $0xFFFFFFFF  }
0xad: {  	[dreg:$0x0] =	wrdreg $0x60  }
0xae: {  	[dreg:$0x2] =	wrdreg s24  }
0xaf: {  	[dreg:$0x3] =	wrdreg s2  }
0xb0: {  	[dreg:$0x4] =	wrdreg $0x38000  }
0xb1: {  	[dreg:$0x5] =	wrdreg $0x9  }
0xb2: {  	_ =	task.clear_ibuf [dreg:s7], $0x6FFFF;
	_ =	strace $0x90000046  }
0xb3: {  	s29 =	simm.s32 $0x9;
	_ =	strace $0x80000048  }
0xb4: {  	_ =	swait.ge [sflag:s29], $0x1  }
0xb5: {  	[sflag:s29] =	ssyncadd.s32 $0xFFFFFFFF  }
0xb6: {  	_ =	strace $0x90000048  }
0xb7: {  	_ =	sfence  }
0xb8: {  	s30 =	sld [smem:$0x0];
	_ =	sdelay $0x2  }
0xb9: {  	s31 =	sshll.u32 s1, $0xD;
	s1 =	sshrl.u32 s1, $0x2  }
0xba: {  	s3 =	sand.u32 $0x4000, s31;
	s1 =	sadd.s32 s1, s30  }
0xbb: {  	s0 =	sor.u32 s3, s0;
	s1 =	sshll.u32 s1, $0x11  }
0xbc: {  	s0 =	sor.u32 s1, s0  }
0xbd: {  	s0 =	sadd.s32 $0x8F2B, s0  }
0xbe: {  	[sflag:s0] =	ssyncadd.remote.s32 $0x1  }
0xbf: {  	_ =	sfence.sel $0xFFFF  }
0xc0: {  	[dreg:$0x0] =	wrdreg $0xFFFFFFFF;
	(pc) =	sbr.abs _section_cstart, $3  }
0xc1: {  	[dreg:$0x1] =	wrdreg $0xFFFFFFFF  }
0xc2: {  	_ =	task.clear_ibuf [dreg:s7], $0x2FFFF;
	_ =	strace $0x9FFFFFFF  }
0xc3: {  	(tm) =	ssettm $0x7FFFFFFF  }
tec
execute0_lowered:
.L_overlay_start_1:
0x0: {  	(tag) =	ssettag $0x1  }
0x1: {  	s1 =	rddreg [dreg:$0x0]  }
0x2: {  	s3 =	srdreg.scid;
	s0 =	stileid.u32  }
0x3: {  	s4 =	simm.s32 $0x0;
	s28 =	simm.s32 $0x4;
	s5 =	smul.u32 $0x5000, s0  }
0x4: {  	s29 =	simm.s32 $0x10;
	s30 =	simm.s32 $0x0;
	s8 =	smul.u32 $0xA000, s0  }
0x5: {  	s11 =	sand.u32 $0x1, s3;
	s3 =	rddreg [dreg:$0x2];
	s12 =	smul.u32 $0x280, s0  }
0x6: {  	[smem:$0x7FF] =	sst s4;
	s16 =	smul.u32 $0x14000, s0;
	s7 =	ssub.s32 $0x2, s11  }
0x7: {  	s6 =	smul.u32 $0x2800, s11;
	_ =	strace $0x80000047;
	s9 =	sshrl.u32 s7, $0x1  }
0x8: {  	s19 =	sshrl.u32 s8, $0x2;
	s13 =	sadd.s32 $0x80, s12;
	s14 =	sadd.s32 $0x100, s12  }
0x9: {  	s15 =	sadd.s32 $0x180, s12;
	s5 =	sadd.s32 s6, s5;
	s17 =	ssub.s32 s7, s9  }
0xa: {  	s7 =	sadd.s32 s19, s3;
	s20 =	sshll.u32 s13, $0x4;
	s21 =	sshll.u32 s14, $0x4  }
0xb: {  	s10 =	sshll.u32 s15, $0x4;
	s19 =	sshll.u32 s11, $0x4;
	s22 =	sshll.u32 s13, $0x7  }
0xc: {  	s14 =	sshll.u32 s14, $0x7;
	s15 =	sshll.u32 s15, $0x7;
	s5 =	sshrl.u32 s5, $0x3  }
0xd: {  	s8 =	sadd.s32 s20, s3;
	s9 =	sadd.s32 s21, s3;
	s10 =	sadd.s32 s10, s3  }
0xe: {  	s23 =	sor.u32 s19, s16;
	s24 =	sor.u32 s19, s22;
	s14 =	sor.u32 s19, s14  }
0xf: {  	s15 =	sor.u32 s19, s15;
	s17 =	smax.u32 s17, $0x1;
	s20 =	simm.s32 $0x3000  }
0x10: {  	s21 =	simm.s32 $0x80;
	s22 =	simm.s32 $0x100;
	s18 =	sadd.s32 s5, s1  }
0x11: {  	s5 =	sadd.s32 $0xD400, s1;
	s1 =	sadd.s32 $0xD600, s1;
	s25 =	sshrl.u32 s23, $0x3  }
0x12: {  	s26 =	sshrl.u32 s24, $0x3;
	s14 =	sshrl.u32 s14, $0x3;
	s15 =	sshrl.u32 s15, $0x3  }
0x13: {  	s23 =	simm.s32 $0x180;
	s24 =	simm.s32 $0x1;
	s6 =	sadd.s32 $0x3400, s18  }
0x14: {  	s18 =	sadd.s32 $0x200, s12;
	s13 =	sadd.s32 s1, s26;
	s14 =	sadd.s32 s1, s14  }
0x15: {  	s15 =	sadd.s32 s1, s15;
	s26 =	simm.s32 $0x3;
	s31 =	sshll.u32 s18, $0x7  }
0x16: {  	s12 =	sshll.u32 s18, $0x4;
	s18 =	simm.s32 $0x5;
	s16 =	sor.u32 s19, s31  }
0x17: {  	s11 =	sadd.s32 s12, s3;
	s12 =	sadd.s32 s1, s25;
	s16 =	sshrl.u32 s16, $0x3  }
0x18: {  	s19 =	simm.s32 $0x2800;
	s25 =	simm.s32 $0x2;
	s16 =	sadd.s32 s1, s16  }
.LBB2_1:
0x19: {  	[tilespmem:s4], [sflag:$0x5] =	stream.linear.gather [hbm4b:s6+s4], $0x2800, $0x38;
	[tilespmem:$0x6000] =	vst v63  }
0x1a: {  	_ =	swait.ge [sflag:s18], $0x2800  }
0x1b: {  	[sflag:s18] =	ssyncset.done $0x0  }
0x1c: {  	[sflag:s18] =	ssyncadd.s32 $0xFFFFD800  }
0x1d: {  	s1 =	rddreg [dreg:$0x1]  }
0x1e: {  	[tilespmem:s19], [sflag:$0x5] =	stream.linear.gather [hbm4b:s1+s4], $0x800, $0x38;
	[tilespmem:$0x6000] =	vst v63  }
0x1f: {  	_ =	swait.ge [sflag:s18], $0x800  }
0x20: {  	[sflag:s18] =	ssyncset.done $0x0  }
0x21: {  	[sflag:s18] =	ssyncadd.s32 $0xFFFFF800  }
0x22: {  	[tilespmem:s20], [sflag:$0x5] =	stream.linear.gather [hbm4b:s5+s4], $0x800, $0x38;
	[tilespmem:$0x6000] =	vst v63  }
0x23: {  	_ =	swait.ge [sflag:s18], $0x800  }
0x24: {  	[sflag:s18] =	ssyncset.done $0x0  }
0x25: {  	[sflag:s18] =	ssyncadd.s32 $0xFFFFF800  }
0x26: {  	[spmem:s7] =	stream.linear.scatter [tilespmem:s20], [sflag:$0x5], $0x800, $0x38;
	[tilespmem:$0x6000] =	vst v63  }
0x27: {  	_ =	swait.ge [sflag:s18], $0x800  }
0x28: {  	[sflag:s18] =	ssyncset.done $0x0  }
0x29: {  	[sflag:s18] =	ssyncadd.s32 $0xFFFFF800  }
0x2a: {  	[spmem:s8] =	stream.linear.scatter [tilespmem:s20], [sflag:$0x5], $0x800, $0x38;
	[tilespmem:$0x6000] =	vst v63  }
0x2b: {  	_ =	swait.ge [sflag:s18], $0x800  }
0x2c: {  	[sflag:s18] =	ssyncset.done $0x0  }
0x2d: {  	[sflag:s18] =	ssyncadd.s32 $0xFFFFF800  }
0x2e: {  	[spmem:s9] =	stream.linear.scatter [tilespmem:s20], [sflag:$0x5], $0x800, $0x38;
	[tilespmem:$0x6000] =	vst v63  }
0x2f: {  	_ =	swait.ge [sflag:s18], $0x800  }
0x30: {  	[sflag:s18] =	ssyncset.done $0x0  }
0x31: {  	[sflag:s18] =	ssyncadd.s32 $0xFFFFF800  }
0x32: {  	[spmem:s10] =	stream.linear.scatter [tilespmem:s20], [sflag:$0x5], $0x800, $0x38;
	[tilespmem:$0x6000] =	vst v63  }
0x33: {  	_ =	swait.ge [sflag:s18], $0x800  }
0x34: {  	[sflag:s18] =	ssyncset.done $0x0  }
0x35: {  	[sflag:s18] =	ssyncadd.s32 $0xFFFFF800  }
0x36: {  	[spmem:s11] =	stream.linear.scatter [tilespmem:s20], [sflag:$0x5], $0x800, $0x38;
	[tilespmem:$0x6000] =	vst v63  }
0x37: {  	_ =	swait.ge [sflag:s18], $0x800  }
0x38: {  	[sflag:s18] =	ssyncset.done $0x0  }
0x39: {  	[sflag:s18] =	ssyncadd.s32 $0xFFFFF800  }
0x3a: {  	[bflag:$0x0] =	sbarrier.arrive $0xFFFF  }
0x3b: {  	[spmem:s3] =	stream.indirect.scatter.add.f32 [tilespmem:s19], [sflag:$0x1], $0x10, s4, s21, $0xb8;
	[tilespmem:$0x6000] =	vst v63  }
0x3c: {  	_ = 	snop  }
0x3d: {  	[spmem:s3] =	stream.indirect.scatter.add.f32 [tilespmem:s19], [sflag:$0x2], $0x10, s21, s21, $0xb8;
	[tilespmem:$0x6000] =	vst v63  }
0x3e: {  	_ = 	snop  }
0x3f: {  	[spmem:s3] =	stream.indirect.scatter.add.f32 [tilespmem:s19], [sflag:$0x3], $0x10, s22, s21, $0xb8;
	[tilespmem:$0x6000] =	vst v63  }
0x40: {  	_ = 	snop  }
0x41: {  	[spmem:s3] =	stream.indirect.scatter.add.f32 [tilespmem:s19], [sflag:$0x4], $0x10, s23, s21, $0xb8;
	[tilespmem:$0x6000] =	vst v63  }
0x42: {  	_ =	swait.ge [sflag:s24], $0x800  }
0x43: {  	[sflag:s24] =	ssyncset.done $0x0  }
0x44: {  	s2 =	simm.s32 $0x200;
	[sflag:s24] =	ssyncadd.s32 $0xFFFFF800  }
0x45: {  	[spmem:s3] =	stream.indirect.scatter.add.f32 [tilespmem:s19], [sflag:$0x1], $0x10, s2, s21, $0xb8;
	[tilespmem:$0x6000] =	vst v63  }
0x46: {  	_ =	swait.ge [sflag:s25], $0x800  }
0x47: {  	[sflag:s25] =	ssyncset.done $0x0  }
0x48: {  	s2 =	simm.s32 $0x280;
	[sflag:s25] =	ssyncadd.s32 $0xFFFFF800  }
0x49: {  	[spmem:s3] =	stream.indirect.scatter.add.f32 [tilespmem:s19], [sflag:$0x2], $0x10, s2, s21, $0xb8;
	[tilespmem:$0x6000] =	vst v63  }
0x4a: {  	_ =	swait.ge [sflag:s26], $0x800  }
0x4b: {  	[sflag:s26] =	ssyncset.done $0x0  }
0x4c: {  	s2 =	simm.s32 $0x300;
	[sflag:s26] =	ssyncadd.s32 $0xFFFFF800  }
0x4d: {  	[spmem:s3] =	stream.indirect.scatter.add.f32 [tilespmem:s19], [sflag:$0x3], $0x10, s2, s21, $0xb8;
	[tilespmem:$0x6000] =	vst v63  }
0x4e: {  	_ =	swait.ge [sflag:s28], $0x800  }
0x4f: {  	[sflag:s28] =	ssyncset.done $0x0  }
0x50: {  	s31 =	simm.s32 $0xFFFF7000;
	s1 =	simm.s32 $0x380;
	[sflag:s28] =	ssyncadd.s32 $0xFFFFF800  }
.LBB2_2:
0x51: {  	[spmem:s3] =	stream.indirect.scatter.add.f32 [tilespmem:s19], [sflag:$0x4], $0x10, s1, s21, $0xb8;
	[tilespmem:$0x6000] =	vst v63  }
0x52: {  	s1 =	smov.u32 s31  }
0x53: {  	p0 =	sne.s32 s31, $0xFFFFF800;
	s31 =	sadd.s32 $0x800, s31;
	_ =	swait.ge [sflag:s24], $0x800  }
0x54: {  	s1 =	sshra.s32 s1, $0x2;
	[sflag:s24] =	ssyncset.done $0x0  }
0x55: {  	s2 =	sadd.s32 $0x2800, s1;
	[sflag:s24] =	ssyncadd.s32 $0xFFFFF800  }
0x56: {  	[spmem:s3] =	stream.indirect.scatter.add.f32 [tilespmem:s19], [sflag:$0x1], $0x10, s2, s21, $0xb8;
	[tilespmem:$0x6000] =	vst v63  }
0x57: {  	_ =	swait.ge [sflag:s25], $0x800  }
0x58: {  	[sflag:s25] =	ssyncset.done $0x0  }
0x59: {  	s2 =	sadd.s32 $0x2880, s1;
	[sflag:s25] =	ssyncadd.s32 $0xFFFFF800  }
0x5a: {  	[spmem:s3] =	stream.indirect.scatter.add.f32 [tilespmem:s19], [sflag:$0x2], $0x10, s2, s21, $0xb8;
	[tilespmem:$0x6000] =	vst v63  }
0x5b: {  	_ =	swait.ge [sflag:s26], $0x800  }
0x5c: {  	[sflag:s26] =	ssyncset.done $0x0  }
.Ltmp0:
0x5d: {  	s2 =	sadd.s32 $0x2900, s1;
	[sflag:s26] =	ssyncadd.s32 $0xFFFFF800;
	(pc) =	sbr.rel @p0 .LBB2_2-.Ltmp0, $4  }
0x5e: {  	[spmem:s3] =	stream.indirect.scatter.add.f32 [tilespmem:s19], [sflag:$0x3], $0x10, s2, s21, $0xb8;
	[tilespmem:$0x6000] =	vst v63  }
0x5f: {  	_ =	swait.ge [sflag:s28], $0x800  }
0x60: {  	[sflag:s28] =	ssyncset.done $0x0  }
0x61: {  	s1 =	sadd.s32 $0x2980, s1;
	[sflag:s28] =	ssyncadd.s32 $0xFFFFF800  }
0x62: {  	[spmem:s3] =	stream.indirect.scatter.add.f32 [tilespmem:s19], [sflag:$0x4], $0x10, s1, s21, $0xb8;
	[tilespmem:$0x6000] =	vst v63  }
0x63: {  	_ =	swait.ge [sflag:s24], $0x800  }
0x64: {  	[sflag:s24] =	ssyncset.done $0x0  }
0x65: {  	[sflag:s24] =	ssyncadd.s32 $0xFFFFF800  }
0x66: {  	_ =	swait.ge [sflag:s25], $0x800  }
0x67: {  	[sflag:s25] =	ssyncset.done $0x0  }
0x68: {  	[sflag:s25] =	ssyncadd.s32 $0xFFFFF800  }
0x69: {  	_ =	swait.ge [sflag:s26], $0x800  }
0x6a: {  	[sflag:s26] =	ssyncset.done $0x0  }
0x6b: {  	[sflag:s26] =	ssyncadd.s32 $0xFFFFF800  }
0x6c: {  	_ =	swait.ge [sflag:s28], $0x800  }
0x6d: {  	[sflag:s28] =	ssyncset.done $0x0  }
0x6e: {  	s2 =	sshll.u32 s0, $0x6;
	[sflag:s28] =	ssyncadd.s32 $0xFFFFF800  }
0x6f: {  	s1 =	sor.u32 $0x1C05, s2;
	s2 =	sshrl.u32 s7, $0x3;
	[bflag:$0x0] =	sbarrier.arrive $0xFFFF  }
0x70: {  	[hbm:s12@s29], [sflag:s1] =	dma.strided [spmem:s2@s25], $0x100, s24, $0x2   }
0x71: {  	_ =	swait.ge [sflag:s18], $0x100  }
0x72: {  	[sflag:s18] =	ssyncset.done $0x0  }
0x73: {  	s31 =	sshrl.u32 s8, $0x3;
	[sflag:s18] =	ssyncadd.s32 $0xFFFFFF00  }
0x74: {  	[hbm:s13@s29], [sflag:s1] =	dma.strided [spmem:s31@s25], $0x100, s24, $0x2   }
0x75: {  	_ =	swait.ge [sflag:s18], $0x100  }
0x76: {  	[sflag:s18] =	ssyncset.done $0x0  }
0x77: {  	s31 =	sshrl.u32 s9, $0x3;
	[sflag:s18] =	ssyncadd.s32 $0xFFFFFF00  }
0x78: {  	[hbm:s14@s29], [sflag:s1] =	dma.strided [spmem:s31@s25], $0x100, s24, $0x2   }
0x79: {  	_ =	swait.ge [sflag:s18], $0x100  }
0x7a: {  	[sflag:s18] =	ssyncset.done $0x0  }
0x7b: {  	s31 =	sshrl.u32 s10, $0x3;
	[sflag:s18] =	ssyncadd.s32 $0xFFFFFF00  }
0x7c: {  	[hbm:s15@s29], [sflag:s1] =	dma.strided [spmem:s31@s25], $0x100, s24, $0x2   }
0x7d: {  	s30 =	sadd.s32 $0x1, s30;
	_ =	swait.ge [sflag:s18], $0x100  }
0x7e: {  	p0 =	sne.s32 s30, s17;
	[sflag:s18] =	ssyncset.done $0x0  }
.Ltmp1:
0x7f: {  	s31 =	sshrl.u32 s11, $0x3;
	[sflag:s18] =	ssyncadd.s32 $0xFFFFFF00;
	(pc) =	sbr.rel @p0 .LBB2_1-.Ltmp1, $4  }
0x80: {  	[hbm:s16@s29], [sflag:s1] =	dma.strided [spmem:s31@s25], $0x100, s24, $0x2   }
0x81: {  	_ =	swait.ge [sflag:s18], $0x100  }
0x82: {  	[sflag:s18] =	ssyncset.done $0x0  }
0x83: {  	[sflag:s18] =	ssyncadd.s32 $0xFFFFFF00  }
0x84: {  	_ =	sfence.sel $0x180000  }
0x85: {  	[bflag:$0x0] =	sbarrier.arrive $0xFFFF  }
0x86: {  	_ =	strace $0x90000047  }
0x87: {  	[bflag:$0x2] =	sbarrier.arrive $0xFFFF  }
0x88: {  	p0 =	sne.s32 s0, $0x0;
	s0 =	rddreg [dreg:$0x3]  }
0x89: {  	s0 =	sadd.s32 @!p0 $0x100000, s0  }
0x8a: {  	[sflag:s0] =	ssyncadd.tile.s32 @!p0 $0x1;
	_ =	shalt  }
.Lfunc_end2:
_tile_overlayer_lowered:
.L_overlay_start_2:
0x8b: {  	(tag) =	ssettag $0x2  }
0x8c: {  	s0 =	rddreg [dreg:$0x0];
	s2 =	stileid.u32  }
0x8d: {  	s1 =	rddreg [dreg:$0x1];
	p0 =	sne.s32 s2, $0x0  }
0x8e: {  	s3 =	rddreg [dreg:$0x2];
	[bflag:$0x3] =	sbarrier.arrive $0xFFFF;
	s2 =	simm.s32 @!p0 $0x1C05  }
0x8f: {  	[timem:s3], [sflag:s2] =	dma.local @!p0 [hbm:s0], s1  }
0x90: {  	s0 =	simm.s32 @!p0 $0x5  }
0x91: {  	_ =	swait.ge @!p0 [sflag:s0], s1  }
0x92: {  	s1 =	ssub.s32 @!p0 $0x0, s1;
	[sflag:s0] =	ssyncset.done @!p0 $0x0  }
0x93: {  	[sflag:s0] =	ssyncadd.s32 @!p0 s1  }
0x94: {  	[bflag:$0x3] =	sbarrier.arrive $0xFFFF  }
0x95: {  	_ =	shalt  }

</sc_bundles>
